<compile_context>
chip_gen: v7x
topology: tpu7x:2x2x1
jax: 0.10.2.dev20260603
libtpu: 0.0.44.dev20260713+nightly
codegen_flags: <defaults>
</compile_context>

<pallas_src>
import functools

import jax
import jax.numpy as jnp
from jax import lax
from jax.experimental import pallas as pl
from jax.experimental.pallas import tpu as pltpu
from jax.experimental.pallas import tpu_sc as plsc

_B, _N, _M = 8, 2048, 2048
_L = 16
_RB = 8
_BIG = 3.0e38

_SC_ROWS = 1024
_NB_TC = _B - 1
_WPB = 32
_RW = _SC_ROWS // _WPB



def _lane_min(v):
    vals = [v[l] for l in range(_L)]
    while len(vals) > 1:
        vals = [
            jnp.minimum(vals[2 * i], vals[2 * i + 1])
            for i in range(len(vals) // 2)
        ]
    return vals[0]


def _sc_body(p_hbm, g_hbm, d1_hbm, cm_hbm, g_v, p_v, cm_v, r_v, g2_v):
    c = lax.axis_index("c")
    s = lax.axis_index("s")
    wid = c * 16 + s
    b = wid // _WPB
    q = wid % _WPB
    pltpu.sync_copy(g_hbm.at[b], g_v)
    pltpu.sync_copy(p_hbm.at[b], p_v)
    row0 = q * _RW

    def init_cm(i, carry):
        o = i * _L
        cm_v[pl.ds(o, _L)] = jnp.full((_L,), _BIG, jnp.float32)
        gx = g_v[0, pl.ds(o, _L)]
        gy = g_v[1, pl.ds(o, _L)]
        gz = g_v[2, pl.ds(o, _L)]
        g2_v[pl.ds(o, _L)] = gx * gx + (gy * gy + gz * gz)
        return carry

    lax.fori_loop(0, _M // _L, init_cm, 0)

    lane = lax.iota(jnp.int32, _L)

    def row_block(rb, carry):
        base = row0 + rb * _L
        px = p_v[0, pl.ds(base, _L)]
        py = p_v[1, pl.ds(base, _L)]
        pz = p_v[2, pl.ds(base, _L)]
        p2 = px * px + (py * py + pz * pz)
        rowmins = jnp.full((_L,), 0.0, jnp.float32)
        for sub in range(_L // _RB):
            bx = []
            by = []
            bz = []
            bp = []
            for r in range(_RB):
                j = sub * _RB + r
                bx.append(jnp.full((_L,), -2.0 * px[j]))
                by.append(jnp.full((_L,), -2.0 * py[j]))
                bz.append(jnp.full((_L,), -2.0 * pz[j]))
                bp.append(jnp.full((_L,), p2[j]))

            def chunk(ci, accs):
                o = ci * _L
                gx = g_v[0, pl.ds(o, _L)]
                gy = g_v[1, pl.ds(o, _L)]
                gz = g_v[2, pl.ds(o, _L)]
                g2c = g2_v[pl.ds(o, _L)]
                dds = []
                for r in range(_RB):
                    dds.append(
                        bx[r] * gx + (by[r] * gy + (bz[r] * gz + (g2c + bp[r])))
                    )
                t = list(dds)
                while len(t) > 1:
                    t = [
                        jnp.minimum(t[2 * i], t[2 * i + 1])
                        for i in range(len(t) // 2)
                    ]
                cm_v[pl.ds(o, _L)] = jnp.minimum(cm_v[pl.ds(o, _L)], t[0])
                return tuple(
                    jnp.minimum(accs[r], dds[r]) for r in range(_RB)
                )

            accs = lax.fori_loop(
                0, _M // _L, chunk,
                tuple(jnp.full((_L,), _BIG, jnp.float32) for _ in range(_RB)),
                unroll=2,
            )
            for r in range(_RB):
                j = sub * _RB + r
                m = jnp.maximum(_lane_min(accs[r]), 0.0)
                rowmins = jnp.where(lane == j, m, rowmins)
        r_v[pl.ds(rb * _L, _L)] = rowmins
        return carry

    lax.fori_loop(0, _RW // _L, row_block, 0)

    pltpu.sync_copy(r_v, d1_hbm.at[b, pl.ds(q * _RW, _RW)])
    pltpu.sync_copy(cm_v, cm_hbm.at[b, q])


_sc_chamfer = functools.partial(
    pl.kernel,
    mesh=plsc.VectorSubcoreMesh(core_axis_name="c", subcore_axis_name="s"),
    out_type=[
        jax.ShapeDtypeStruct((1, _SC_ROWS), jnp.float32),
        jax.ShapeDtypeStruct((1, _WPB, _M), jnp.float32),
    ],
    scratch_types=[
        pltpu.VMEM((3, _M), jnp.float32),
        pltpu.VMEM((3, _N), jnp.float32),
        pltpu.VMEM((_M,), jnp.float32),
        pltpu.VMEM((_RW,), jnp.float32),
        pltpu.VMEM((_M,), jnp.float32),
    ],
)(_sc_body)


_RT = 2048
_NI = _N // _RT


def _tc_body(p_ref, g_ref, d1_ref, d2_ref):
    i = pl.program_id(1)
    rt = p_ref.shape[2]
    p = p_ref[0]
    g = g_ref[0]
    p2 = jnp.sum(p * p, axis=0, keepdims=True)
    g2 = jnp.sum(g * g, axis=0, keepdims=True)
    p2_hi = p2.astype(jnp.bfloat16).astype(jnp.float32)
    p2_lo = p2 - p2_hi
    g2_hi = g2.astype(jnp.bfloat16).astype(jnp.float32)
    g2_lo = g2 - g2_hi
    ones_p = jnp.ones_like(p2)
    ones_g = jnp.ones_like(g2)
    lhs = jnp.concatenate([p, p2_hi, p2_lo, ones_p, ones_p], axis=0)
    rhs = jnp.concatenate(
        [-2.0 * g, ones_g, ones_g, g2_hi, g2_lo], axis=0
    )
    _CS = 512
    part = None
    cols = []
    for k in range(_M // _CS):
        dk = jax.lax.dot_general(
            lhs, rhs[:, k * _CS:(k + 1) * _CS], (((0,), (0,)), ((), ())),
            preferred_element_type=jnp.float32,
        )
        cols.append(jnp.min(dk, axis=0))
        for j in range(_CS // 128):
            sl = dk[:, j * 128:(j + 1) * 128]
            part = sl if part is None else jnp.minimum(part, sl)
    d1_ref[0, 0] = jnp.maximum(jnp.min(part.T, axis=0), 0.0)
    colmin = jnp.concatenate(cols, axis=0)

    @pl.when(i == 0)
    def _():
        d2_ref[0, 0] = colmin

    @pl.when(i > 0)
    def _():
        d2_ref[0, 0] = jnp.minimum(d2_ref[0, 0], colmin)


def _tc_chamfer(p_t, g_t):
    return pl.pallas_call(
        _tc_body,
        grid=(_NB_TC, _NI),
        in_specs=[
            pl.BlockSpec((1, 3, _RT), lambda b, i: (b, 0, i)),
            pl.BlockSpec((1, 3, _M), lambda b, i: (b, 0, 0)),
        ],
        out_specs=[
            pl.BlockSpec((1, 1, _RT), lambda b, i: (b, 0, i)),
            pl.BlockSpec((1, 1, _M), lambda b, i: (b, 0, 0)),
        ],
        out_shape=[
            jax.ShapeDtypeStruct((_NB_TC, 1, _N), jnp.float32),
            jax.ShapeDtypeStruct((_NB_TC, 1, _M), jnp.float32),
        ],
    )(p_t, g_t)


def _tc_chamfer_b0(p_half, g0):
    return pl.pallas_call(
        _tc_body,
        grid=(1, 1),
        in_specs=[
            pl.BlockSpec((1, 3, _N - _SC_ROWS), lambda b, i: (b, 0, i)),
            pl.BlockSpec((1, 3, _M), lambda b, i: (b, 0, 0)),
        ],
        out_specs=[
            pl.BlockSpec((1, 1, _N - _SC_ROWS), lambda b, i: (b, 0, i)),
            pl.BlockSpec((1, 1, _M), lambda b, i: (b, 0, 0)),
        ],
        out_shape=[
            jax.ShapeDtypeStruct((1, 1, _N - _SC_ROWS), jnp.float32),
            jax.ShapeDtypeStruct((1, 1, _M), jnp.float32),
        ],
    )(p_half, g0)




def kernel(pred_points, gt_points):
    p_t = jnp.transpose(pred_points, (0, 2, 1))
    g_t = jnp.transpose(gt_points, (0, 2, 1))
    d1_sc, cm_sc = _sc_chamfer(p_t[:1], g_t[:1])
    d1_b0h, d2_b0h = _tc_chamfer_b0(p_t[:1, :, _SC_ROWS:], g_t[:1])
    d1_tc, d2_tc = _tc_chamfer(p_t[1:], g_t[1:])
    d2_b0 = jnp.maximum(
        jnp.minimum(jnp.min(cm_sc[0], axis=0), d2_b0h[0, 0]), 0.0
    )
    d1_b0 = jnp.concatenate([d1_sc[0], d1_b0h[0, 0]], axis=0)
    d1 = jnp.concatenate([d1_b0[None], d1_tc[:, 0, :]], axis=0)
    d2 = jnp.concatenate(
        [d2_b0[None], jnp.maximum(d2_tc[:, 0, :], 0.0)], axis=0
    )
    return jnp.mean(d1) + jnp.mean(d2)

# --- scband reference (transcript-rebuilt; emitter-appended) ---
"""Pipeline reference for scband-chamfer-loss-65051574665232 (READ-ONLY COPY).

The authoritative reference and input builder live on the scoring server;
editing this copy changes nothing except your own understanding.
"""

import jax, jax.numpy as jnp
import numpy as np


def setup_inputs(seed: int = 0) -> dict:
    key = jax.random.key(seed)
    k1, k2 = jax.random.split(key)
    pred_points = jax.random.normal(k1, (8, 2048, 3), dtype=jnp.float32)
    gt_points = jax.random.normal(k2, (8, 2048, 3), dtype=jnp.float32)
    return {"pred_points": pred_points, "gt_points": gt_points}


def _chamfer_distance(pred, gt):
    # pairwise squared distances via ||x||^2 + ||y||^2 - 2 x.y
    p2 = jnp.sum(pred * pred, axis=-1)  # [B, N]
    g2 = jnp.sum(gt * gt, axis=-1)      # [B, M]
    cross = jnp.einsum('bnd,bmd->bnm', pred, gt)  # [B, N, M]
    d = p2[:, :, None] + g2[:, None, :] - 2.0 * cross
    d = jnp.maximum(d, 0.0)
    dist1 = jnp.min(d, axis=2)  # [B, N] nearest gt for each pred point
    dist2 = jnp.min(d, axis=1)  # [B, M] nearest pred for each gt point
    return dist1, dist2


def reference(pred_points, gt_points):
    dist1, dist2 = _chamfer_distance(pred_points, gt_points)
    return jnp.mean(dist1) + jnp.mean(dist2)

if __name__ == "__main__":
    import jax
    _d = setup_inputs()
    print(jax.jit(kernel)(*tuple(_d.values())))

</pallas_src>

<mosaic_0001>
#map = affine_map<(d0, d1) -> (0, 0, 0)>
#map1 = affine_map<(d0, d1) -> (0, 0)>
module attributes {stable_mosaic.version = 14 : i64} {
  func.func @_sc_body(%arg0: i32, %arg1: i32, %arg2: memref<1x3x2048xf32, #tpu.memory_space<hbm>>, %arg3: memref<1x3x2048xf32, #tpu.memory_space<hbm>>, %arg4: memref<1x1024xf32, #tpu.memory_space<hbm>>, %arg5: memref<1x32x2048xf32, #tpu.memory_space<hbm>>, %arg6: memref<3x2048xf32, #tpu.memory_space<vmem>>, %arg7: memref<3x2048xf32, #tpu.memory_space<vmem>>, %arg8: memref<2048xf32, #tpu.memory_space<vmem>>, %arg9: memref<32xf32, #tpu.memory_space<vmem>>, %arg10: memref<2048xf32, #tpu.memory_space<vmem>>) attributes {dimension_semantics = [#tpu.dimension_semantics<core_parallel>, #tpu.dimension_semantics<subcore_parallel>], iteration_bounds = array<i64: 2, 16>, scalar_prefetch = 0 : i64, scratch_operands = 5 : i64, tpu.core_type = #tpu.core_type<sc_vector_subcore>, window_params = [{transform_indices = #map}, {transform_indices = #map}, {transform_indices = #map1}, {transform_indices = #map}]} {
    %mul3A = arith.constant 16 : i32
    %mul3A_0 = arith.muli %arg0, %mul3A : i32
    %add3A = arith.addi %mul3A_0, %arg1 : i32
    %jit3A = arith.constant 32 : i32
    %div3A = arith.divsi %add3A, %jit3A : i32
    %sign3A = arith.constant 0 : i32
    %sign3A_1 = arith.cmpi sgt, %add3A, %sign3A : i32
    %sign3A_2 = arith.extui %sign3A_1 : i1 to i32
    %sign3A_3 = arith.constant 0 : i32
    %sign3A_4 = arith.cmpi slt, %add3A, %sign3A_3 : i32
    %sign3A_5 = arith.extui %sign3A_4 : i1 to i32
    %sign3A_6 = arith.subi %sign3A_2, %sign3A_5 : i32
    %sign3A_7 = arith.constant 0 : i32
    %sign3A_8 = arith.cmpi sgt, %jit3A, %sign3A_7 : i32
    %sign3A_9 = arith.extui %sign3A_8 : i1 to i32
    %sign3A_10 = arith.constant 0 : i32
    %sign3A_11 = arith.cmpi slt, %jit3A, %sign3A_10 : i32
    %sign3A_12 = arith.extui %sign3A_11 : i1 to i32
    %sign3A_13 = arith.subi %sign3A_9, %sign3A_12 : i32
    %ne3A = arith.cmpi ne, %sign3A_6, %sign3A_13 : i32
    %rem3A = arith.remsi %add3A, %jit3A : i32
    %ne3A_14 = arith.constant 0 : i32
    %ne3A_15 = arith.cmpi ne, %rem3A, %ne3A_14 : i32
    %and3A = arith.andi %ne3A, %ne3A_15 : i1
    %sub3A = arith.constant 1 : i32
    %sub3A_16 = arith.subi %div3A, %sub3A : i32
    %select_n3A = arith.select %and3A, %sub3A_16, %div3A : i32
    %jit3A_17 = arith.constant 32 : i32
    %eq3A = arith.constant 0 : i32
    %eq3A_18 = arith.cmpi eq, %jit3A_17, %eq3A : i32
    %jit3A_19 = arith.constant 1 : i32
    %select_n3A_20 = arith.select %eq3A_18, %jit3A_19, %jit3A_17 : i32
    %rem3A_21 = arith.remsi %add3A, %select_n3A_20 : i32
    %ne3A_22 = arith.constant 0 : i32
    %ne3A_23 = arith.cmpi ne, %rem3A_21, %ne3A_22 : i32
    %lt3A = arith.constant 0 : i32
    %lt3A_24 = arith.cmpi slt, %rem3A_21, %lt3A : i32
    %lt3A_25 = arith.constant 0 : i32
    %lt3A_26 = arith.cmpi slt, %select_n3A_20, %lt3A_25 : i32
    %ne3A_27 = arith.xori %lt3A_24, %lt3A_26 : i1
    %and3A_28 = arith.andi %ne3A_27, %ne3A_23 : i1
    %add3A_29 = arith.addi %rem3A_21, %select_n3A_20 : i32
    %select_n3A_30 = arith.select %and3A_28, %add3A_29, %rem3A_21 : i32
    "tpu.region"() ({
      %run_scoped3A = tpu.sem_alloc : memref<!tpu.dma_semaphore, #tpu.memory_space<semaphore_mem>>
      %dma_start3A = arith.constant 0 : i32
      %dma_start3A_46 = arith.constant 0 : i32
      %dma_start3A_47 = tpu.memref_slice %arg3[%select_n3A, %dma_start3A, %dma_start3A_46] : memref<1x3x2048xf32, #tpu.memory_space<hbm>> -> memref<1x3x2048xf32, #tpu.memory_space<hbm>>
      %dma_start3A_48 = tpu.memref_squeeze %dma_start3A_47 : memref<1x3x2048xf32, #tpu.memory_space<hbm>> -> memref<3x2048xf32, #tpu.memory_space<hbm>>
      %dma_start3A_49 = arith.constant 0 : i32
      %dma_start3A_50 = arith.constant 0 : i32
      %dma_start3A_51 = tpu.memref_slice %arg3[%select_n3A, %dma_start3A_49, %dma_start3A_50] : memref<1x3x2048xf32, #tpu.memory_space<hbm>> -> memref<1x3x2048xf32, #tpu.memory_space<hbm>>
      %dma_start3A_52 = tpu.memref_squeeze %dma_start3A_51 : memref<1x3x2048xf32, #tpu.memory_space<hbm>> -> memref<3x2048xf32, #tpu.memory_space<hbm>>
      tpu.enqueue_dma source(%dma_start3A_52 : memref<3x2048xf32, #tpu.memory_space<hbm>>) target(%arg6 : memref<3x2048xf32, #tpu.memory_space<vmem>>) target_semaphore(%run_scoped3A : memref<!tpu.dma_semaphore, #tpu.memory_space<semaphore_mem>>)
      %dma_wait3A = arith.constant 0 : i32
      %dma_wait3A_53 = arith.constant 0 : i32
      %dma_wait3A_54 = tpu.memref_slice %arg3[%select_n3A, %dma_wait3A, %dma_wait3A_53] : memref<1x3x2048xf32, #tpu.memory_space<hbm>> -> memref<1x3x2048xf32, #tpu.memory_space<hbm>>
      %dma_wait3A_55 = tpu.memref_squeeze %dma_wait3A_54 : memref<1x3x2048xf32, #tpu.memory_space<hbm>> -> memref<3x2048xf32, #tpu.memory_space<hbm>>
      %dma_wait3A_56 = arith.constant 0 : i32
      %dma_wait3A_57 = arith.constant 0 : i32
      %dma_wait3A_58 = tpu.memref_slice %arg3[%select_n3A, %dma_wait3A_56, %dma_wait3A_57] : memref<1x3x2048xf32, #tpu.memory_space<hbm>> -> memref<1x3x2048xf32, #tpu.memory_space<hbm>>
      %dma_wait3A_59 = tpu.memref_squeeze %dma_wait3A_58 : memref<1x3x2048xf32, #tpu.memory_space<hbm>> -> memref<3x2048xf32, #tpu.memory_space<hbm>>
      tpu.wait_dma2 semaphore(%run_scoped3A : memref<!tpu.dma_semaphore, #tpu.memory_space<semaphore_mem>>) src(%dma_wait3A_59 : memref<3x2048xf32, #tpu.memory_space<hbm>>) dst(%arg6 : memref<3x2048xf32, #tpu.memory_space<vmem>>)
      tpu.yield
    }) : () -> ()
    "tpu.region"() ({
      %run_scoped3A = tpu.sem_alloc : memref<!tpu.dma_semaphore, #tpu.memory_space<semaphore_mem>>
      %dma_start3A = arith.constant 0 : i32
      %dma_start3A_46 = arith.constant 0 : i32
      %dma_start3A_47 = tpu.memref_slice %arg2[%select_n3A, %dma_start3A, %dma_start3A_46] : memref<1x3x2048xf32, #tpu.memory_space<hbm>> -> memref<1x3x2048xf32, #tpu.memory_space<hbm>>
      %dma_start3A_48 = tpu.memref_squeeze %dma_start3A_47 : memref<1x3x2048xf32, #tpu.memory_space<hbm>> -> memref<3x2048xf32, #tpu.memory_space<hbm>>
      %dma_start3A_49 = arith.constant 0 : i32
      %dma_start3A_50 = arith.constant 0 : i32
      %dma_start3A_51 = tpu.memref_slice %arg2[%select_n3A, %dma_start3A_49, %dma_start3A_50] : memref<1x3x2048xf32, #tpu.memory_space<hbm>> -> memref<1x3x2048xf32, #tpu.memory_space<hbm>>
      %dma_start3A_52 = tpu.memref_squeeze %dma_start3A_51 : memref<1x3x2048xf32, #tpu.memory_space<hbm>> -> memref<3x2048xf32, #tpu.memory_space<hbm>>
      tpu.enqueue_dma source(%dma_start3A_52 : memref<3x2048xf32, #tpu.memory_space<hbm>>) target(%arg7 : memref<3x2048xf32, #tpu.memory_space<vmem>>) target_semaphore(%run_scoped3A : memref<!tpu.dma_semaphore, #tpu.memory_space<semaphore_mem>>)
      %dma_wait3A = arith.constant 0 : i32
      %dma_wait3A_53 = arith.constant 0 : i32
      %dma_wait3A_54 = tpu.memref_slice %arg2[%select_n3A, %dma_wait3A, %dma_wait3A_53] : memref<1x3x2048xf32, #tpu.memory_space<hbm>> -> memref<1x3x2048xf32, #tpu.memory_space<hbm>>
      %dma_wait3A_55 = tpu.memref_squeeze %dma_wait3A_54 : memref<1x3x2048xf32, #tpu.memory_space<hbm>> -> memref<3x2048xf32, #tpu.memory_space<hbm>>
      %dma_wait3A_56 = arith.constant 0 : i32
      %dma_wait3A_57 = arith.constant 0 : i32
      %dma_wait3A_58 = tpu.memref_slice %arg2[%select_n3A, %dma_wait3A_56, %dma_wait3A_57] : memref<1x3x2048xf32, #tpu.memory_space<hbm>> -> memref<1x3x2048xf32, #tpu.memory_space<hbm>>
      %dma_wait3A_59 = tpu.memref_squeeze %dma_wait3A_58 : memref<1x3x2048xf32, #tpu.memory_space<hbm>> -> memref<3x2048xf32, #tpu.memory_space<hbm>>
      tpu.wait_dma2 semaphore(%run_scoped3A : memref<!tpu.dma_semaphore, #tpu.memory_space<semaphore_mem>>) src(%dma_wait3A_59 : memref<3x2048xf32, #tpu.memory_space<hbm>>) dst(%arg7 : memref<3x2048xf32, #tpu.memory_space<vmem>>)
      tpu.yield
    }) : () -> ()
    %mul3A_31 = arith.constant 32 : i32
    %mul3A_32 = arith.muli %select_n3A_30, %mul3A_31 : i32
    %scan3A = arith.constant 0 : i32
    %scan3A_33 = arith.constant 0 : i32
    %scan3A_34 = arith.constant 128 : i32
    %scan3A_35 = arith.addi %scan3A_33, %scan3A_34 : i32
    %scan3A_36 = arith.constant 1 : i32
    scf.for %scan3A_46 = %scan3A_33 to %scan3A_35 step %scan3A_36  : i32 {
      %mul3A_47 = arith.constant 16 : i32
      %mul3A_48 = arith.muli %scan3A_46, %mul3A_47 : i32
      %broadcast_in_dim3A = arith.constant 3.000000e+38 : f32
      %broadcast_in_dim3A_49 = vector.broadcast %broadcast_in_dim3A : f32 to vector<16xf32>
      %swap3A = arith.index_cast %mul3A_48 : i32 to index
      %swap3A_50 = tpu.vector_load %arg8[%swap3A] {strides = array<i32>} : memref<2048xf32, #tpu.memory_space<vmem>>, vector<16xf32>,
      %swap3A_51 = vector.shape_cast %swap3A_50 : vector<16xf32> to vector<16xf32>
      %swap3A_52 = vector.shape_cast %broadcast_in_dim3A_49 : vector<16xf32> to vector<16xf32>
      tpu.vector_store %arg8[%swap3A], %swap3A_52 {strides = array<i32>} : memref<2048xf32, #tpu.memory_space<vmem>>, vector<16xf32>,
      %get3A = arith.constant 0 : i32
      %get3A_53 = arith.index_cast %get3A : i32 to index
      %get3A_54 = arith.index_cast %mul3A_48 : i32 to index
      %get3A_55 = tpu.vector_load %arg6[%get3A_53, %get3A_54] {strides = array<i32>} : memref<3x2048xf32, #tpu.memory_space<vmem>>, vector<1x16xf32>,
      %get3A_56 = vector.shape_cast %get3A_55 : vector<1x16xf32> to vector<16xf32>
      %get3A_57 = arith.constant 1 : i32
      %get3A_58 = arith.index_cast %get3A_57 : i32 to index
      %get3A_59 = arith.index_cast %mul3A_48 : i32 to index
      %get3A_60 = tpu.vector_load %arg6[%get3A_58, %get3A_59] {strides = array<i32>} : memref<3x2048xf32, #tpu.memory_space<vmem>>, vector<1x16xf32>,
      %get3A_61 = vector.shape_cast %get3A_60 : vector<1x16xf32> to vector<16xf32>
      %get3A_62 = arith.constant 2 : i32
      %get3A_63 = arith.index_cast %get3A_62 : i32 to index
      %get3A_64 = arith.index_cast %mul3A_48 : i32 to index
      %get3A_65 = tpu.vector_load %arg6[%get3A_63, %get3A_64] {strides = array<i32>} : memref<3x2048xf32, #tpu.memory_space<vmem>>, vector<1x16xf32>,
      %get3A_66 = vector.shape_cast %get3A_65 : vector<1x16xf32> to vector<16xf32>
      %mul3A_67 = arith.mulf %get3A_56, %get3A_56 : vector<16xf32>
      %mul3A_68 = arith.mulf %get3A_61, %get3A_61 : vector<16xf32>
      %mul3A_69 = arith.mulf %get3A_66, %get3A_66 : vector<16xf32>
      %add3A_70 = arith.addf %mul3A_68, %mul3A_69 : vector<16xf32>
      %add3A_71 = arith.addf %mul3A_67, %add3A_70 : vector<16xf32>
      %swap3A_72 = arith.index_cast %mul3A_48 : i32 to index
      %swap3A_73 = tpu.vector_load %arg10[%swap3A_72] {strides = array<i32>} : memref<2048xf32, #tpu.memory_space<vmem>>, vector<16xf32>,
      %swap3A_74 = vector.shape_cast %swap3A_73 : vector<16xf32> to vector<16xf32>
      %swap3A_75 = vector.shape_cast %add3A_71 : vector<16xf32> to vector<16xf32>
      tpu.vector_store %arg10[%swap3A_72], %swap3A_75 {strides = array<i32>} : memref<2048xf32, #tpu.memory_space<vmem>>, vector<16xf32>,
    }
    %scan3A_37 = arith.constant 128 : i32
    %iota3A = tpu.iota {dimensions = array<i32: 0>} : vector<16xi32>
    %scan3A_38 = arith.constant 0 : i32
    %scan3A_39 = arith.constant 0 : i32
    %scan3A_40 = arith.constant 2 : i32
    %scan3A_41 = arith.addi %scan3A_39, %scan3A_40 : i32
    %scan3A_42 = arith.constant 1 : i32
    scf.for %scan3A_46 = %scan3A_39 to %scan3A_41 step %scan3A_42  : i32 {
      %mul3A_47 = arith.constant 16 : i32
      %mul3A_48 = arith.muli %scan3A_46, %mul3A_47 : i32
      %add3A_49 = arith.addi %mul3A_32, %mul3A_48 : i32
      %get3A = arith.constant 0 : i32
      %get3A_50 = arith.index_cast %get3A : i32 to index
      %get3A_51 = arith.index_cast %add3A_49 : i32 to index
      %get3A_52 = tpu.vector_load %arg7[%get3A_50, %get3A_51] {strides = array<i32>} : memref<3x2048xf32, #tpu.memory_space<vmem>>, vector<1x16xf32>,
      %get3A_53 = vector.shape_cast %get3A_52 : vector<1x16xf32> to vector<16xf32>
      %get3A_54 = arith.constant 1 : i32
      %get3A_55 = arith.index_cast %get3A_54 : i32 to index
      %get3A_56 = arith.index_cast %add3A_49 : i32 to index
      %get3A_57 = tpu.vector_load %arg7[%get3A_55, %get3A_56] {strides = array<i32>} : memref<3x2048xf32, #tpu.memory_space<vmem>>, vector<1x16xf32>,
      %get3A_58 = vector.shape_cast %get3A_57 : vector<1x16xf32> to vector<16xf32>
      %get3A_59 = arith.constant 2 : i32
      %get3A_60 = arith.index_cast %get3A_59 : i32 to index
      %get3A_61 = arith.index_cast %add3A_49 : i32 to index
      %get3A_62 = tpu.vector_load %arg7[%get3A_60, %get3A_61] {strides = array<i32>} : memref<3x2048xf32, #tpu.memory_space<vmem>>, vector<1x16xf32>,
      %get3A_63 = vector.shape_cast %get3A_62 : vector<1x16xf32> to vector<16xf32>
      %mul3A_64 = arith.mulf %get3A_53, %get3A_53 : vector<16xf32>
      %mul3A_65 = arith.mulf %get3A_58, %get3A_58 : vector<16xf32>
      %mul3A_66 = arith.mulf %get3A_63, %get3A_63 : vector<16xf32>
      %add3A_67 = arith.addf %mul3A_65, %mul3A_66 : vector<16xf32>
      %add3A_68 = arith.addf %mul3A_64, %add3A_67 : vector<16xf32>
      %broadcast_in_dim3A = arith.constant 0.000000e+00 : f32
      %broadcast_in_dim3A_69 = vector.broadcast %broadcast_in_dim3A : f32 to vector<16xf32>
      %slice3A = vector.extract_strided_slice %get3A_53 {offsets = [0], sizes = [1], strides = [1]} : vector<16xf32> to vector<1xf32>
      %squeeze3A = vector.extract %slice3A[0] : f32 from vector<1xf32>
      %mul3A_70 = arith.constant -2.000000e+00 : f32
      %mul3A_71 = arith.mulf %mul3A_70, %squeeze3A : f32
      %broadcast_in_dim3A_72 = vector.broadcast %mul3A_71 : f32 to vector<16xf32>
      %slice3A_73 = vector.extract_strided_slice %get3A_58 {offsets = [0], sizes = [1], strides = [1]} : vector<16xf32> to vector<1xf32>
      %squeeze3A_74 = vector.extract %slice3A_73[0] : f32 from vector<1xf32>
      %mul3A_75 = arith.constant -2.000000e+00 : f32
      %mul3A_76 = arith.mulf %mul3A_75, %squeeze3A_74 : f32
      %broadcast_in_dim3A_77 = vector.broadcast %mul3A_76 : f32 to vector<16xf32>
      %slice3A_78 = vector.extract_strided_slice %get3A_63 {offsets = [0], sizes = [1], strides = [1]} : vector<16xf32> to vector<1xf32>
      %squeeze3A_79 = vector.extract %slice3A_78[0] : f32 from vector<1xf32>
      %mul3A_80 = arith.constant -2.000000e+00 : f32
      %mul3A_81 = arith.mulf %mul3A_80, %squeeze3A_79 : f32
      %broadcast_in_dim3A_82 = vector.broadcast %mul3A_81 : f32 to vector<16xf32>
      %slice3A_83 = vector.extract_strided_slice %add3A_68 {offsets = [0], sizes = [1], strides = [1]} : vector<16xf32> to vector<1xf32>
      %squeeze3A_84 = vector.extract %slice3A_83[0] : f32 from vector<1xf32>
      %broadcast_in_dim3A_85 = vector.broadcast %squeeze3A_84 : f32 to vector<16xf32>
      %slice3A_86 = vector.extract_strided_slice %get3A_53 {offsets = [1], sizes = [1], strides = [1]} : vector<16xf32> to vector<1xf32>
      %squeeze3A_87 = vector.extract %slice3A_86[0] : f32 from vector<1xf32>
      %mul3A_88 = arith.constant -2.000000e+00 : f32
      %mul3A_89 = arith.mulf %mul3A_88, %squeeze3A_87 : f32
      %broadcast_in_dim3A_90 = vector.broadcast %mul3A_89 : f32 to vector<16xf32>
      %slice3A_91 = vector.extract_strided_slice %get3A_58 {offsets = [1], sizes = [1], strides = [1]} : vector<16xf32> to vector<1xf32>
      %squeeze3A_92 = vector.extract %slice3A_91[0] : f32 from vector<1xf32>
      %mul3A_93 = arith.constant -2.000000e+00 : f32
      %mul3A_94 = arith.mulf %mul3A_93, %squeeze3A_92 : f32
      %broadcast_in_dim3A_95 = vector.broadcast %mul3A_94 : f32 to vector<16xf32>
      %slice3A_96 = vector.extract_strided_slice %get3A_63 {offsets = [1], sizes = [1], strides = [1]} : vector<16xf32> to vector<1xf32>
      %squeeze3A_97 = vector.extract %slice3A_96[0] : f32 from vector<1xf32>
      %mul3A_98 = arith.constant -2.000000e+00 : f32
      %mul3A_99 = arith.mulf %mul3A_98, %squeeze3A_97 : f32
      %broadcast_in_dim3A_100 = vector.broadcast %mul3A_99 : f32 to vector<16xf32>
      %slice3A_101 = vector.extract_strided_slice %add3A_68 {offsets = [1], sizes = [1], strides = [1]} : vector<16xf32> to vector<1xf32>
      %squeeze3A_102 = vector.extract %slice3A_101[0] : f32 from vector<1xf32>
      %broadcast_in_dim3A_103 = vector.broadcast %squeeze3A_102 : f32 to vector<16xf32>
      %slice3A_104 = vector.extract_strided_slice %get3A_53 {offsets = [2], sizes = [1], strides = [1]} : vector<16xf32> to vector<1xf32>
      %squeeze3A_105 = vector.extract %slice3A_104[0] : f32 from vector<1xf32>
      %mul3A_106 = arith.constant -2.000000e+00 : f32
      %mul3A_107 = arith.mulf %mul3A_106, %squeeze3A_105 : f32
      %broadcast_in_dim3A_108 = vector.broadcast %mul3A_107 : f32 to vector<16xf32>
      %slice3A_109 = vector.extract_strided_slice %get3A_58 {offsets = [2], sizes = [1], strides = [1]} : vector<16xf32> to vector<1xf32>
      %squeeze3A_110 = vector.extract %slice3A_109[0] : f32 from vector<1xf32>
      %mul3A_111 = arith.constant -2.000000e+00 : f32
      %mul3A_112 = arith.mulf %mul3A_111, %squeeze3A_110 : f32
      %broadcast_in_dim3A_113 = vector.broadcast %mul3A_112 : f32 to vector<16xf32>
      %slice3A_114 = vector.extract_strided_slice %get3A_63 {offsets = [2], sizes = [1], strides = [1]} : vector<16xf32> to vector<1xf32>
      %squeeze3A_115 = vector.extract %slice3A_114[0] : f32 from vector<1xf32>
      %mul3A_116 = arith.constant -2.000000e+00 : f32
      %mul3A_117 = arith.mulf %mul3A_116, %squeeze3A_115 : f32
      %broadcast_in_dim3A_118 = vector.broadcast %mul3A_117 : f32 to vector<16xf32>
      %slice3A_119 = vector.extract_strided_slice %add3A_68 {offsets = [2], sizes = [1], strides = [1]} : vector<16xf32> to vector<1xf32>
      %squeeze3A_120 = vector.extract %slice3A_119[0] : f32 from vector<1xf32>
      %broadcast_in_dim3A_121 = vector.broadcast %squeeze3A_120 : f32 to vector<16xf32>
      %slice3A_122 = vector.extract_strided_slice %get3A_53 {offsets = [3], sizes = [1], strides = [1]} : vector<16xf32> to vector<1xf32>
      %squeeze3A_123 = vector.extract %slice3A_122[0] : f32 from vector<1xf32>
      %mul3A_124 = arith.constant -2.000000e+00 : f32
      %mul3A_125 = arith.mulf %mul3A_124, %squeeze3A_123 : f32
      %broadcast_in_dim3A_126 = vector.broadcast %mul3A_125 : f32 to vector<16xf32>
      %slice3A_127 = vector.extract_strided_slice %get3A_58 {offsets = [3], sizes = [1], strides = [1]} : vector<16xf32> to vector<1xf32>
      %squeeze3A_128 = vector.extract %slice3A_127[0] : f32 from vector<1xf32>
      %mul3A_129 = arith.constant -2.000000e+00 : f32
      %mul3A_130 = arith.mulf %mul3A_129, %squeeze3A_128 : f32
      %broadcast_in_dim3A_131 = vector.broadcast %mul3A_130 : f32 to vector<16xf32>
      %slice3A_132 = vector.extract_strided_slice %get3A_63 {offsets = [3], sizes = [1], strides = [1]} : vector<16xf32> to vector<1xf32>
      %squeeze3A_133 = vector.extract %slice3A_132[0] : f32 from vector<1xf32>
      %mul3A_134 = arith.constant -2.000000e+00 : f32
      %mul3A_135 = arith.mulf %mul3A_134, %squeeze3A_133 : f32
      %broadcast_in_dim3A_136 = vector.broadcast %mul3A_135 : f32 to vector<16xf32>
      %slice3A_137 = vector.extract_strided_slice %add3A_68 {offsets = [3], sizes = [1], strides = [1]} : vector<16xf32> to vector<1xf32>
      %squeeze3A_138 = vector.extract %slice3A_137[0] : f32 from vector<1xf32>
      %broadcast_in_dim3A_139 = vector.broadcast %squeeze3A_138 : f32 to vector<16xf32>
      %slice3A_140 = vector.extract_strided_slice %get3A_53 {offsets = [4], sizes = [1], strides = [1]} : vector<16xf32> to vector<1xf32>
      %squeeze3A_141 = vector.extract %slice3A_140[0] : f32 from vector<1xf32>
      %mul3A_142 = arith.constant -2.000000e+00 : f32
      %mul3A_143 = arith.mulf %mul3A_142, %squeeze3A_141 : f32
      %broadcast_in_dim3A_144 = vector.broadcast %mul3A_143 : f32 to vector<16xf32>
      %slice3A_145 = vector.extract_strided_slice %get3A_58 {offsets = [4], sizes = [1], strides = [1]} : vector<16xf32> to vector<1xf32>
      %squeeze3A_146 = vector.extract %slice3A_145[0] : f32 from vector<1xf32>
      %mul3A_147 = arith.constant -2.000000e+00 : f32
      %mul3A_148 = arith.mulf %mul3A_147, %squeeze3A_146 : f32
      %broadcast_in_dim3A_149 = vector.broadcast %mul3A_148 : f32 to vector<16xf32>
      %slice3A_150 = vector.extract_strided_slice %get3A_63 {offsets = [4], sizes = [1], strides = [1]} : vector<16xf32> to vector<1xf32>
      %squeeze3A_151 = vector.extract %slice3A_150[0] : f32 from vector<1xf32>
      %mul3A_152 = arith.constant -2.000000e+00 : f32
      %mul3A_153 = arith.mulf %mul3A_152, %squeeze3A_151 : f32
      %broadcast_in_dim3A_154 = vector.broadcast %mul3A_153 : f32 to vector<16xf32>
      %slice3A_155 = vector.extract_strided_slice %add3A_68 {offsets = [4], sizes = [1], strides = [1]} : vector<16xf32> to vector<1xf32>
      %squeeze3A_156 = vector.extract %slice3A_155[0] : f32 from vector<1xf32>
      %broadcast_in_dim3A_157 = vector.broadcast %squeeze3A_156 : f32 to vector<16xf32>
      %slice3A_158 = vector.extract_strided_slice %get3A_53 {offsets = [5], sizes = [1], strides = [1]} : vector<16xf32> to vector<1xf32>
      %squeeze3A_159 = vector.extract %slice3A_158[0] : f32 from vector<1xf32>
      %mul3A_160 = arith.constant -2.000000e+00 : f32
      %mul3A_161 = arith.mulf %mul3A_160, %squeeze3A_159 : f32
      %broadcast_in_dim3A_162 = vector.broadcast %mul3A_161 : f32 to vector<16xf32>
      %slice3A_163 = vector.extract_strided_slice %get3A_58 {offsets = [5], sizes = [1], strides = [1]} : vector<16xf32> to vector<1xf32>
      %squeeze3A_164 = vector.extract %slice3A_163[0] : f32 from vector<1xf32>
      %mul3A_165 = arith.constant -2.000000e+00 : f32
      %mul3A_166 = arith.mulf %mul3A_165, %squeeze3A_164 : f32
      %broadcast_in_dim3A_167 = vector.broadcast %mul3A_166 : f32 to vector<16xf32>
      %slice3A_168 = vector.extract_strided_slice %get3A_63 {offsets = [5], sizes = [1], strides = [1]} : vector<16xf32> to vector<1xf32>
      %squeeze3A_169 = vector.extract %slice3A_168[0] : f32 from vector<1xf32>
      %mul3A_170 = arith.constant -2.000000e+00 : f32
      %mul3A_171 = arith.mulf %mul3A_170, %squeeze3A_169 : f32
      %broadcast_in_dim3A_172 = vector.broadcast %mul3A_171 : f32 to vector<16xf32>
      %slice3A_173 = vector.extract_strided_slice %add3A_68 {offsets = [5], sizes = [1], strides = [1]} : vector<16xf32> to vector<1xf32>
      %squeeze3A_174 = vector.extract %slice3A_173[0] : f32 from vector<1xf32>
      %broadcast_in_dim3A_175 = vector.broadcast %squeeze3A_174 : f32 to vector<16xf32>
      %slice3A_176 = vector.extract_strided_slice %get3A_53 {offsets = [6], sizes = [1], strides = [1]} : vector<16xf32> to vector<1xf32>
      %squeeze3A_177 = vector.extract %slice3A_176[0] : f32 from vector<1xf32>
      %mul3A_178 = arith.constant -2.000000e+00 : f32
      %mul3A_179 = arith.mulf %mul3A_178, %squeeze3A_177 : f32
      %broadcast_in_dim3A_180 = vector.broadcast %mul3A_179 : f32 to vector<16xf32>
      %slice3A_181 = vector.extract_strided_slice %get3A_58 {offsets = [6], sizes = [1], strides = [1]} : vector<16xf32> to vector<1xf32>
      %squeeze3A_182 = vector.extract %slice3A_181[0] : f32 from vector<1xf32>
      %mul3A_183 = arith.constant -2.000000e+00 : f32
      %mul3A_184 = arith.mulf %mul3A_183, %squeeze3A_182 : f32
      %broadcast_in_dim3A_185 = vector.broadcast %mul3A_184 : f32 to vector<16xf32>
      %slice3A_186 = vector.extract_strided_slice %get3A_63 {offsets = [6], sizes = [1], strides = [1]} : vector<16xf32> to vector<1xf32>
      %squeeze3A_187 = vector.extract %slice3A_186[0] : f32 from vector<1xf32>
      %mul3A_188 = arith.constant -2.000000e+00 : f32
      %mul3A_189 = arith.mulf %mul3A_188, %squeeze3A_187 : f32
      %broadcast_in_dim3A_190 = vector.broadcast %mul3A_189 : f32 to vector<16xf32>
      %slice3A_191 = vector.extract_strided_slice %add3A_68 {offsets = [6], sizes = [1], strides = [1]} : vector<16xf32> to vector<1xf32>
      %squeeze3A_192 = vector.extract %slice3A_191[0] : f32 from vector<1xf32>
      %broadcast_in_dim3A_193 = vector.broadcast %squeeze3A_192 : f32 to vector<16xf32>
      %slice3A_194 = vector.extract_strided_slice %get3A_53 {offsets = [7], sizes = [1], strides = [1]} : vector<16xf32> to vector<1xf32>
      %squeeze3A_195 = vector.extract %slice3A_194[0] : f32 from vector<1xf32>
      %mul3A_196 = arith.constant -2.000000e+00 : f32
      %mul3A_197 = arith.mulf %mul3A_196, %squeeze3A_195 : f32
      %broadcast_in_dim3A_198 = vector.broadcast %mul3A_197 : f32 to vector<16xf32>
      %slice3A_199 = vector.extract_strided_slice %get3A_58 {offsets = [7], sizes = [1], strides = [1]} : vector<16xf32> to vector<1xf32>
      %squeeze3A_200 = vector.extract %slice3A_199[0] : f32 from vector<1xf32>
      %mul3A_201 = arith.constant -2.000000e+00 : f32
      %mul3A_202 = arith.mulf %mul3A_201, %squeeze3A_200 : f32
      %broadcast_in_dim3A_203 = vector.broadcast %mul3A_202 : f32 to vector<16xf32>
      %slice3A_204 = vector.extract_strided_slice %get3A_63 {offsets = [7], sizes = [1], strides = [1]} : vector<16xf32> to vector<1xf32>
      %squeeze3A_205 = vector.extract %slice3A_204[0] : f32 from vector<1xf32>
      %mul3A_206 = arith.constant -2.000000e+00 : f32
      %mul3A_207 = arith.mulf %mul3A_206, %squeeze3A_205 : f32
      %broadcast_in_dim3A_208 = vector.broadcast %mul3A_207 : f32 to vector<16xf32>
      %slice3A_209 = vector.extract_strided_slice %add3A_68 {offsets = [7], sizes = [1], strides = [1]} : vector<16xf32> to vector<1xf32>
      %squeeze3A_210 = vector.extract %slice3A_209[0] : f32 from vector<1xf32>
      %broadcast_in_dim3A_211 = vector.broadcast %squeeze3A_210 : f32 to vector<16xf32>
      %broadcast_in_dim3A_212 = arith.constant 3.000000e+38 : f32
      %broadcast_in_dim3A_213 = vector.broadcast %broadcast_in_dim3A_212 : f32 to vector<16xf32>
      %broadcast_in_dim3A_214 = arith.constant 3.000000e+38 : f32
      %broadcast_in_dim3A_215 = vector.broadcast %broadcast_in_dim3A_214 : f32 to vector<16xf32>
      %broadcast_in_dim3A_216 = arith.constant 3.000000e+38 : f32
      %broadcast_in_dim3A_217 = vector.broadcast %broadcast_in_dim3A_216 : f32 to vector<16xf32>
      %broadcast_in_dim3A_218 = arith.constant 3.000000e+38 : f32
      %broadcast_in_dim3A_219 = vector.broadcast %broadcast_in_dim3A_218 : f32 to vector<16xf32>
      %broadcast_in_dim3A_220 = arith.constant 3.000000e+38 : f32
      %broadcast_in_dim3A_221 = vector.broadcast %broadcast_in_dim3A_220 : f32 to vector<16xf32>
      %broadcast_in_dim3A_222 = arith.constant 3.000000e+38 : f32
      %broadcast_in_dim3A_223 = vector.broadcast %broadcast_in_dim3A_222 : f32 to vector<16xf32>
      %broadcast_in_dim3A_224 = arith.constant 3.000000e+38 : f32
      %broadcast_in_dim3A_225 = vector.broadcast %broadcast_in_dim3A_224 : f32 to vector<16xf32>
      %broadcast_in_dim3A_226 = arith.constant 3.000000e+38 : f32
      %broadcast_in_dim3A_227 = vector.broadcast %broadcast_in_dim3A_226 : f32 to vector<16xf32>
      %scan3A_228 = arith.constant 0 : i32
      %scan3A_229 = arith.constant 128 : i32
      %scan3A_230 = arith.addi %scan3A_228, %scan3A_229 : i32
      %scan3A_231 = arith.constant 2 : i32
      %scan3A_232:8 = scf.for %scan3A_1267 = %scan3A_228 to %scan3A_230 step %scan3A_231 iter_args(%scan3A_1268 = %broadcast_in_dim3A_213, %scan3A_1269 = %broadcast_in_dim3A_215, %scan3A_1270 = %broadcast_in_dim3A_217, %scan3A_1271 = %broadcast_in_dim3A_219, %scan3A_1272 = %broadcast_in_dim3A_221, %scan3A_1273 = %broadcast_in_dim3A_223, %scan3A_1274 = %broadcast_in_dim3A_225, %scan3A_1275 = %broadcast_in_dim3A_227) -> (vector<16xf32>, vector<16xf32>, vector<16xf32>, vector<16xf32>, vector<16xf32>, vector<16xf32>, vector<16xf32>, vector<16xf32>)  : i32 {
        %mul3A_1276 = arith.constant 16 : i32
        %mul3A_1277 = arith.muli %scan3A_1267, %mul3A_1276 : i32
        %get3A_1278 = arith.constant 0 : i32
        %get3A_1279 = arith.index_cast %get3A_1278 : i32 to index
        %get3A_1280 = arith.index_cast %mul3A_1277 : i32 to index
        %get3A_1281 = tpu.vector_load %arg6[%get3A_1279, %get3A_1280] {strides = array<i32>} : memref<3x2048xf32, #tpu.memory_space<vmem>>, vector<1x16xf32>,
        %get3A_1282 = vector.shape_cast %get3A_1281 : vector<1x16xf32> to vector<16xf32>
        %get3A_1283 = arith.constant 1 : i32
        %get3A_1284 = arith.index_cast %get3A_1283 : i32 to index
        %get3A_1285 = arith.index_cast %mul3A_1277 : i32 to index
        %get3A_1286 = tpu.vector_load %arg6[%get3A_1284, %get3A_1285] {strides = array<i32>} : memref<3x2048xf32, #tpu.memory_space<vmem>>, vector<1x16xf32>,
        %get3A_1287 = vector.shape_cast %get3A_1286 : vector<1x16xf32> to vector<16xf32>
        %get3A_1288 = arith.constant 2 : i32
        %get3A_1289 = arith.index_cast %get3A_1288 : i32 to index
        %get3A_1290 = arith.index_cast %mul3A_1277 : i32 to index
        %get3A_1291 = tpu.vector_load %arg6[%get3A_1289, %get3A_1290] {strides = array<i32>} : memref<3x2048xf32, #tpu.memory_space<vmem>>, vector<1x16xf32>,
        %get3A_1292 = vector.shape_cast %get3A_1291 : vector<1x16xf32> to vector<16xf32>
        %get3A_1293 = arith.index_cast %mul3A_1277 : i32 to index
        %get3A_1294 = tpu.vector_load %arg10[%get3A_1293] {strides = array<i32>} : memref<2048xf32, #tpu.memory_space<vmem>>, vector<16xf32>,
        %get3A_1295 = vector.shape_cast %get3A_1294 : vector<16xf32> to vector<16xf32>
        %mul3A_1296 = arith.mulf %broadcast_in_dim3A_72, %get3A_1282 : vector<16xf32>
        %mul3A_1297 = arith.mulf %broadcast_in_dim3A_77, %get3A_1287 : vector<16xf32>
        %mul3A_1298 = arith.mulf %broadcast_in_dim3A_82, %get3A_1292 : vector<16xf32>
        %add3A_1299 = arith.addf %get3A_1295, %broadcast_in_dim3A_85 : vector<16xf32>
        %add3A_1300 = arith.addf %mul3A_1298, %add3A_1299 : vector<16xf32>
        %add3A_1301 = arith.addf %mul3A_1297, %add3A_1300 : vector<16xf32>
        %add3A_1302 = arith.addf %mul3A_1296, %add3A_1301 : vector<16xf32>
        %mul3A_1303 = arith.mulf %broadcast_in_dim3A_90, %get3A_1282 : vector<16xf32>
        %mul3A_1304 = arith.mulf %broadcast_in_dim3A_95, %get3A_1287 : vector<16xf32>
        %mul3A_1305 = arith.mulf %broadcast_in_dim3A_100, %get3A_1292 : vector<16xf32>
        %add3A_1306 = arith.addf %get3A_1295, %broadcast_in_dim3A_103 : vector<16xf32>
        %add3A_1307 = arith.addf %mul3A_1305, %add3A_1306 : vector<16xf32>
        %add3A_1308 = arith.addf %mul3A_1304, %add3A_1307 : vector<16xf32>
        %add3A_1309 = arith.addf %mul3A_1303, %add3A_1308 : vector<16xf32>
        %mul3A_1310 = arith.mulf %broadcast_in_dim3A_108, %get3A_1282 : vector<16xf32>
        %mul3A_1311 = arith.mulf %broadcast_in_dim3A_113, %get3A_1287 : vector<16xf32>
        %mul3A_1312 = arith.mulf %broadcast_in_dim3A_118, %get3A_1292 : vector<16xf32>
        %add3A_1313 = arith.addf %get3A_1295, %broadcast_in_dim3A_121 : vector<16xf32>
        %add3A_1314 = arith.addf %mul3A_1312, %add3A_1313 : vector<16xf32>
        %add3A_1315 = arith.addf %mul3A_1311, %add3A_1314 : vector<16xf32>
        %add3A_1316 = arith.addf %mul3A_1310, %add3A_1315 : vector<16xf32>
        %mul3A_1317 = arith.mulf %broadcast_in_dim3A_126, %get3A_1282 : vector<16xf32>
        %mul3A_1318 = arith.mulf %broadcast_in_dim3A_131, %get3A_1287 : vector<16xf32>
        %mul3A_1319 = arith.mulf %broadcast_in_dim3A_136, %get3A_1292 : vector<16xf32>
        %add3A_1320 = arith.addf %get3A_1295, %broadcast_in_dim3A_139 : vector<16xf32>
        %add3A_1321 = arith.addf %mul3A_1319, %add3A_1320 : vector<16xf32>
        %add3A_1322 = arith.addf %mul3A_1318, %add3A_1321 : vector<16xf32>
        %add3A_1323 = arith.addf %mul3A_1317, %add3A_1322 : vector<16xf32>
        %mul3A_1324 = arith.mulf %broadcast_in_dim3A_144, %get3A_1282 : vector<16xf32>
        %mul3A_1325 = arith.mulf %broadcast_in_dim3A_149, %get3A_1287 : vector<16xf32>
        %mul3A_1326 = arith.mulf %broadcast_in_dim3A_154, %get3A_1292 : vector<16xf32>
        %add3A_1327 = arith.addf %get3A_1295, %broadcast_in_dim3A_157 : vector<16xf32>
        %add3A_1328 = arith.addf %mul3A_1326, %add3A_1327 : vector<16xf32>
        %add3A_1329 = arith.addf %mul3A_1325, %add3A_1328 : vector<16xf32>
        %add3A_1330 = arith.addf %mul3A_1324, %add3A_1329 : vector<16xf32>
        %mul3A_1331 = arith.mulf %broadcast_in_dim3A_162, %get3A_1282 : vector<16xf32>
        %mul3A_1332 = arith.mulf %broadcast_in_dim3A_167, %get3A_1287 : vector<16xf32>
        %mul3A_1333 = arith.mulf %broadcast_in_dim3A_172, %get3A_1292 : vector<16xf32>
        %add3A_1334 = arith.addf %get3A_1295, %broadcast_in_dim3A_175 : vector<16xf32>
        %add3A_1335 = arith.addf %mul3A_1333, %add3A_1334 : vector<16xf32>
        %add3A_1336 = arith.addf %mul3A_1332, %add3A_1335 : vector<16xf32>
        %add3A_1337 = arith.addf %mul3A_1331, %add3A_1336 : vector<16xf32>
        %mul3A_1338 = arith.mulf %broadcast_in_dim3A_180, %get3A_1282 : vector<16xf32>
        %mul3A_1339 = arith.mulf %broadcast_in_dim3A_185, %get3A_1287 : vector<16xf32>
        %mul3A_1340 = arith.mulf %broadcast_in_dim3A_190, %get3A_1292 : vector<16xf32>
        %add3A_1341 = arith.addf %get3A_1295, %broadcast_in_dim3A_193 : vector<16xf32>
        %add3A_1342 = arith.addf %mul3A_1340, %add3A_1341 : vector<16xf32>
        %add3A_1343 = arith.addf %mul3A_1339, %add3A_1342 : vector<16xf32>
        %add3A_1344 = arith.addf %mul3A_1338, %add3A_1343 : vector<16xf32>
        %mul3A_1345 = arith.mulf %broadcast_in_dim3A_198, %get3A_1282 : vector<16xf32>
        %mul3A_1346 = arith.mulf %broadcast_in_dim3A_203, %get3A_1287 : vector<16xf32>
        %mul3A_1347 = arith.mulf %broadcast_in_dim3A_208, %get3A_1292 : vector<16xf32>
        %add3A_1348 = arith.addf %get3A_1295, %broadcast_in_dim3A_211 : vector<16xf32>
        %add3A_1349 = arith.addf %mul3A_1347, %add3A_1348 : vector<16xf32>
        %add3A_1350 = arith.addf %mul3A_1346, %add3A_1349 : vector<16xf32>
        %add3A_1351 = arith.addf %mul3A_1345, %add3A_1350 : vector<16xf32>
        %min3A_1352 = arith.minimumf %add3A_1302, %add3A_1309 : vector<16xf32>
        %min3A_1353 = arith.minimumf %add3A_1316, %add3A_1323 : vector<16xf32>
        %min3A_1354 = arith.minimumf %add3A_1330, %add3A_1337 : vector<16xf32>
        %min3A_1355 = arith.minimumf %add3A_1344, %add3A_1351 : vector<16xf32>
        %min3A_1356 = arith.minimumf %min3A_1352, %min3A_1353 : vector<16xf32>
        %min3A_1357 = arith.minimumf %min3A_1354, %min3A_1355 : vector<16xf32>
        %min3A_1358 = arith.minimumf %min3A_1356, %min3A_1357 : vector<16xf32>
        %get3A_1359 = arith.index_cast %mul3A_1277 : i32 to index
        %get3A_1360 = tpu.vector_load %arg8[%get3A_1359] {strides = array<i32>} : memref<2048xf32, #tpu.memory_space<vmem>>, vector<16xf32>,
        %get3A_1361 = vector.shape_cast %get3A_1360 : vector<16xf32> to vector<16xf32>
        %min3A_1362 = arith.minimumf %get3A_1361, %min3A_1358 : vector<16xf32>
        %swap3A_1363 = arith.index_cast %mul3A_1277 : i32 to index
        %swap3A_1364 = tpu.vector_load %arg8[%swap3A_1363] {strides = array<i32>} : memref<2048xf32, #tpu.memory_space<vmem>>, vector<16xf32>,
        %swap3A_1365 = vector.shape_cast %swap3A_1364 : vector<16xf32> to vector<16xf32>
        %swap3A_1366 = vector.shape_cast %min3A_1362 : vector<16xf32> to vector<16xf32>
        tpu.vector_store %arg8[%swap3A_1363], %swap3A_1366 {strides = array<i32>} : memref<2048xf32, #tpu.memory_space<vmem>>, vector<16xf32>,
        %min3A_1367 = arith.minimumf %scan3A_1268, %add3A_1302 : vector<16xf32>
        %min3A_1368 = arith.minimumf %scan3A_1269, %add3A_1309 : vector<16xf32>
        %min3A_1369 = arith.minimumf %scan3A_1270, %add3A_1316 : vector<16xf32>
        %min3A_1370 = arith.minimumf %scan3A_1271, %add3A_1323 : vector<16xf32>
        %min3A_1371 = arith.minimumf %scan3A_1272, %add3A_1330 : vector<16xf32>
        %min3A_1372 = arith.minimumf %scan3A_1273, %add3A_1337 : vector<16xf32>
        %min3A_1373 = arith.minimumf %scan3A_1274, %add3A_1344 : vector<16xf32>
        %min3A_1374 = arith.minimumf %scan3A_1275, %add3A_1351 : vector<16xf32>
        %scan3A_1375 = arith.constant 1 : i32
        %scan3A_1376 = arith.addi %scan3A_1267, %scan3A_1375 : i32
        %mul3A_1377 = arith.constant 16 : i32
        %mul3A_1378 = arith.muli %scan3A_1376, %mul3A_1377 : i32
        %get3A_1379 = arith.constant 0 : i32
        %get3A_1380 = arith.index_cast %get3A_1379 : i32 to index
        %get3A_1381 = arith.index_cast %mul3A_1378 : i32 to index
        %get3A_1382 = tpu.vector_load %arg6[%get3A_1380, %get3A_1381] {strides = array<i32>} : memref<3x2048xf32, #tpu.memory_space<vmem>>, vector<1x16xf32>,
        %get3A_1383 = vector.shape_cast %get3A_1382 : vector<1x16xf32> to vector<16xf32>
        %get3A_1384 = arith.constant 1 : i32
        %get3A_1385 = arith.index_cast %get3A_1384 : i32 to index
        %get3A_1386 = arith.index_cast %mul3A_1378 : i32 to index
        %get3A_1387 = tpu.vector_load %arg6[%get3A_1385, %get3A_1386] {strides = array<i32>} : memref<3x2048xf32, #tpu.memory_space<vmem>>, vector<1x16xf32>,
        %get3A_1388 = vector.shape_cast %get3A_1387 : vector<1x16xf32> to vector<16xf32>
        %get3A_1389 = arith.constant 2 : i32
        %get3A_1390 = arith.index_cast %get3A_1389 : i32 to index
        %get3A_1391 = arith.index_cast %mul3A_1378 : i32 to index
        %get3A_1392 = tpu.vector_load %arg6[%get3A_1390, %get3A_1391] {strides = array<i32>} : memref<3x2048xf32, #tpu.memory_space<vmem>>, vector<1x16xf32>,
        %get3A_1393 = vector.shape_cast %get3A_1392 : vector<1x16xf32> to vector<16xf32>
        %get3A_1394 = arith.index_cast %mul3A_1378 : i32 to index
        %get3A_1395 = tpu.vector_load %arg10[%get3A_1394] {strides = array<i32>} : memref<2048xf32, #tpu.memory_space<vmem>>, vector<16xf32>,
        %get3A_1396 = vector.shape_cast %get3A_1395 : vector<16xf32> to vector<16xf32>
        %mul3A_1397 = arith.mulf %broadcast_in_dim3A_72, %get3A_1383 : vector<16xf32>
        %mul3A_1398 = arith.mulf %broadcast_in_dim3A_77, %get3A_1388 : vector<16xf32>
        %mul3A_1399 = arith.mulf %broadcast_in_dim3A_82, %get3A_1393 : vector<16xf32>
        %add3A_1400 = arith.addf %get3A_1396, %broadcast_in_dim3A_85 : vector<16xf32>
        %add3A_1401 = arith.addf %mul3A_1399, %add3A_1400 : vector<16xf32>
        %add3A_1402 = arith.addf %mul3A_1398, %add3A_1401 : vector<16xf32>
        %add3A_1403 = arith.addf %mul3A_1397, %add3A_1402 : vector<16xf32>
        %mul3A_1404 = arith.mulf %broadcast_in_dim3A_90, %get3A_1383 : vector<16xf32>
        %mul3A_1405 = arith.mulf %broadcast_in_dim3A_95, %get3A_1388 : vector<16xf32>
        %mul3A_1406 = arith.mulf %broadcast_in_dim3A_100, %get3A_1393 : vector<16xf32>
        %add3A_1407 = arith.addf %get3A_1396, %broadcast_in_dim3A_103 : vector<16xf32>
        %add3A_1408 = arith.addf %mul3A_1406, %add3A_1407 : vector<16xf32>
        %add3A_1409 = arith.addf %mul3A_1405, %add3A_1408 : vector<16xf32>
        %add3A_1410 = arith.addf %mul3A_1404, %add3A_1409 : vector<16xf32>
        %mul3A_1411 = arith.mulf %broadcast_in_dim3A_108, %get3A_1383 : vector<16xf32>
        %mul3A_1412 = arith.mulf %broadcast_in_dim3A_113, %get3A_1388 : vector<16xf32>
        %mul3A_1413 = arith.mulf %broadcast_in_dim3A_118, %get3A_1393 : vector<16xf32>
        %add3A_1414 = arith.addf %get3A_1396, %broadcast_in_dim3A_121 : vector<16xf32>
        %add3A_1415 = arith.addf %mul3A_1413, %add3A_1414 : vector<16xf32>
        %add3A_1416 = arith.addf %mul3A_1412, %add3A_1415 : vector<16xf32>
        %add3A_1417 = arith.addf %mul3A_1411, %add3A_1416 : vector<16xf32>
        %mul3A_1418 = arith.mulf %broadcast_in_dim3A_126, %get3A_1383 : vector<16xf32>
        %mul3A_1419 = arith.mulf %broadcast_in_dim3A_131, %get3A_1388 : vector<16xf32>
        %mul3A_1420 = arith.mulf %broadcast_in_dim3A_136, %get3A_1393 : vector<16xf32>
        %add3A_1421 = arith.addf %get3A_1396, %broadcast_in_dim3A_139 : vector<16xf32>
        %add3A_1422 = arith.addf %mul3A_1420, %add3A_1421 : vector<16xf32>
        %add3A_1423 = arith.addf %mul3A_1419, %add3A_1422 : vector<16xf32>
        %add3A_1424 = arith.addf %mul3A_1418, %add3A_1423 : vector<16xf32>
        %mul3A_1425 = arith.mulf %broadcast_in_dim3A_144, %get3A_1383 : vector<16xf32>
        %mul3A_1426 = arith.mulf %broadcast_in_dim3A_149, %get3A_1388 : vector<16xf32>
        %mul3A_1427 = arith.mulf %broadcast_in_dim3A_154, %get3A_1393 : vector<16xf32>
        %add3A_1428 = arith.addf %get3A_1396, %broadcast_in_dim3A_157 : vector<16xf32>
        %add3A_1429 = arith.addf %mul3A_1427, %add3A_1428 : vector<16xf32>
        %add3A_1430 = arith.addf %mul3A_1426, %add3A_1429 : vector<16xf32>
        %add3A_1431 = arith.addf %mul3A_1425, %add3A_1430 : vector<16xf32>
        %mul3A_1432 = arith.mulf %broadcast_in_dim3A_162, %get3A_1383 : vector<16xf32>
        %mul3A_1433 = arith.mulf %broadcast_in_dim3A_167, %get3A_1388 : vector<16xf32>
        %mul3A_1434 = arith.mulf %broadcast_in_dim3A_172, %get3A_1393 : vector<16xf32>
        %add3A_1435 = arith.addf %get3A_1396, %broadcast_in_dim3A_175 : vector<16xf32>
        %add3A_1436 = arith.addf %mul3A_1434, %add3A_1435 : vector<16xf32>
        %add3A_1437 = arith.addf %mul3A_1433, %add3A_1436 : vector<16xf32>
        %add3A_1438 = arith.addf %mul3A_1432, %add3A_1437 : vector<16xf32>
        %mul3A_1439 = arith.mulf %broadcast_in_dim3A_180, %get3A_1383 : vector<16xf32>
        %mul3A_1440 = arith.mulf %broadcast_in_dim3A_185, %get3A_1388 : vector<16xf32>
        %mul3A_1441 = arith.mulf %broadcast_in_dim3A_190, %get3A_1393 : vector<16xf32>
        %add3A_1442 = arith.addf %get3A_1396, %broadcast_in_dim3A_193 : vector<16xf32>
        %add3A_1443 = arith.addf %mul3A_1441, %add3A_1442 : vector<16xf32>
        %add3A_1444 = arith.addf %mul3A_1440, %add3A_1443 : vector<16xf32>
        %add3A_1445 = arith.addf %mul3A_1439, %add3A_1444 : vector<16xf32>
        %mul3A_1446 = arith.mulf %broadcast_in_dim3A_198, %get3A_1383 : vector<16xf32>
        %mul3A_1447 = arith.mulf %broadcast_in_dim3A_203, %get3A_1388 : vector<16xf32>
        %mul3A_1448 = arith.mulf %broadcast_in_dim3A_208, %get3A_1393 : vector<16xf32>
        %add3A_1449 = arith.addf %get3A_1396, %broadcast_in_dim3A_211 : vector<16xf32>
        %add3A_1450 = arith.addf %mul3A_1448, %add3A_1449 : vector<16xf32>
        %add3A_1451 = arith.addf %mul3A_1447, %add3A_1450 : vector<16xf32>
        %add3A_1452 = arith.addf %mul3A_1446, %add3A_1451 : vector<16xf32>
        %min3A_1453 = arith.minimumf %add3A_1403, %add3A_1410 : vector<16xf32>
        %min3A_1454 = arith.minimumf %add3A_1417, %add3A_1424 : vector<16xf32>
        %min3A_1455 = arith.minimumf %add3A_1431, %add3A_1438 : vector<16xf32>
        %min3A_1456 = arith.minimumf %add3A_1445, %add3A_1452 : vector<16xf32>
        %min3A_1457 = arith.minimumf %min3A_1453, %min3A_1454 : vector<16xf32>
        %min3A_1458 = arith.minimumf %min3A_1455, %min3A_1456 : vector<16xf32>
        %min3A_1459 = arith.minimumf %min3A_1457, %min3A_1458 : vector<16xf32>
        %get3A_1460 = arith.index_cast %mul3A_1378 : i32 to index
        %get3A_1461 = tpu.vector_load %arg8[%get3A_1460] {strides = array<i32>} : memref<2048xf32, #tpu.memory_space<vmem>>, vector<16xf32>,
        %get3A_1462 = vector.shape_cast %get3A_1461 : vector<16xf32> to vector<16xf32>
        %min3A_1463 = arith.minimumf %get3A_1462, %min3A_1459 : vector<16xf32>
        %swap3A_1464 = arith.index_cast %mul3A_1378 : i32 to index
        %swap3A_1465 = tpu.vector_load %arg8[%swap3A_1464] {strides = array<i32>} : memref<2048xf32, #tpu.memory_space<vmem>>, vector<16xf32>,
        %swap3A_1466 = vector.shape_cast %swap3A_1465 : vector<16xf32> to vector<16xf32>
        %swap3A_1467 = vector.shape_cast %min3A_1463 : vector<16xf32> to vector<16xf32>
        tpu.vector_store %arg8[%swap3A_1464], %swap3A_1467 {strides = array<i32>} : memref<2048xf32, #tpu.memory_space<vmem>>, vector<16xf32>,
        %min3A_1468 = arith.minimumf %min3A_1367, %add3A_1403 : vector<16xf32>
        %min3A_1469 = arith.minimumf %min3A_1368, %add3A_1410 : vector<16xf32>
        %min3A_1470 = arith.minimumf %min3A_1369, %add3A_1417 : vector<16xf32>
        %min3A_1471 = arith.minimumf %min3A_1370, %add3A_1424 : vector<16xf32>
        %min3A_1472 = arith.minimumf %min3A_1371, %add3A_1431 : vector<16xf32>
        %min3A_1473 = arith.minimumf %min3A_1372, %add3A_1438 : vector<16xf32>
        %min3A_1474 = arith.minimumf %min3A_1373, %add3A_1445 : vector<16xf32>
        %min3A_1475 = arith.minimumf %min3A_1374, %add3A_1452 : vector<16xf32>
        scf.yield %min3A_1468, %min3A_1469, %min3A_1470, %min3A_1471, %min3A_1472, %min3A_1473, %min3A_1474, %min3A_1475 : vector<16xf32>, vector<16xf32>, vector<16xf32>, vector<16xf32>, vector<16xf32>, vector<16xf32>, vector<16xf32>, vector<16xf32>
      }
      %scan3A_233 = arith.constant 128 : i32
      %slice3A_234 = vector.extract_strided_slice %scan3A_232#0 {offsets = [0], sizes = [1], strides = [1]} : vector<16xf32> to vector<1xf32>
      %squeeze3A_235 = vector.extract %slice3A_234[0] : f32 from vector<1xf32>
      %slice3A_236 = vector.extract_strided_slice %scan3A_232#0 {offsets = [1], sizes = [1], strides = [1]} : vector<16xf32> to vector<1xf32>
      %squeeze3A_237 = vector.extract %slice3A_236[0] : f32 from vector<1xf32>
      %slice3A_238 = vector.extract_strided_slice %scan3A_232#0 {offsets = [2], sizes = [1], strides = [1]} : vector<16xf32> to vector<1xf32>
      %squeeze3A_239 = vector.extract %slice3A_238[0] : f32 from vector<1xf32>
      %slice3A_240 = vector.extract_strided_slice %scan3A_232#0 {offsets = [3], sizes = [1], strides = [1]} : vector<16xf32> to vector<1xf32>
      %squeeze3A_241 = vector.extract %slice3A_240[0] : f32 from vector<1xf32>
      %slice3A_242 = vector.extract_strided_slice %scan3A_232#0 {offsets = [4], sizes = [1], strides = [1]} : vector<16xf32> to vector<1xf32>
      %squeeze3A_243 = vector.extract %slice3A_242[0] : f32 from vector<1xf32>
      %slice3A_244 = vector.extract_strided_slice %scan3A_232#0 {offsets = [5], sizes = [1], strides = [1]} : vector<16xf32> to vector<1xf32>
      %squeeze3A_245 = vector.extract %slice3A_244[0] : f32 from vector<1xf32>
      %slice3A_246 = vector.extract_strided_slice %scan3A_232#0 {offsets = [6], sizes = [1], strides = [1]} : vector<16xf32> to vector<1xf32>
      %squeeze3A_247 = vector.extract %slice3A_246[0] : f32 from vector<1xf32>
      %slice3A_248 = vector.extract_strided_slice %scan3A_232#0 {offsets = [7], sizes = [1], strides = [1]} : vector<16xf32> to vector<1xf32>
      %squeeze3A_249 = vector.extract %slice3A_248[0] : f32 from vector<1xf32>
      %slice3A_250 = vector.extract_strided_slice %scan3A_232#0 {offsets = [8], sizes = [1], strides = [1]} : vector<16xf32> to vector<1xf32>
      %squeeze3A_251 = vector.extract %slice3A_250[0] : f32 from vector<1xf32>
      %slice3A_252 = vector.extract_strided_slice %scan3A_232#0 {offsets = [9], sizes = [1], strides = [1]} : vector<16xf32> to vector<1xf32>
      %squeeze3A_253 = vector.extract %slice3A_252[0] : f32 from vector<1xf32>
      %slice3A_254 = vector.extract_strided_slice %scan3A_232#0 {offsets = [10], sizes = [1], strides = [1]} : vector<16xf32> to vector<1xf32>
      %squeeze3A_255 = vector.extract %slice3A_254[0] : f32 from vector<1xf32>
      %slice3A_256 = vector.extract_strided_slice %scan3A_232#0 {offsets = [11], sizes = [1], strides = [1]} : vector<16xf32> to vector<1xf32>
      %squeeze3A_257 = vector.extract %slice3A_256[0] : f32 from vector<1xf32>
      %slice3A_258 = vector.extract_strided_slice %scan3A_232#0 {offsets = [12], sizes = [1], strides = [1]} : vector<16xf32> to vector<1xf32>
      %squeeze3A_259 = vector.extract %slice3A_258[0] : f32 from vector<1xf32>
      %slice3A_260 = vector.extract_strided_slice %scan3A_232#0 {offsets = [13], sizes = [1], strides = [1]} : vector<16xf32> to vector<1xf32>
      %squeeze3A_261 = vector.extract %slice3A_260[0] : f32 from vector<1xf32>
      %slice3A_262 = vector.extract_strided_slice %scan3A_232#0 {offsets = [14], sizes = [1], strides = [1]} : vector<16xf32> to vector<1xf32>
      %squeeze3A_263 = vector.extract %slice3A_262[0] : f32 from vector<1xf32>
      %slice3A_264 = vector.extract_strided_slice %scan3A_232#0 {offsets = [15], sizes = [1], strides = [1]} : vector<16xf32> to vector<1xf32>
      %squeeze3A_265 = vector.extract %slice3A_264[0] : f32 from vector<1xf32>
      %min3A = arith.minimumf %squeeze3A_235, %squeeze3A_237 : f32
      %min3A_266 = arith.minimumf %squeeze3A_239, %squeeze3A_241 : f32
      %min3A_267 = arith.minimumf %squeeze3A_243, %squeeze3A_245 : f32
      %min3A_268 = arith.minimumf %squeeze3A_247, %squeeze3A_249 : f32
      %min3A_269 = arith.minimumf %squeeze3A_251, %squeeze3A_253 : f32
      %min3A_270 = arith.minimumf %squeeze3A_255, %squeeze3A_257 : f32
      %min3A_271 = arith.minimumf %squeeze3A_259, %squeeze3A_261 : f32
      %min3A_272 = arith.minimumf %squeeze3A_263, %squeeze3A_265 : f32
      %min3A_273 = arith.minimumf %min3A, %min3A_266 : f32
      %min3A_274 = arith.minimumf %min3A_267, %min3A_268 : f32
      %min3A_275 = arith.minimumf %min3A_269, %min3A_270 : f32
      %min3A_276 = arith.minimumf %min3A_271, %min3A_272 : f32
      %min3A_277 = arith.minimumf %min3A_273, %min3A_274 : f32
      %min3A_278 = arith.minimumf %min3A_275, %min3A_276 : f32
      %min3A_279 = arith.minimumf %min3A_277, %min3A_278 : f32
      %max3A = arith.constant 0.000000e+00 : f32
      %max3A_280 = arith.maximumf %min3A_279, %max3A : f32
      %eq3A_281 = arith.constant 0 : i32
      %eq3A_282 = vector.broadcast %eq3A_281 : i32 to vector<16xi32>
      %eq3A_283 = arith.cmpi eq, %iota3A, %eq3A_282 : vector<16xi32>
      %broadcast_in_dim3A_284 = vector.broadcast %max3A_280 : f32 to vector<16xf32>
      %select_n3A_285 = arith.select %eq3A_283, %broadcast_in_dim3A_284, %broadcast_in_dim3A_69 : vector<16xi1>, vector<16xf32>
      %slice3A_286 = vector.extract_strided_slice %scan3A_232#1 {offsets = [0], sizes = [1], strides = [1]} : vector<16xf32> to vector<1xf32>
      %squeeze3A_287 = vector.extract %slice3A_286[0] : f32 from vector<1xf32>
      %slice3A_288 = vector.extract_strided_slice %scan3A_232#1 {offsets = [1], sizes = [1], strides = [1]} : vector<16xf32> to vector<1xf32>
      %squeeze3A_289 = vector.extract %slice3A_288[0] : f32 from vector<1xf32>
      %slice3A_290 = vector.extract_strided_slice %scan3A_232#1 {offsets = [2], sizes = [1], strides = [1]} : vector<16xf32> to vector<1xf32>
      %squeeze3A_291 = vector.extract %slice3A_290[0] : f32 from vector<1xf32>
      %slice3A_292 = vector.extract_strided_slice %scan3A_232#1 {offsets = [3], sizes = [1], strides = [1]} : vector<16xf32> to vector<1xf32>
      %squeeze3A_293 = vector.extract %slice3A_292[0] : f32 from vector<1xf32>
      %slice3A_294 = vector.extract_strided_slice %scan3A_232#1 {offsets = [4], sizes = [1], strides = [1]} : vector<16xf32> to vector<1xf32>
      %squeeze3A_295 = vector.extract %slice3A_294[0] : f32 from vector<1xf32>
      %slice3A_296 = vector.extract_strided_slice %scan3A_232#1 {offsets = [5], sizes = [1], strides = [1]} : vector<16xf32> to vector<1xf32>
      %squeeze3A_297 = vector.extract %slice3A_296[0] : f32 from vector<1xf32>
      %slice3A_298 = vector.extract_strided_slice %scan3A_232#1 {offsets = [6], sizes = [1], strides = [1]} : vector<16xf32> to vector<1xf32>
      %squeeze3A_299 = vector.extract %slice3A_298[0] : f32 from vector<1xf32>
      %slice3A_300 = vector.extract_strided_slice %scan3A_232#1 {offsets = [7], sizes = [1], strides = [1]} : vector<16xf32> to vector<1xf32>
      %squeeze3A_301 = vector.extract %slice3A_300[0] : f32 from vector<1xf32>
      %slice3A_302 = vector.extract_strided_slice %scan3A_232#1 {offsets = [8], sizes = [1], strides = [1]} : vector<16xf32> to vector<1xf32>
      %squeeze3A_303 = vector.extract %slice3A_302[0] : f32 from vector<1xf32>
      %slice3A_304 = vector.extract_strided_slice %scan3A_232#1 {offsets = [9], sizes = [1], strides = [1]} : vector<16xf32> to vector<1xf32>
      %squeeze3A_305 = vector.extract %slice3A_304[0] : f32 from vector<1xf32>
      %slice3A_306 = vector.extract_strided_slice %scan3A_232#1 {offsets = [10], sizes = [1], strides = [1]} : vector<16xf32> to vector<1xf32>
      %squeeze3A_307 = vector.extract %slice3A_306[0] : f32 from vector<1xf32>
      %slice3A_308 = vector.extract_strided_slice %scan3A_232#1 {offsets = [11], sizes = [1], strides = [1]} : vector<16xf32> to vector<1xf32>
      %squeeze3A_309 = vector.extract %slice3A_308[0] : f32 from vector<1xf32>
      %slice3A_310 = vector.extract_strided_slice %scan3A_232#1 {offsets = [12], sizes = [1], strides = [1]} : vector<16xf32> to vector<1xf32>
      %squeeze3A_311 = vector.extract %slice3A_310[0] : f32 from vector<1xf32>
      %slice3A_312 = vector.extract_strided_slice %scan3A_232#1 {offsets = [13], sizes = [1], strides = [1]} : vector<16xf32> to vector<1xf32>
      %squeeze3A_313 = vector.extract %slice3A_312[0] : f32 from vector<1xf32>
      %slice3A_314 = vector.extract_strided_slice %scan3A_232#1 {offsets = [14], sizes = [1], strides = [1]} : vector<16xf32> to vector<1xf32>
      %squeeze3A_315 = vector.extract %slice3A_314[0] : f32 from vector<1xf32>
      %slice3A_316 = vector.extract_strided_slice %scan3A_232#1 {offsets = [15], sizes = [1], strides = [1]} : vector<16xf32> to vector<1xf32>
      %squeeze3A_317 = vector.extract %slice3A_316[0] : f32 from vector<1xf32>
      %min3A_318 = arith.minimumf %squeeze3A_287, %squeeze3A_289 : f32
      %min3A_319 = arith.minimumf %squeeze3A_291, %squeeze3A_293 : f32
      %min3A_320 = arith.minimumf %squeeze3A_295, %squeeze3A_297 : f32
      %min3A_321 = arith.minimumf %squeeze3A_299, %squeeze3A_301 : f32
      %min3A_322 = arith.minimumf %squeeze3A_303, %squeeze3A_305 : f32
      %min3A_323 = arith.minimumf %squeeze3A_307, %squeeze3A_309 : f32
      %min3A_324 = arith.minimumf %squeeze3A_311, %squeeze3A_313 : f32
      %min3A_325 = arith.minimumf %squeeze3A_315, %squeeze3A_317 : f32
      %min3A_326 = arith.minimumf %min3A_318, %min3A_319 : f32
      %min3A_327 = arith.minimumf %min3A_320, %min3A_321 : f32
      %min3A_328 = arith.minimumf %min3A_322, %min3A_323 : f32
      %min3A_329 = arith.minimumf %min3A_324, %min3A_325 : f32
      %min3A_330 = arith.minimumf %min3A_326, %min3A_327 : f32
      %min3A_331 = arith.minimumf %min3A_328, %min3A_329 : f32
      %min3A_332 = arith.minimumf %min3A_330, %min3A_331 : f32
      %max3A_333 = arith.constant 0.000000e+00 : f32
      %max3A_334 = arith.maximumf %min3A_332, %max3A_333 : f32
      %eq3A_335 = arith.constant 1 : i32
      %eq3A_336 = vector.broadcast %eq3A_335 : i32 to vector<16xi32>
      %eq3A_337 = arith.cmpi eq, %iota3A, %eq3A_336 : vector<16xi32>
      %broadcast_in_dim3A_338 = vector.broadcast %max3A_334 : f32 to vector<16xf32>
      %select_n3A_339 = arith.select %eq3A_337, %broadcast_in_dim3A_338, %select_n3A_285 : vector<16xi1>, vector<16xf32>
      %slice3A_340 = vector.extract_strided_slice %scan3A_232#2 {offsets = [0], sizes = [1], strides = [1]} : vector<16xf32> to vector<1xf32>
      %squeeze3A_341 = vector.extract %slice3A_340[0] : f32 from vector<1xf32>
      %slice3A_342 = vector.extract_strided_slice %scan3A_232#2 {offsets = [1], sizes = [1], strides = [1]} : vector<16xf32> to vector<1xf32>
      %squeeze3A_343 = vector.extract %slice3A_342[0] : f32 from vector<1xf32>
      %slice3A_344 = vector.extract_strided_slice %scan3A_232#2 {offsets = [2], sizes = [1], strides = [1]} : vector<16xf32> to vector<1xf32>
      %squeeze3A_345 = vector.extract %slice3A_344[0] : f32 from vector<1xf32>
      %slice3A_346 = vector.extract_strided_slice %scan3A_232#2 {offsets = [3], sizes = [1], strides = [1]} : vector<16xf32> to vector<1xf32>
      %squeeze3A_347 = vector.extract %slice3A_346[0] : f32 from vector<1xf32>
      %slice3A_348 = vector.extract_strided_slice %scan3A_232#2 {offsets = [4], sizes = [1], strides = [1]} : vector<16xf32> to vector<1xf32>
      %squeeze3A_349 = vector.extract %slice3A_348[0] : f32 from vector<1xf32>
      %slice3A_350 = vector.extract_strided_slice %scan3A_232#2 {offsets = [5], sizes = [1], strides = [1]} : vector<16xf32> to vector<1xf32>
      %squeeze3A_351 = vector.extract %slice3A_350[0] : f32 from vector<1xf32>
      %slice3A_352 = vector.extract_strided_slice %scan3A_232#2 {offsets = [6], sizes = [1], strides = [1]} : vector<16xf32> to vector<1xf32>
      %squeeze3A_353 = vector.extract %slice3A_352[0] : f32 from vector<1xf32>
      %slice3A_354 = vector.extract_strided_slice %scan3A_232#2 {offsets = [7], sizes = [1], strides = [1]} : vector<16xf32> to vector<1xf32>
      %squeeze3A_355 = vector.extract %slice3A_354[0] : f32 from vector<1xf32>
      %slice3A_356 = vector.extract_strided_slice %scan3A_232#2 {offsets = [8], sizes = [1], strides = [1]} : vector<16xf32> to vector<1xf32>
      %squeeze3A_357 = vector.extract %slice3A_356[0] : f32 from vector<1xf32>
      %slice3A_358 = vector.extract_strided_slice %scan3A_232#2 {offsets = [9], sizes = [1], strides = [1]} : vector<16xf32> to vector<1xf32>
      %squeeze3A_359 = vector.extract %slice3A_358[0] : f32 from vector<1xf32>
      %slice3A_360 = vector.extract_strided_slice %scan3A_232#2 {offsets = [10], sizes = [1], strides = [1]} : vector<16xf32> to vector<1xf32>
      %squeeze3A_361 = vector.extract %slice3A_360[0] : f32 from vector<1xf32>
      %slice3A_362 = vector.extract_strided_slice %scan3A_232#2 {offsets = [11], sizes = [1], strides = [1]} : vector<16xf32> to vector<1xf32>
      %squeeze3A_363 = vector.extract %slice3A_362[0] : f32 from vector<1xf32>
      %slice3A_364 = vector.extract_strided_slice %scan3A_232#2 {offsets = [12], sizes = [1], strides = [1]} : vector<16xf32> to vector<1xf32>
      %squeeze3A_365 = vector.extract %slice3A_364[0] : f32 from vector<1xf32>
      %slice3A_366 = vector.extract_strided_slice %scan3A_232#2 {offsets = [13], sizes = [1], strides = [1]} : vector<16xf32> to vector<1xf32>
      %squeeze3A_367 = vector.extract %slice3A_366[0] : f32 from vector<1xf32>
      %slice3A_368 = vector.extract_strided_slice %scan3A_232#2 {offsets = [14], sizes = [1], strides = [1]} : vector<16xf32> to vector<1xf32>
      %squeeze3A_369 = vector.extract %slice3A_368[0] : f32 from vector<1xf32>
      %slice3A_370 = vector.extract_strided_slice %scan3A_232#2 {offsets = [15], sizes = [1], strides = [1]} : vector<16xf32> to vector<1xf32>
      %squeeze3A_371 = vector.extract %slice3A_370[0] : f32 from vector<1xf32>
      %min3A_372 = arith.minimumf %squeeze3A_341, %squeeze3A_343 : f32
      %min3A_373 = arith.minimumf %squeeze3A_345, %squeeze3A_347 : f32
      %min3A_374 = arith.minimumf %squeeze3A_349, %squeeze3A_351 : f32
      %min3A_375 = arith.minimumf %squeeze3A_353, %squeeze3A_355 : f32
      %min3A_376 = arith.minimumf %squeeze3A_357, %squeeze3A_359 : f32
      %min3A_377 = arith.minimumf %squeeze3A_361, %squeeze3A_363 : f32
      %min3A_378 = arith.minimumf %squeeze3A_365, %squeeze3A_367 : f32
      %min3A_379 = arith.minimumf %squeeze3A_369, %squeeze3A_371 : f32
      %min3A_380 = arith.minimumf %min3A_372, %min3A_373 : f32
      %min3A_381 = arith.minimumf %min3A_374, %min3A_375 : f32
      %min3A_382 = arith.minimumf %min3A_376, %min3A_377 : f32
      %min3A_383 = arith.minimumf %min3A_378, %min3A_379 : f32
      %min3A_384 = arith.minimumf %min3A_380, %min3A_381 : f32
      %min3A_385 = arith.minimumf %min3A_382, %min3A_383 : f32
      %min3A_386 = arith.minimumf %min3A_384, %min3A_385 : f32
      %max3A_387 = arith.constant 0.000000e+00 : f32
      %max3A_388 = arith.maximumf %min3A_386, %max3A_387 : f32
      %eq3A_389 = arith.constant 2 : i32
      %eq3A_390 = vector.broadcast %eq3A_389 : i32 to vector<16xi32>
      %eq3A_391 = arith.cmpi eq, %iota3A, %eq3A_390 : vector<16xi32>
      %broadcast_in_dim3A_392 = vector.broadcast %max3A_388 : f32 to vector<16xf32>
      %select_n3A_393 = arith.select %eq3A_391, %broadcast_in_dim3A_392, %select_n3A_339 : vector<16xi1>, vector<16xf32>
      %slice3A_394 = vector.extract_strided_slice %scan3A_232#3 {offsets = [0], sizes = [1], strides = [1]} : vector<16xf32> to vector<1xf32>
      %squeeze3A_395 = vector.extract %slice3A_394[0] : f32 from vector<1xf32>
      %slice3A_396 = vector.extract_strided_slice %scan3A_232#3 {offsets = [1], sizes = [1], strides = [1]} : vector<16xf32> to vector<1xf32>
      %squeeze3A_397 = vector.extract %slice3A_396[0] : f32 from vector<1xf32>
      %slice3A_398 = vector.extract_strided_slice %scan3A_232#3 {offsets = [2], sizes = [1], strides = [1]} : vector<16xf32> to vector<1xf32>
      %squeeze3A_399 = vector.extract %slice3A_398[0] : f32 from vector<1xf32>
      %slice3A_400 = vector.extract_strided_slice %scan3A_232#3 {offsets = [3], sizes = [1], strides = [1]} : vector<16xf32> to vector<1xf32>
      %squeeze3A_401 = vector.extract %slice3A_400[0] : f32 from vector<1xf32>
      %slice3A_402 = vector.extract_strided_slice %scan3A_232#3 {offsets = [4], sizes = [1], strides = [1]} : vector<16xf32> to vector<1xf32>
      %squeeze3A_403 = vector.extract %slice3A_402[0] : f32 from vector<1xf32>
      %slice3A_404 = vector.extract_strided_slice %scan3A_232#3 {offsets = [5], sizes = [1], strides = [1]} : vector<16xf32> to vector<1xf32>
      %squeeze3A_405 = vector.extract %slice3A_404[0] : f32 from vector<1xf32>
      %slice3A_406 = vector.extract_strided_slice %scan3A_232#3 {offsets = [6], sizes = [1], strides = [1]} : vector<16xf32> to vector<1xf32>
      %squeeze3A_407 = vector.extract %slice3A_406[0] : f32 from vector<1xf32>
      %slice3A_408 = vector.extract_strided_slice %scan3A_232#3 {offsets = [7], sizes = [1], strides = [1]} : vector<16xf32> to vector<1xf32>
      %squeeze3A_409 = vector.extract %slice3A_408[0] : f32 from vector<1xf32>
      %slice3A_410 = vector.extract_strided_slice %scan3A_232#3 {offsets = [8], sizes = [1], strides = [1]} : vector<16xf32> to vector<1xf32>
      %squeeze3A_411 = vector.extract %slice3A_410[0] : f32 from vector<1xf32>
      %slice3A_412 = vector.extract_strided_slice %scan3A_232#3 {offsets = [9], sizes = [1], strides = [1]} : vector<16xf32> to vector<1xf32>
      %squeeze3A_413 = vector.extract %slice3A_412[0] : f32 from vector<1xf32>
      %slice3A_414 = vector.extract_strided_slice %scan3A_232#3 {offsets = [10], sizes = [1], strides = [1]} : vector<16xf32> to vector<1xf32>
      %squeeze3A_415 = vector.extract %slice3A_414[0] : f32 from vector<1xf32>
      %slice3A_416 = vector.extract_strided_slice %scan3A_232#3 {offsets = [11], sizes = [1], strides = [1]} : vector<16xf32> to vector<1xf32>
      %squeeze3A_417 = vector.extract %slice3A_416[0] : f32 from vector<1xf32>
      %slice3A_418 = vector.extract_strided_slice %scan3A_232#3 {offsets = [12], sizes = [1], strides = [1]} : vector<16xf32> to vector<1xf32>
      %squeeze3A_419 = vector.extract %slice3A_418[0] : f32 from vector<1xf32>
      %slice3A_420 = vector.extract_strided_slice %scan3A_232#3 {offsets = [13], sizes = [1], strides = [1]} : vector<16xf32> to vector<1xf32>
      %squeeze3A_421 = vector.extract %slice3A_420[0] : f32 from vector<1xf32>
      %slice3A_422 = vector.extract_strided_slice %scan3A_232#3 {offsets = [14], sizes = [1], strides = [1]} : vector<16xf32> to vector<1xf32>
      %squeeze3A_423 = vector.extract %slice3A_422[0] : f32 from vector<1xf32>
      %slice3A_424 = vector.extract_strided_slice %scan3A_232#3 {offsets = [15], sizes = [1], strides = [1]} : vector<16xf32> to vector<1xf32>
      %squeeze3A_425 = vector.extract %slice3A_424[0] : f32 from vector<1xf32>
      %min3A_426 = arith.minimumf %squeeze3A_395, %squeeze3A_397 : f32
      %min3A_427 = arith.minimumf %squeeze3A_399, %squeeze3A_401 : f32
      %min3A_428 = arith.minimumf %squeeze3A_403, %squeeze3A_405 : f32
      %min3A_429 = arith.minimumf %squeeze3A_407, %squeeze3A_409 : f32
      %min3A_430 = arith.minimumf %squeeze3A_411, %squeeze3A_413 : f32
      %min3A_431 = arith.minimumf %squeeze3A_415, %squeeze3A_417 : f32
      %min3A_432 = arith.minimumf %squeeze3A_419, %squeeze3A_421 : f32
      %min3A_433 = arith.minimumf %squeeze3A_423, %squeeze3A_425 : f32
      %min3A_434 = arith.minimumf %min3A_426, %min3A_427 : f32
      %min3A_435 = arith.minimumf %min3A_428, %min3A_429 : f32
      %min3A_436 = arith.minimumf %min3A_430, %min3A_431 : f32
      %min3A_437 = arith.minimumf %min3A_432, %min3A_433 : f32
      %min3A_438 = arith.minimumf %min3A_434, %min3A_435 : f32
      %min3A_439 = arith.minimumf %min3A_436, %min3A_437 : f32
      %min3A_440 = arith.minimumf %min3A_438, %min3A_439 : f32
      %max3A_441 = arith.constant 0.000000e+00 : f32
      %max3A_442 = arith.maximumf %min3A_440, %max3A_441 : f32
      %eq3A_443 = arith.constant 3 : i32
      %eq3A_444 = vector.broadcast %eq3A_443 : i32 to vector<16xi32>
      %eq3A_445 = arith.cmpi eq, %iota3A, %eq3A_444 : vector<16xi32>
      %broadcast_in_dim3A_446 = vector.broadcast %max3A_442 : f32 to vector<16xf32>
      %select_n3A_447 = arith.select %eq3A_445, %broadcast_in_dim3A_446, %select_n3A_393 : vector<16xi1>, vector<16xf32>
      %slice3A_448 = vector.extract_strided_slice %scan3A_232#4 {offsets = [0], sizes = [1], strides = [1]} : vector<16xf32> to vector<1xf32>
      %squeeze3A_449 = vector.extract %slice3A_448[0] : f32 from vector<1xf32>
      %slice3A_450 = vector.extract_strided_slice %scan3A_232#4 {offsets = [1], sizes = [1], strides = [1]} : vector<16xf32> to vector<1xf32>
      %squeeze3A_451 = vector.extract %slice3A_450[0] : f32 from vector<1xf32>
      %slice3A_452 = vector.extract_strided_slice %scan3A_232#4 {offsets = [2], sizes = [1], strides = [1]} : vector<16xf32> to vector<1xf32>
      %squeeze3A_453 = vector.extract %slice3A_452[0] : f32 from vector<1xf32>
      %slice3A_454 = vector.extract_strided_slice %scan3A_232#4 {offsets = [3], sizes = [1], strides = [1]} : vector<16xf32> to vector<1xf32>
      %squeeze3A_455 = vector.extract %slice3A_454[0] : f32 from vector<1xf32>
      %slice3A_456 = vector.extract_strided_slice %scan3A_232#4 {offsets = [4], sizes = [1], strides = [1]} : vector<16xf32> to vector<1xf32>
      %squeeze3A_457 = vector.extract %slice3A_456[0] : f32 from vector<1xf32>
      %slice3A_458 = vector.extract_strided_slice %scan3A_232#4 {offsets = [5], sizes = [1], strides = [1]} : vector<16xf32> to vector<1xf32>
      %squeeze3A_459 = vector.extract %slice3A_458[0] : f32 from vector<1xf32>
      %slice3A_460 = vector.extract_strided_slice %scan3A_232#4 {offsets = [6], sizes = [1], strides = [1]} : vector<16xf32> to vector<1xf32>
      %squeeze3A_461 = vector.extract %slice3A_460[0] : f32 from vector<1xf32>
      %slice3A_462 = vector.extract_strided_slice %scan3A_232#4 {offsets = [7], sizes = [1], strides = [1]} : vector<16xf32> to vector<1xf32>
      %squeeze3A_463 = vector.extract %slice3A_462[0] : f32 from vector<1xf32>
      %slice3A_464 = vector.extract_strided_slice %scan3A_232#4 {offsets = [8], sizes = [1], strides = [1]} : vector<16xf32> to vector<1xf32>
      %squeeze3A_465 = vector.extract %slice3A_464[0] : f32 from vector<1xf32>
      %slice3A_466 = vector.extract_strided_slice %scan3A_232#4 {offsets = [9], sizes = [1], strides = [1]} : vector<16xf32> to vector<1xf32>
      %squeeze3A_467 = vector.extract %slice3A_466[0] : f32 from vector<1xf32>
      %slice3A_468 = vector.extract_strided_slice %scan3A_232#4 {offsets = [10], sizes = [1], strides = [1]} : vector<16xf32> to vector<1xf32>
      %squeeze3A_469 = vector.extract %slice3A_468[0] : f32 from vector<1xf32>
      %slice3A_470 = vector.extract_strided_slice %scan3A_232#4 {offsets = [11], sizes = [1], strides = [1]} : vector<16xf32> to vector<1xf32>
      %squeeze3A_471 = vector.extract %slice3A_470[0] : f32 from vector<1xf32>
      %slice3A_472 = vector.extract_strided_slice %scan3A_232#4 {offsets = [12], sizes = [1], strides = [1]} : vector<16xf32> to vector<1xf32>
      %squeeze3A_473 = vector.extract %slice3A_472[0] : f32 from vector<1xf32>
      %slice3A_474 = vector.extract_strided_slice %scan3A_232#4 {offsets = [13], sizes = [1], strides = [1]} : vector<16xf32> to vector<1xf32>
      %squeeze3A_475 = vector.extract %slice3A_474[0] : f32 from vector<1xf32>
      %slice3A_476 = vector.extract_strided_slice %scan3A_232#4 {offsets = [14], sizes = [1], strides = [1]} : vector<16xf32> to vector<1xf32>
      %squeeze3A_477 = vector.extract %slice3A_476[0] : f32 from vector<1xf32>
      %slice3A_478 = vector.extract_strided_slice %scan3A_232#4 {offsets = [15], sizes = [1], strides = [1]} : vector<16xf32> to vector<1xf32>
      %squeeze3A_479 = vector.extract %slice3A_478[0] : f32 from vector<1xf32>
      %min3A_480 = arith.minimumf %squeeze3A_449, %squeeze3A_451 : f32
      %min3A_481 = arith.minimumf %squeeze3A_453, %squeeze3A_455 : f32
      %min3A_482 = arith.minimumf %squeeze3A_457, %squeeze3A_459 : f32
      %min3A_483 = arith.minimumf %squeeze3A_461, %squeeze3A_463 : f32
      %min3A_484 = arith.minimumf %squeeze3A_465, %squeeze3A_467 : f32
      %min3A_485 = arith.minimumf %squeeze3A_469, %squeeze3A_471 : f32
      %min3A_486 = arith.minimumf %squeeze3A_473, %squeeze3A_475 : f32
      %min3A_487 = arith.minimumf %squeeze3A_477, %squeeze3A_479 : f32
      %min3A_488 = arith.minimumf %min3A_480, %min3A_481 : f32
      %min3A_489 = arith.minimumf %min3A_482, %min3A_483 : f32
      %min3A_490 = arith.minimumf %min3A_484, %min3A_485 : f32
      %min3A_491 = arith.minimumf %min3A_486, %min3A_487 : f32
      %min3A_492 = arith.minimumf %min3A_488, %min3A_489 : f32
      %min3A_493 = arith.minimumf %min3A_490, %min3A_491 : f32
      %min3A_494 = arith.minimumf %min3A_492, %min3A_493 : f32
      %max3A_495 = arith.constant 0.000000e+00 : f32
      %max3A_496 = arith.maximumf %min3A_494, %max3A_495 : f32
      %eq3A_497 = arith.constant 4 : i32
      %eq3A_498 = vector.broadcast %eq3A_497 : i32 to vector<16xi32>
      %eq3A_499 = arith.cmpi eq, %iota3A, %eq3A_498 : vector<16xi32>
      %broadcast_in_dim3A_500 = vector.broadcast %max3A_496 : f32 to vector<16xf32>
      %select_n3A_501 = arith.select %eq3A_499, %broadcast_in_dim3A_500, %select_n3A_447 : vector<16xi1>, vector<16xf32>
      %slice3A_502 = vector.extract_strided_slice %scan3A_232#5 {offsets = [0], sizes = [1], strides = [1]} : vector<16xf32> to vector<1xf32>
      %squeeze3A_503 = vector.extract %slice3A_502[0] : f32 from vector<1xf32>
      %slice3A_504 = vector.extract_strided_slice %scan3A_232#5 {offsets = [1], sizes = [1], strides = [1]} : vector<16xf32> to vector<1xf32>
      %squeeze3A_505 = vector.extract %slice3A_504[0] : f32 from vector<1xf32>
      %slice3A_506 = vector.extract_strided_slice %scan3A_232#5 {offsets = [2], sizes = [1], strides = [1]} : vector<16xf32> to vector<1xf32>
      %squeeze3A_507 = vector.extract %slice3A_506[0] : f32 from vector<1xf32>
      %slice3A_508 = vector.extract_strided_slice %scan3A_232#5 {offsets = [3], sizes = [1], strides = [1]} : vector<16xf32> to vector<1xf32>
      %squeeze3A_509 = vector.extract %slice3A_508[0] : f32 from vector<1xf32>
      %slice3A_510 = vector.extract_strided_slice %scan3A_232#5 {offsets = [4], sizes = [1], strides = [1]} : vector<16xf32> to vector<1xf32>
      %squeeze3A_511 = vector.extract %slice3A_510[0] : f32 from vector<1xf32>
      %slice3A_512 = vector.extract_strided_slice %scan3A_232#5 {offsets = [5], sizes = [1], strides = [1]} : vector<16xf32> to vector<1xf32>
      %squeeze3A_513 = vector.extract %slice3A_512[0] : f32 from vector<1xf32>
      %slice3A_514 = vector.extract_strided_slice %scan3A_232#5 {offsets = [6], sizes = [1], strides = [1]} : vector<16xf32> to vector<1xf32>
      %squeeze3A_515 = vector.extract %slice3A_514[0] : f32 from vector<1xf32>
      %slice3A_516 = vector.extract_strided_slice %scan3A_232#5 {offsets = [7], sizes = [1], strides = [1]} : vector<16xf32> to vector<1xf32>
      %squeeze3A_517 = vector.extract %slice3A_516[0] : f32 from vector<1xf32>
      %slice3A_518 = vector.extract_strided_slice %scan3A_232#5 {offsets = [8], sizes = [1], strides = [1]} : vector<16xf32> to vector<1xf32>
      %squeeze3A_519 = vector.extract %slice3A_518[0] : f32 from vector<1xf32>
      %slice3A_520 = vector.extract_strided_slice %scan3A_232#5 {offsets = [9], sizes = [1], strides = [1]} : vector<16xf32> to vector<1xf32>
      %squeeze3A_521 = vector.extract %slice3A_520[0] : f32 from vector<1xf32>
      %slice3A_522 = vector.extract_strided_slice %scan3A_232#5 {offsets = [10], sizes = [1], strides = [1]} : vector<16xf32> to vector<1xf32>
      %squeeze3A_523 = vector.extract %slice3A_522[0] : f32 from vector<1xf32>
      %slice3A_524 = vector.extract_strided_slice %scan3A_232#5 {offsets = [11], sizes = [1], strides = [1]} : vector<16xf32> to vector<1xf32>
      %squeeze3A_525 = vector.extract %slice3A_524[0] : f32 from vector<1xf32>
      %slice3A_526 = vector.extract_strided_slice %scan3A_232#5 {offsets = [12], sizes = [1], strides = [1]} : vector<16xf32> to vector<1xf32>
      %squeeze3A_527 = vector.extract %slice3A_526[0] : f32 from vector<1xf32>
      %slice3A_528 = vector.extract_strided_slice %scan3A_232#5 {offsets = [13], sizes = [1], strides = [1]} : vector<16xf32> to vector<1xf32>
      %squeeze3A_529 = vector.extract %slice3A_528[0] : f32 from vector<1xf32>
      %slice3A_530 = vector.extract_strided_slice %scan3A_232#5 {offsets = [14], sizes = [1], strides = [1]} : vector<16xf32> to vector<1xf32>
      %squeeze3A_531 = vector.extract %slice3A_530[0] : f32 from vector<1xf32>
      %slice3A_532 = vector.extract_strided_slice %scan3A_232#5 {offsets = [15], sizes = [1], strides = [1]} : vector<16xf32> to vector<1xf32>
      %squeeze3A_533 = vector.extract %slice3A_532[0] : f32 from vector<1xf32>
      %min3A_534 = arith.minimumf %squeeze3A_503, %squeeze3A_505 : f32
      %min3A_535 = arith.minimumf %squeeze3A_507, %squeeze3A_509 : f32
      %min3A_536 = arith.minimumf %squeeze3A_511, %squeeze3A_513 : f32
      %min3A_537 = arith.minimumf %squeeze3A_515, %squeeze3A_517 : f32
      %min3A_538 = arith.minimumf %squeeze3A_519, %squeeze3A_521 : f32
      %min3A_539 = arith.minimumf %squeeze3A_523, %squeeze3A_525 : f32
      %min3A_540 = arith.minimumf %squeeze3A_527, %squeeze3A_529 : f32
      %min3A_541 = arith.minimumf %squeeze3A_531, %squeeze3A_533 : f32
      %min3A_542 = arith.minimumf %min3A_534, %min3A_535 : f32
      %min3A_543 = arith.minimumf %min3A_536, %min3A_537 : f32
      %min3A_544 = arith.minimumf %min3A_538, %min3A_539 : f32
      %min3A_545 = arith.minimumf %min3A_540, %min3A_541 : f32
      %min3A_546 = arith.minimumf %min3A_542, %min3A_543 : f32
      %min3A_547 = arith.minimumf %min3A_544, %min3A_545 : f32
      %min3A_548 = arith.minimumf %min3A_546, %min3A_547 : f32
      %max3A_549 = arith.constant 0.000000e+00 : f32
      %max3A_550 = arith.maximumf %min3A_548, %max3A_549 : f32
      %eq3A_551 = arith.constant 5 : i32
      %eq3A_552 = vector.broadcast %eq3A_551 : i32 to vector<16xi32>
      %eq3A_553 = arith.cmpi eq, %iota3A, %eq3A_552 : vector<16xi32>
      %broadcast_in_dim3A_554 = vector.broadcast %max3A_550 : f32 to vector<16xf32>
      %select_n3A_555 = arith.select %eq3A_553, %broadcast_in_dim3A_554, %select_n3A_501 : vector<16xi1>, vector<16xf32>
      %slice3A_556 = vector.extract_strided_slice %scan3A_232#6 {offsets = [0], sizes = [1], strides = [1]} : vector<16xf32> to vector<1xf32>
      %squeeze3A_557 = vector.extract %slice3A_556[0] : f32 from vector<1xf32>
      %slice3A_558 = vector.extract_strided_slice %scan3A_232#6 {offsets = [1], sizes = [1], strides = [1]} : vector<16xf32> to vector<1xf32>
      %squeeze3A_559 = vector.extract %slice3A_558[0] : f32 from vector<1xf32>
      %slice3A_560 = vector.extract_strided_slice %scan3A_232#6 {offsets = [2], sizes = [1], strides = [1]} : vector<16xf32> to vector<1xf32>
      %squeeze3A_561 = vector.extract %slice3A_560[0] : f32 from vector<1xf32>
      %slice3A_562 = vector.extract_strided_slice %scan3A_232#6 {offsets = [3], sizes = [1], strides = [1]} : vector<16xf32> to vector<1xf32>
      %squeeze3A_563 = vector.extract %slice3A_562[0] : f32 from vector<1xf32>
      %slice3A_564 = vector.extract_strided_slice %scan3A_232#6 {offsets = [4], sizes = [1], strides = [1]} : vector<16xf32> to vector<1xf32>
      %squeeze3A_565 = vector.extract %slice3A_564[0] : f32 from vector<1xf32>
      %slice3A_566 = vector.extract_strided_slice %scan3A_232#6 {offsets = [5], sizes = [1], strides = [1]} : vector<16xf32> to vector<1xf32>
      %squeeze3A_567 = vector.extract %slice3A_566[0] : f32 from vector<1xf32>
      %slice3A_568 = vector.extract_strided_slice %scan3A_232#6 {offsets = [6], sizes = [1], strides = [1]} : vector<16xf32> to vector<1xf32>
      %squeeze3A_569 = vector.extract %slice3A_568[0] : f32 from vector<1xf32>
      %slice3A_570 = vector.extract_strided_slice %scan3A_232#6 {offsets = [7], sizes = [1], strides = [1]} : vector<16xf32> to vector<1xf32>
      %squeeze3A_571 = vector.extract %slice3A_570[0] : f32 from vector<1xf32>
      %slice3A_572 = vector.extract_strided_slice %scan3A_232#6 {offsets = [8], sizes = [1], strides = [1]} : vector<16xf32> to vector<1xf32>
      %squeeze3A_573 = vector.extract %slice3A_572[0] : f32 from vector<1xf32>
      %slice3A_574 = vector.extract_strided_slice %scan3A_232#6 {offsets = [9], sizes = [1], strides = [1]} : vector<16xf32> to vector<1xf32>
      %squeeze3A_575 = vector.extract %slice3A_574[0] : f32 from vector<1xf32>
      %slice3A_576 = vector.extract_strided_slice %scan3A_232#6 {offsets = [10], sizes = [1], strides = [1]} : vector<16xf32> to vector<1xf32>
      %squeeze3A_577 = vector.extract %slice3A_576[0] : f32 from vector<1xf32>
      %slice3A_578 = vector.extract_strided_slice %scan3A_232#6 {offsets = [11], sizes = [1], strides = [1]} : vector<16xf32> to vector<1xf32>
      %squeeze3A_579 = vector.extract %slice3A_578[0] : f32 from vector<1xf32>
      %slice3A_580 = vector.extract_strided_slice %scan3A_232#6 {offsets = [12], sizes = [1], strides = [1]} : vector<16xf32> to vector<1xf32>
      %squeeze3A_581 = vector.extract %slice3A_580[0] : f32 from vector<1xf32>
      %slice3A_582 = vector.extract_strided_slice %scan3A_232#6 {offsets = [13], sizes = [1], strides = [1]} : vector<16xf32> to vector<1xf32>
      %squeeze3A_583 = vector.extract %slice3A_582[0] : f32 from vector<1xf32>
      %slice3A_584 = vector.extract_strided_slice %scan3A_232#6 {offsets = [14], sizes = [1], strides = [1]} : vector<16xf32> to vector<1xf32>
      %squeeze3A_585 = vector.extract %slice3A_584[0] : f32 from vector<1xf32>
      %slice3A_586 = vector.extract_strided_slice %scan3A_232#6 {offsets = [15], sizes = [1], strides = [1]} : vector<16xf32> to vector<1xf32>
      %squeeze3A_587 = vector.extract %slice3A_586[0] : f32 from vector<1xf32>
      %min3A_588 = arith.minimumf %squeeze3A_557, %squeeze3A_559 : f32
      %min3A_589 = arith.minimumf %squeeze3A_561, %squeeze3A_563 : f32
      %min3A_590 = arith.minimumf %squeeze3A_565, %squeeze3A_567 : f32
      %min3A_591 = arith.minimumf %squeeze3A_569, %squeeze3A_571 : f32
      %min3A_592 = arith.minimumf %squeeze3A_573, %squeeze3A_575 : f32
      %min3A_593 = arith.minimumf %squeeze3A_577, %squeeze3A_579 : f32
      %min3A_594 = arith.minimumf %squeeze3A_581, %squeeze3A_583 : f32
      %min3A_595 = arith.minimumf %squeeze3A_585, %squeeze3A_587 : f32
      %min3A_596 = arith.minimumf %min3A_588, %min3A_589 : f32
      %min3A_597 = arith.minimumf %min3A_590, %min3A_591 : f32
      %min3A_598 = arith.minimumf %min3A_592, %min3A_593 : f32
      %min3A_599 = arith.minimumf %min3A_594, %min3A_595 : f32
      %min3A_600 = arith.minimumf %min3A_596, %min3A_597 : f32
      %min3A_601 = arith.minimumf %min3A_598, %min3A_599 : f32
      %min3A_602 = arith.minimumf %min3A_600, %min3A_601 : f32
      %max3A_603 = arith.constant 0.000000e+00 : f32
      %max3A_604 = arith.maximumf %min3A_602, %max3A_603 : f32
      %eq3A_605 = arith.constant 6 : i32
      %eq3A_606 = vector.broadcast %eq3A_605 : i32 to vector<16xi32>
      %eq3A_607 = arith.cmpi eq, %iota3A, %eq3A_606 : vector<16xi32>
      %broadcast_in_dim3A_608 = vector.broadcast %max3A_604 : f32 to vector<16xf32>
      %select_n3A_609 = arith.select %eq3A_607, %broadcast_in_dim3A_608, %select_n3A_555 : vector<16xi1>, vector<16xf32>
      %slice3A_610 = vector.extract_strided_slice %scan3A_232#7 {offsets = [0], sizes = [1], strides = [1]} : vector<16xf32> to vector<1xf32>
      %squeeze3A_611 = vector.extract %slice3A_610[0] : f32 from vector<1xf32>
      %slice3A_612 = vector.extract_strided_slice %scan3A_232#7 {offsets = [1], sizes = [1], strides = [1]} : vector<16xf32> to vector<1xf32>
      %squeeze3A_613 = vector.extract %slice3A_612[0] : f32 from vector<1xf32>
      %slice3A_614 = vector.extract_strided_slice %scan3A_232#7 {offsets = [2], sizes = [1], strides = [1]} : vector<16xf32> to vector<1xf32>
      %squeeze3A_615 = vector.extract %slice3A_614[0] : f32 from vector<1xf32>
      %slice3A_616 = vector.extract_strided_slice %scan3A_232#7 {offsets = [3], sizes = [1], strides = [1]} : vector<16xf32> to vector<1xf32>
      %squeeze3A_617 = vector.extract %slice3A_616[0] : f32 from vector<1xf32>
      %slice3A_618 = vector.extract_strided_slice %scan3A_232#7 {offsets = [4], sizes = [1], strides = [1]} : vector<16xf32> to vector<1xf32>
      %squeeze3A_619 = vector.extract %slice3A_618[0] : f32 from vector<1xf32>
      %slice3A_620 = vector.extract_strided_slice %scan3A_232#7 {offsets = [5], sizes = [1], strides = [1]} : vector<16xf32> to vector<1xf32>
      %squeeze3A_621 = vector.extract %slice3A_620[0] : f32 from vector<1xf32>
      %slice3A_622 = vector.extract_strided_slice %scan3A_232#7 {offsets = [6], sizes = [1], strides = [1]} : vector<16xf32> to vector<1xf32>
      %squeeze3A_623 = vector.extract %slice3A_622[0] : f32 from vector<1xf32>
      %slice3A_624 = vector.extract_strided_slice %scan3A_232#7 {offsets = [7], sizes = [1], strides = [1]} : vector<16xf32> to vector<1xf32>
      %squeeze3A_625 = vector.extract %slice3A_624[0] : f32 from vector<1xf32>
      %slice3A_626 = vector.extract_strided_slice %scan3A_232#7 {offsets = [8], sizes = [1], strides = [1]} : vector<16xf32> to vector<1xf32>
      %squeeze3A_627 = vector.extract %slice3A_626[0] : f32 from vector<1xf32>
      %slice3A_628 = vector.extract_strided_slice %scan3A_232#7 {offsets = [9], sizes = [1], strides = [1]} : vector<16xf32> to vector<1xf32>
      %squeeze3A_629 = vector.extract %slice3A_628[0] : f32 from vector<1xf32>
      %slice3A_630 = vector.extract_strided_slice %scan3A_232#7 {offsets = [10], sizes = [1], strides = [1]} : vector<16xf32> to vector<1xf32>
      %squeeze3A_631 = vector.extract %slice3A_630[0] : f32 from vector<1xf32>
      %slice3A_632 = vector.extract_strided_slice %scan3A_232#7 {offsets = [11], sizes = [1], strides = [1]} : vector<16xf32> to vector<1xf32>
      %squeeze3A_633 = vector.extract %slice3A_632[0] : f32 from vector<1xf32>
      %slice3A_634 = vector.extract_strided_slice %scan3A_232#7 {offsets = [12], sizes = [1], strides = [1]} : vector<16xf32> to vector<1xf32>
      %squeeze3A_635 = vector.extract %slice3A_634[0] : f32 from vector<1xf32>
      %slice3A_636 = vector.extract_strided_slice %scan3A_232#7 {offsets = [13], sizes = [1], strides = [1]} : vector<16xf32> to vector<1xf32>
      %squeeze3A_637 = vector.extract %slice3A_636[0] : f32 from vector<1xf32>
      %slice3A_638 = vector.extract_strided_slice %scan3A_232#7 {offsets = [14], sizes = [1], strides = [1]} : vector<16xf32> to vector<1xf32>
      %squeeze3A_639 = vector.extract %slice3A_638[0] : f32 from vector<1xf32>
      %slice3A_640 = vector.extract_strided_slice %scan3A_232#7 {offsets = [15], sizes = [1], strides = [1]} : vector<16xf32> to vector<1xf32>
      %squeeze3A_641 = vector.extract %slice3A_640[0] : f32 from vector<1xf32>
      %min3A_642 = arith.minimumf %squeeze3A_611, %squeeze3A_613 : f32
      %min3A_643 = arith.minimumf %squeeze3A_615, %squeeze3A_617 : f32
      %min3A_644 = arith.minimumf %squeeze3A_619, %squeeze3A_621 : f32
      %min3A_645 = arith.minimumf %squeeze3A_623, %squeeze3A_625 : f32
      %min3A_646 = arith.minimumf %squeeze3A_627, %squeeze3A_629 : f32
      %min3A_647 = arith.minimumf %squeeze3A_631, %squeeze3A_633 : f32
      %min3A_648 = arith.minimumf %squeeze3A_635, %squeeze3A_637 : f32
      %min3A_649 = arith.minimumf %squeeze3A_639, %squeeze3A_641 : f32
      %min3A_650 = arith.minimumf %min3A_642, %min3A_643 : f32
      %min3A_651 = arith.minimumf %min3A_644, %min3A_645 : f32
      %min3A_652 = arith.minimumf %min3A_646, %min3A_647 : f32
      %min3A_653 = arith.minimumf %min3A_648, %min3A_649 : f32
      %min3A_654 = arith.minimumf %min3A_650, %min3A_651 : f32
      %min3A_655 = arith.minimumf %min3A_652, %min3A_653 : f32
      %min3A_656 = arith.minimumf %min3A_654, %min3A_655 : f32
      %max3A_657 = arith.constant 0.000000e+00 : f32
      %max3A_658 = arith.maximumf %min3A_656, %max3A_657 : f32
      %eq3A_659 = arith.constant 7 : i32
      %eq3A_660 = vector.broadcast %eq3A_659 : i32 to vector<16xi32>
      %eq3A_661 = arith.cmpi eq, %iota3A, %eq3A_660 : vector<16xi32>
      %broadcast_in_dim3A_662 = vector.broadcast %max3A_658 : f32 to vector<16xf32>
      %select_n3A_663 = arith.select %eq3A_661, %broadcast_in_dim3A_662, %select_n3A_609 : vector<16xi1>, vector<16xf32>
      %slice3A_664 = vector.extract_strided_slice %get3A_53 {offsets = [8], sizes = [1], strides = [1]} : vector<16xf32> to vector<1xf32>
      %squeeze3A_665 = vector.extract %slice3A_664[0] : f32 from vector<1xf32>
      %mul3A_666 = arith.constant -2.000000e+00 : f32
      %mul3A_667 = arith.mulf %mul3A_666, %squeeze3A_665 : f32
      %broadcast_in_dim3A_668 = vector.broadcast %mul3A_667 : f32 to vector<16xf32>
      %slice3A_669 = vector.extract_strided_slice %get3A_58 {offsets = [8], sizes = [1], strides = [1]} : vector<16xf32> to vector<1xf32>
      %squeeze3A_670 = vector.extract %slice3A_669[0] : f32 from vector<1xf32>
      %mul3A_671 = arith.constant -2.000000e+00 : f32
      %mul3A_672 = arith.mulf %mul3A_671, %squeeze3A_670 : f32
      %broadcast_in_dim3A_673 = vector.broadcast %mul3A_672 : f32 to vector<16xf32>
      %slice3A_674 = vector.extract_strided_slice %get3A_63 {offsets = [8], sizes = [1], strides = [1]} : vector<16xf32> to vector<1xf32>
      %squeeze3A_675 = vector.extract %slice3A_674[0] : f32 from vector<1xf32>
      %mul3A_676 = arith.constant -2.000000e+00 : f32
      %mul3A_677 = arith.mulf %mul3A_676, %squeeze3A_675 : f32
      %broadcast_in_dim3A_678 = vector.broadcast %mul3A_677 : f32 to vector<16xf32>
      %slice3A_679 = vector.extract_strided_slice %add3A_68 {offsets = [8], sizes = [1], strides = [1]} : vector<16xf32> to vector<1xf32>
      %squeeze3A_680 = vector.extract %slice3A_679[0] : f32 from vector<1xf32>
      %broadcast_in_dim3A_681 = vector.broadcast %squeeze3A_680 : f32 to vector<16xf32>
      %slice3A_682 = vector.extract_strided_slice %get3A_53 {offsets = [9], sizes = [1], strides = [1]} : vector<16xf32> to vector<1xf32>
      %squeeze3A_683 = vector.extract %slice3A_682[0] : f32 from vector<1xf32>
      %mul3A_684 = arith.constant -2.000000e+00 : f32
      %mul3A_685 = arith.mulf %mul3A_684, %squeeze3A_683 : f32
      %broadcast_in_dim3A_686 = vector.broadcast %mul3A_685 : f32 to vector<16xf32>
      %slice3A_687 = vector.extract_strided_slice %get3A_58 {offsets = [9], sizes = [1], strides = [1]} : vector<16xf32> to vector<1xf32>
      %squeeze3A_688 = vector.extract %slice3A_687[0] : f32 from vector<1xf32>
      %mul3A_689 = arith.constant -2.000000e+00 : f32
      %mul3A_690 = arith.mulf %mul3A_689, %squeeze3A_688 : f32
      %broadcast_in_dim3A_691 = vector.broadcast %mul3A_690 : f32 to vector<16xf32>
      %slice3A_692 = vector.extract_strided_slice %get3A_63 {offsets = [9], sizes = [1], strides = [1]} : vector<16xf32> to vector<1xf32>
      %squeeze3A_693 = vector.extract %slice3A_692[0] : f32 from vector<1xf32>
      %mul3A_694 = arith.constant -2.000000e+00 : f32
      %mul3A_695 = arith.mulf %mul3A_694, %squeeze3A_693 : f32
      %broadcast_in_dim3A_696 = vector.broadcast %mul3A_695 : f32 to vector<16xf32>
      %slice3A_697 = vector.extract_strided_slice %add3A_68 {offsets = [9], sizes = [1], strides = [1]} : vector<16xf32> to vector<1xf32>
      %squeeze3A_698 = vector.extract %slice3A_697[0] : f32 from vector<1xf32>
      %broadcast_in_dim3A_699 = vector.broadcast %squeeze3A_698 : f32 to vector<16xf32>
      %slice3A_700 = vector.extract_strided_slice %get3A_53 {offsets = [10], sizes = [1], strides = [1]} : vector<16xf32> to vector<1xf32>
      %squeeze3A_701 = vector.extract %slice3A_700[0] : f32 from vector<1xf32>
      %mul3A_702 = arith.constant -2.000000e+00 : f32
      %mul3A_703 = arith.mulf %mul3A_702, %squeeze3A_701 : f32
      %broadcast_in_dim3A_704 = vector.broadcast %mul3A_703 : f32 to vector<16xf32>
      %slice3A_705 = vector.extract_strided_slice %get3A_58 {offsets = [10], sizes = [1], strides = [1]} : vector<16xf32> to vector<1xf32>
      %squeeze3A_706 = vector.extract %slice3A_705[0] : f32 from vector<1xf32>
      %mul3A_707 = arith.constant -2.000000e+00 : f32
      %mul3A_708 = arith.mulf %mul3A_707, %squeeze3A_706 : f32
      %broadcast_in_dim3A_709 = vector.broadcast %mul3A_708 : f32 to vector<16xf32>
      %slice3A_710 = vector.extract_strided_slice %get3A_63 {offsets = [10], sizes = [1], strides = [1]} : vector<16xf32> to vector<1xf32>
      %squeeze3A_711 = vector.extract %slice3A_710[0] : f32 from vector<1xf32>
      %mul3A_712 = arith.constant -2.000000e+00 : f32
      %mul3A_713 = arith.mulf %mul3A_712, %squeeze3A_711 : f32
      %broadcast_in_dim3A_714 = vector.broadcast %mul3A_713 : f32 to vector<16xf32>
      %slice3A_715 = vector.extract_strided_slice %add3A_68 {offsets = [10], sizes = [1], strides = [1]} : vector<16xf32> to vector<1xf32>
      %squeeze3A_716 = vector.extract %slice3A_715[0] : f32 from vector<1xf32>
      %broadcast_in_dim3A_717 = vector.broadcast %squeeze3A_716 : f32 to vector<16xf32>
      %slice3A_718 = vector.extract_strided_slice %get3A_53 {offsets = [11], sizes = [1], strides = [1]} : vector<16xf32> to vector<1xf32>
      %squeeze3A_719 = vector.extract %slice3A_718[0] : f32 from vector<1xf32>
      %mul3A_720 = arith.constant -2.000000e+00 : f32
      %mul3A_721 = arith.mulf %mul3A_720, %squeeze3A_719 : f32
      %broadcast_in_dim3A_722 = vector.broadcast %mul3A_721 : f32 to vector<16xf32>
      %slice3A_723 = vector.extract_strided_slice %get3A_58 {offsets = [11], sizes = [1], strides = [1]} : vector<16xf32> to vector<1xf32>
      %squeeze3A_724 = vector.extract %slice3A_723[0] : f32 from vector<1xf32>
      %mul3A_725 = arith.constant -2.000000e+00 : f32
      %mul3A_726 = arith.mulf %mul3A_725, %squeeze3A_724 : f32
      %broadcast_in_dim3A_727 = vector.broadcast %mul3A_726 : f32 to vector<16xf32>
      %slice3A_728 = vector.extract_strided_slice %get3A_63 {offsets = [11], sizes = [1], strides = [1]} : vector<16xf32> to vector<1xf32>
      %squeeze3A_729 = vector.extract %slice3A_728[0] : f32 from vector<1xf32>
      %mul3A_730 = arith.constant -2.000000e+00 : f32
      %mul3A_731 = arith.mulf %mul3A_730, %squeeze3A_729 : f32
      %broadcast_in_dim3A_732 = vector.broadcast %mul3A_731 : f32 to vector<16xf32>
      %slice3A_733 = vector.extract_strided_slice %add3A_68 {offsets = [11], sizes = [1], strides = [1]} : vector<16xf32> to vector<1xf32>
      %squeeze3A_734 = vector.extract %slice3A_733[0] : f32 from vector<1xf32>
      %broadcast_in_dim3A_735 = vector.broadcast %squeeze3A_734 : f32 to vector<16xf32>
      %slice3A_736 = vector.extract_strided_slice %get3A_53 {offsets = [12], sizes = [1], strides = [1]} : vector<16xf32> to vector<1xf32>
      %squeeze3A_737 = vector.extract %slice3A_736[0] : f32 from vector<1xf32>
      %mul3A_738 = arith.constant -2.000000e+00 : f32
      %mul3A_739 = arith.mulf %mul3A_738, %squeeze3A_737 : f32
      %broadcast_in_dim3A_740 = vector.broadcast %mul3A_739 : f32 to vector<16xf32>
      %slice3A_741 = vector.extract_strided_slice %get3A_58 {offsets = [12], sizes = [1], strides = [1]} : vector<16xf32> to vector<1xf32>
      %squeeze3A_742 = vector.extract %slice3A_741[0] : f32 from vector<1xf32>
      %mul3A_743 = arith.constant -2.000000e+00 : f32
      %mul3A_744 = arith.mulf %mul3A_743, %squeeze3A_742 : f32
      %broadcast_in_dim3A_745 = vector.broadcast %mul3A_744 : f32 to vector<16xf32>
      %slice3A_746 = vector.extract_strided_slice %get3A_63 {offsets = [12], sizes = [1], strides = [1]} : vector<16xf32> to vector<1xf32>
      %squeeze3A_747 = vector.extract %slice3A_746[0] : f32 from vector<1xf32>
      %mul3A_748 = arith.constant -2.000000e+00 : f32
      %mul3A_749 = arith.mulf %mul3A_748, %squeeze3A_747 : f32
      %broadcast_in_dim3A_750 = vector.broadcast %mul3A_749 : f32 to vector<16xf32>
      %slice3A_751 = vector.extract_strided_slice %add3A_68 {offsets = [12], sizes = [1], strides = [1]} : vector<16xf32> to vector<1xf32>
      %squeeze3A_752 = vector.extract %slice3A_751[0] : f32 from vector<1xf32>
      %broadcast_in_dim3A_753 = vector.broadcast %squeeze3A_752 : f32 to vector<16xf32>
      %slice3A_754 = vector.extract_strided_slice %get3A_53 {offsets = [13], sizes = [1], strides = [1]} : vector<16xf32> to vector<1xf32>
      %squeeze3A_755 = vector.extract %slice3A_754[0] : f32 from vector<1xf32>
      %mul3A_756 = arith.constant -2.000000e+00 : f32
      %mul3A_757 = arith.mulf %mul3A_756, %squeeze3A_755 : f32
      %broadcast_in_dim3A_758 = vector.broadcast %mul3A_757 : f32 to vector<16xf32>
      %slice3A_759 = vector.extract_strided_slice %get3A_58 {offsets = [13], sizes = [1], strides = [1]} : vector<16xf32> to vector<1xf32>
      %squeeze3A_760 = vector.extract %slice3A_759[0] : f32 from vector<1xf32>
      %mul3A_761 = arith.constant -2.000000e+00 : f32
      %mul3A_762 = arith.mulf %mul3A_761, %squeeze3A_760 : f32
      %broadcast_in_dim3A_763 = vector.broadcast %mul3A_762 : f32 to vector<16xf32>
      %slice3A_764 = vector.extract_strided_slice %get3A_63 {offsets = [13], sizes = [1], strides = [1]} : vector<16xf32> to vector<1xf32>
      %squeeze3A_765 = vector.extract %slice3A_764[0] : f32 from vector<1xf32>
      %mul3A_766 = arith.constant -2.000000e+00 : f32
      %mul3A_767 = arith.mulf %mul3A_766, %squeeze3A_765 : f32
      %broadcast_in_dim3A_768 = vector.broadcast %mul3A_767 : f32 to vector<16xf32>
      %slice3A_769 = vector.extract_strided_slice %add3A_68 {offsets = [13], sizes = [1], strides = [1]} : vector<16xf32> to vector<1xf32>
      %squeeze3A_770 = vector.extract %slice3A_769[0] : f32 from vector<1xf32>
      %broadcast_in_dim3A_771 = vector.broadcast %squeeze3A_770 : f32 to vector<16xf32>
      %slice3A_772 = vector.extract_strided_slice %get3A_53 {offsets = [14], sizes = [1], strides = [1]} : vector<16xf32> to vector<1xf32>
      %squeeze3A_773 = vector.extract %slice3A_772[0] : f32 from vector<1xf32>
      %mul3A_774 = arith.constant -2.000000e+00 : f32
      %mul3A_775 = arith.mulf %mul3A_774, %squeeze3A_773 : f32
      %broadcast_in_dim3A_776 = vector.broadcast %mul3A_775 : f32 to vector<16xf32>
      %slice3A_777 = vector.extract_strided_slice %get3A_58 {offsets = [14], sizes = [1], strides = [1]} : vector<16xf32> to vector<1xf32>
      %squeeze3A_778 = vector.extract %slice3A_777[0] : f32 from vector<1xf32>
      %mul3A_779 = arith.constant -2.000000e+00 : f32
      %mul3A_780 = arith.mulf %mul3A_779, %squeeze3A_778 : f32
      %broadcast_in_dim3A_781 = vector.broadcast %mul3A_780 : f32 to vector<16xf32>
      %slice3A_782 = vector.extract_strided_slice %get3A_63 {offsets = [14], sizes = [1], strides = [1]} : vector<16xf32> to vector<1xf32>
      %squeeze3A_783 = vector.extract %slice3A_782[0] : f32 from vector<1xf32>
      %mul3A_784 = arith.constant -2.000000e+00 : f32
      %mul3A_785 = arith.mulf %mul3A_784, %squeeze3A_783 : f32
      %broadcast_in_dim3A_786 = vector.broadcast %mul3A_785 : f32 to vector<16xf32>
      %slice3A_787 = vector.extract_strided_slice %add3A_68 {offsets = [14], sizes = [1], strides = [1]} : vector<16xf32> to vector<1xf32>
      %squeeze3A_788 = vector.extract %slice3A_787[0] : f32 from vector<1xf32>
      %broadcast_in_dim3A_789 = vector.broadcast %squeeze3A_788 : f32 to vector<16xf32>
      %slice3A_790 = vector.extract_strided_slice %get3A_53 {offsets = [15], sizes = [1], strides = [1]} : vector<16xf32> to vector<1xf32>
      %squeeze3A_791 = vector.extract %slice3A_790[0] : f32 from vector<1xf32>
      %mul3A_792 = arith.constant -2.000000e+00 : f32
      %mul3A_793 = arith.mulf %mul3A_792, %squeeze3A_791 : f32
      %broadcast_in_dim3A_794 = vector.broadcast %mul3A_793 : f32 to vector<16xf32>
      %slice3A_795 = vector.extract_strided_slice %get3A_58 {offsets = [15], sizes = [1], strides = [1]} : vector<16xf32> to vector<1xf32>
      %squeeze3A_796 = vector.extract %slice3A_795[0] : f32 from vector<1xf32>
      %mul3A_797 = arith.constant -2.000000e+00 : f32
      %mul3A_798 = arith.mulf %mul3A_797, %squeeze3A_796 : f32
      %broadcast_in_dim3A_799 = vector.broadcast %mul3A_798 : f32 to vector<16xf32>
      %slice3A_800 = vector.extract_strided_slice %get3A_63 {offsets = [15], sizes = [1], strides = [1]} : vector<16xf32> to vector<1xf32>
      %squeeze3A_801 = vector.extract %slice3A_800[0] : f32 from vector<1xf32>
      %mul3A_802 = arith.constant -2.000000e+00 : f32
      %mul3A_803 = arith.mulf %mul3A_802, %squeeze3A_801 : f32
      %broadcast_in_dim3A_804 = vector.broadcast %mul3A_803 : f32 to vector<16xf32>
      %slice3A_805 = vector.extract_strided_slice %add3A_68 {offsets = [15], sizes = [1], strides = [1]} : vector<16xf32> to vector<1xf32>
      %squeeze3A_806 = vector.extract %slice3A_805[0] : f32 from vector<1xf32>
      %broadcast_in_dim3A_807 = vector.broadcast %squeeze3A_806 : f32 to vector<16xf32>
      %broadcast_in_dim3A_808 = arith.constant 3.000000e+38 : f32
      %broadcast_in_dim3A_809 = vector.broadcast %broadcast_in_dim3A_808 : f32 to vector<16xf32>
      %broadcast_in_dim3A_810 = arith.constant 3.000000e+38 : f32
      %broadcast_in_dim3A_811 = vector.broadcast %broadcast_in_dim3A_810 : f32 to vector<16xf32>
      %broadcast_in_dim3A_812 = arith.constant 3.000000e+38 : f32
      %broadcast_in_dim3A_813 = vector.broadcast %broadcast_in_dim3A_812 : f32 to vector<16xf32>
      %broadcast_in_dim3A_814 = arith.constant 3.000000e+38 : f32
      %broadcast_in_dim3A_815 = vector.broadcast %broadcast_in_dim3A_814 : f32 to vector<16xf32>
      %broadcast_in_dim3A_816 = arith.constant 3.000000e+38 : f32
      %broadcast_in_dim3A_817 = vector.broadcast %broadcast_in_dim3A_816 : f32 to vector<16xf32>
      %broadcast_in_dim3A_818 = arith.constant 3.000000e+38 : f32
      %broadcast_in_dim3A_819 = vector.broadcast %broadcast_in_dim3A_818 : f32 to vector<16xf32>
      %broadcast_in_dim3A_820 = arith.constant 3.000000e+38 : f32
      %broadcast_in_dim3A_821 = vector.broadcast %broadcast_in_dim3A_820 : f32 to vector<16xf32>
      %broadcast_in_dim3A_822 = arith.constant 3.000000e+38 : f32
      %broadcast_in_dim3A_823 = vector.broadcast %broadcast_in_dim3A_822 : f32 to vector<16xf32>
      %scan3A_824 = arith.constant 0 : i32
      %scan3A_825 = arith.constant 128 : i32
      %scan3A_826 = arith.addi %scan3A_824, %scan3A_825 : i32
      %scan3A_827 = arith.constant 2 : i32
      %scan3A_828:8 = scf.for %scan3A_1267 = %scan3A_824 to %scan3A_826 step %scan3A_827 iter_args(%scan3A_1268 = %broadcast_in_dim3A_809, %scan3A_1269 = %broadcast_in_dim3A_811, %scan3A_1270 = %broadcast_in_dim3A_813, %scan3A_1271 = %broadcast_in_dim3A_815, %scan3A_1272 = %broadcast_in_dim3A_817, %scan3A_1273 = %broadcast_in_dim3A_819, %scan3A_1274 = %broadcast_in_dim3A_821, %scan3A_1275 = %broadcast_in_dim3A_823) -> (vector<16xf32>, vector<16xf32>, vector<16xf32>, vector<16xf32>, vector<16xf32>, vector<16xf32>, vector<16xf32>, vector<16xf32>)  : i32 {
        %mul3A_1276 = arith.constant 16 : i32
        %mul3A_1277 = arith.muli %scan3A_1267, %mul3A_1276 : i32
        %get3A_1278 = arith.constant 0 : i32
        %get3A_1279 = arith.index_cast %get3A_1278 : i32 to index
        %get3A_1280 = arith.index_cast %mul3A_1277 : i32 to index
        %get3A_1281 = tpu.vector_load %arg6[%get3A_1279, %get3A_1280] {strides = array<i32>} : memref<3x2048xf32, #tpu.memory_space<vmem>>, vector<1x16xf32>,
        %get3A_1282 = vector.shape_cast %get3A_1281 : vector<1x16xf32> to vector<16xf32>
        %get3A_1283 = arith.constant 1 : i32
        %get3A_1284 = arith.index_cast %get3A_1283 : i32 to index
        %get3A_1285 = arith.index_cast %mul3A_1277 : i32 to index
        %get3A_1286 = tpu.vector_load %arg6[%get3A_1284, %get3A_1285] {strides = array<i32>} : memref<3x2048xf32, #tpu.memory_space<vmem>>, vector<1x16xf32>,
        %get3A_1287 = vector.shape_cast %get3A_1286 : vector<1x16xf32> to vector<16xf32>
        %get3A_1288 = arith.constant 2 : i32
        %get3A_1289 = arith.index_cast %get3A_1288 : i32 to index
        %get3A_1290 = arith.index_cast %mul3A_1277 : i32 to index
        %get3A_1291 = tpu.vector_load %arg6[%get3A_1289, %get3A_1290] {strides = array<i32>} : memref<3x2048xf32, #tpu.memory_space<vmem>>, vector<1x16xf32>,
        %get3A_1292 = vector.shape_cast %get3A_1291 : vector<1x16xf32> to vector<16xf32>
        %get3A_1293 = arith.index_cast %mul3A_1277 : i32 to index
        %get3A_1294 = tpu.vector_load %arg10[%get3A_1293] {strides = array<i32>} : memref<2048xf32, #tpu.memory_space<vmem>>, vector<16xf32>,
        %get3A_1295 = vector.shape_cast %get3A_1294 : vector<16xf32> to vector<16xf32>
        %mul3A_1296 = arith.mulf %broadcast_in_dim3A_668, %get3A_1282 : vector<16xf32>
        %mul3A_1297 = arith.mulf %broadcast_in_dim3A_673, %get3A_1287 : vector<16xf32>
        %mul3A_1298 = arith.mulf %broadcast_in_dim3A_678, %get3A_1292 : vector<16xf32>
        %add3A_1299 = arith.addf %get3A_1295, %broadcast_in_dim3A_681 : vector<16xf32>
        %add3A_1300 = arith.addf %mul3A_1298, %add3A_1299 : vector<16xf32>
        %add3A_1301 = arith.addf %mul3A_1297, %add3A_1300 : vector<16xf32>
        %add3A_1302 = arith.addf %mul3A_1296, %add3A_1301 : vector<16xf32>
        %mul3A_1303 = arith.mulf %broadcast_in_dim3A_686, %get3A_1282 : vector<16xf32>
        %mul3A_1304 = arith.mulf %broadcast_in_dim3A_691, %get3A_1287 : vector<16xf32>
        %mul3A_1305 = arith.mulf %broadcast_in_dim3A_696, %get3A_1292 : vector<16xf32>
        %add3A_1306 = arith.addf %get3A_1295, %broadcast_in_dim3A_699 : vector<16xf32>
        %add3A_1307 = arith.addf %mul3A_1305, %add3A_1306 : vector<16xf32>
        %add3A_1308 = arith.addf %mul3A_1304, %add3A_1307 : vector<16xf32>
        %add3A_1309 = arith.addf %mul3A_1303, %add3A_1308 : vector<16xf32>
        %mul3A_1310 = arith.mulf %broadcast_in_dim3A_704, %get3A_1282 : vector<16xf32>
        %mul3A_1311 = arith.mulf %broadcast_in_dim3A_709, %get3A_1287 : vector<16xf32>
        %mul3A_1312 = arith.mulf %broadcast_in_dim3A_714, %get3A_1292 : vector<16xf32>
        %add3A_1313 = arith.addf %get3A_1295, %broadcast_in_dim3A_717 : vector<16xf32>
        %add3A_1314 = arith.addf %mul3A_1312, %add3A_1313 : vector<16xf32>
        %add3A_1315 = arith.addf %mul3A_1311, %add3A_1314 : vector<16xf32>
        %add3A_1316 = arith.addf %mul3A_1310, %add3A_1315 : vector<16xf32>
        %mul3A_1317 = arith.mulf %broadcast_in_dim3A_722, %get3A_1282 : vector<16xf32>
        %mul3A_1318 = arith.mulf %broadcast_in_dim3A_727, %get3A_1287 : vector<16xf32>
        %mul3A_1319 = arith.mulf %broadcast_in_dim3A_732, %get3A_1292 : vector<16xf32>
        %add3A_1320 = arith.addf %get3A_1295, %broadcast_in_dim3A_735 : vector<16xf32>
        %add3A_1321 = arith.addf %mul3A_1319, %add3A_1320 : vector<16xf32>
        %add3A_1322 = arith.addf %mul3A_1318, %add3A_1321 : vector<16xf32>
        %add3A_1323 = arith.addf %mul3A_1317, %add3A_1322 : vector<16xf32>
        %mul3A_1324 = arith.mulf %broadcast_in_dim3A_740, %get3A_1282 : vector<16xf32>
        %mul3A_1325 = arith.mulf %broadcast_in_dim3A_745, %get3A_1287 : vector<16xf32>
        %mul3A_1326 = arith.mulf %broadcast_in_dim3A_750, %get3A_1292 : vector<16xf32>
        %add3A_1327 = arith.addf %get3A_1295, %broadcast_in_dim3A_753 : vector<16xf32>
        %add3A_1328 = arith.addf %mul3A_1326, %add3A_1327 : vector<16xf32>
        %add3A_1329 = arith.addf %mul3A_1325, %add3A_1328 : vector<16xf32>
        %add3A_1330 = arith.addf %mul3A_1324, %add3A_1329 : vector<16xf32>
        %mul3A_1331 = arith.mulf %broadcast_in_dim3A_758, %get3A_1282 : vector<16xf32>
        %mul3A_1332 = arith.mulf %broadcast_in_dim3A_763, %get3A_1287 : vector<16xf32>
        %mul3A_1333 = arith.mulf %broadcast_in_dim3A_768, %get3A_1292 : vector<16xf32>
        %add3A_1334 = arith.addf %get3A_1295, %broadcast_in_dim3A_771 : vector<16xf32>
        %add3A_1335 = arith.addf %mul3A_1333, %add3A_1334 : vector<16xf32>
        %add3A_1336 = arith.addf %mul3A_1332, %add3A_1335 : vector<16xf32>
        %add3A_1337 = arith.addf %mul3A_1331, %add3A_1336 : vector<16xf32>
        %mul3A_1338 = arith.mulf %broadcast_in_dim3A_776, %get3A_1282 : vector<16xf32>
        %mul3A_1339 = arith.mulf %broadcast_in_dim3A_781, %get3A_1287 : vector<16xf32>
        %mul3A_1340 = arith.mulf %broadcast_in_dim3A_786, %get3A_1292 : vector<16xf32>
        %add3A_1341 = arith.addf %get3A_1295, %broadcast_in_dim3A_789 : vector<16xf32>
        %add3A_1342 = arith.addf %mul3A_1340, %add3A_1341 : vector<16xf32>
        %add3A_1343 = arith.addf %mul3A_1339, %add3A_1342 : vector<16xf32>
        %add3A_1344 = arith.addf %mul3A_1338, %add3A_1343 : vector<16xf32>
        %mul3A_1345 = arith.mulf %broadcast_in_dim3A_794, %get3A_1282 : vector<16xf32>
        %mul3A_1346 = arith.mulf %broadcast_in_dim3A_799, %get3A_1287 : vector<16xf32>
        %mul3A_1347 = arith.mulf %broadcast_in_dim3A_804, %get3A_1292 : vector<16xf32>
        %add3A_1348 = arith.addf %get3A_1295, %broadcast_in_dim3A_807 : vector<16xf32>
        %add3A_1349 = arith.addf %mul3A_1347, %add3A_1348 : vector<16xf32>
        %add3A_1350 = arith.addf %mul3A_1346, %add3A_1349 : vector<16xf32>
        %add3A_1351 = arith.addf %mul3A_1345, %add3A_1350 : vector<16xf32>
        %min3A_1352 = arith.minimumf %add3A_1302, %add3A_1309 : vector<16xf32>
        %min3A_1353 = arith.minimumf %add3A_1316, %add3A_1323 : vector<16xf32>
        %min3A_1354 = arith.minimumf %add3A_1330, %add3A_1337 : vector<16xf32>
        %min3A_1355 = arith.minimumf %add3A_1344, %add3A_1351 : vector<16xf32>
        %min3A_1356 = arith.minimumf %min3A_1352, %min3A_1353 : vector<16xf32>
        %min3A_1357 = arith.minimumf %min3A_1354, %min3A_1355 : vector<16xf32>
        %min3A_1358 = arith.minimumf %min3A_1356, %min3A_1357 : vector<16xf32>
        %get3A_1359 = arith.index_cast %mul3A_1277 : i32 to index
        %get3A_1360 = tpu.vector_load %arg8[%get3A_1359] {strides = array<i32>} : memref<2048xf32, #tpu.memory_space<vmem>>, vector<16xf32>,
        %get3A_1361 = vector.shape_cast %get3A_1360 : vector<16xf32> to vector<16xf32>
        %min3A_1362 = arith.minimumf %get3A_1361, %min3A_1358 : vector<16xf32>
        %swap3A_1363 = arith.index_cast %mul3A_1277 : i32 to index
        %swap3A_1364 = tpu.vector_load %arg8[%swap3A_1363] {strides = array<i32>} : memref<2048xf32, #tpu.memory_space<vmem>>, vector<16xf32>,
        %swap3A_1365 = vector.shape_cast %swap3A_1364 : vector<16xf32> to vector<16xf32>
        %swap3A_1366 = vector.shape_cast %min3A_1362 : vector<16xf32> to vector<16xf32>
        tpu.vector_store %arg8[%swap3A_1363], %swap3A_1366 {strides = array<i32>} : memref<2048xf32, #tpu.memory_space<vmem>>, vector<16xf32>,
        %min3A_1367 = arith.minimumf %scan3A_1268, %add3A_1302 : vector<16xf32>
        %min3A_1368 = arith.minimumf %scan3A_1269, %add3A_1309 : vector<16xf32>
        %min3A_1369 = arith.minimumf %scan3A_1270, %add3A_1316 : vector<16xf32>
        %min3A_1370 = arith.minimumf %scan3A_1271, %add3A_1323 : vector<16xf32>
        %min3A_1371 = arith.minimumf %scan3A_1272, %add3A_1330 : vector<16xf32>
        %min3A_1372 = arith.minimumf %scan3A_1273, %add3A_1337 : vector<16xf32>
        %min3A_1373 = arith.minimumf %scan3A_1274, %add3A_1344 : vector<16xf32>
        %min3A_1374 = arith.minimumf %scan3A_1275, %add3A_1351 : vector<16xf32>
        %scan3A_1375 = arith.constant 1 : i32
        %scan3A_1376 = arith.addi %scan3A_1267, %scan3A_1375 : i32
        %mul3A_1377 = arith.constant 16 : i32
        %mul3A_1378 = arith.muli %scan3A_1376, %mul3A_1377 : i32
        %get3A_1379 = arith.constant 0 : i32
        %get3A_1380 = arith.index_cast %get3A_1379 : i32 to index
        %get3A_1381 = arith.index_cast %mul3A_1378 : i32 to index
        %get3A_1382 = tpu.vector_load %arg6[%get3A_1380, %get3A_1381] {strides = array<i32>} : memref<3x2048xf32, #tpu.memory_space<vmem>>, vector<1x16xf32>,
        %get3A_1383 = vector.shape_cast %get3A_1382 : vector<1x16xf32> to vector<16xf32>
        %get3A_1384 = arith.constant 1 : i32
        %get3A_1385 = arith.index_cast %get3A_1384 : i32 to index
        %get3A_1386 = arith.index_cast %mul3A_1378 : i32 to index
        %get3A_1387 = tpu.vector_load %arg6[%get3A_1385, %get3A_1386] {strides = array<i32>} : memref<3x2048xf32, #tpu.memory_space<vmem>>, vector<1x16xf32>,
        %get3A_1388 = vector.shape_cast %get3A_1387 : vector<1x16xf32> to vector<16xf32>
        %get3A_1389 = arith.constant 2 : i32
        %get3A_1390 = arith.index_cast %get3A_1389 : i32 to index
        %get3A_1391 = arith.index_cast %mul3A_1378 : i32 to index
        %get3A_1392 = tpu.vector_load %arg6[%get3A_1390, %get3A_1391] {strides = array<i32>} : memref<3x2048xf32, #tpu.memory_space<vmem>>, vector<1x16xf32>,
        %get3A_1393 = vector.shape_cast %get3A_1392 : vector<1x16xf32> to vector<16xf32>
        %get3A_1394 = arith.index_cast %mul3A_1378 : i32 to index
        %get3A_1395 = tpu.vector_load %arg10[%get3A_1394] {strides = array<i32>} : memref<2048xf32, #tpu.memory_space<vmem>>, vector<16xf32>,
        %get3A_1396 = vector.shape_cast %get3A_1395 : vector<16xf32> to vector<16xf32>
        %mul3A_1397 = arith.mulf %broadcast_in_dim3A_668, %get3A_1383 : vector<16xf32>
        %mul3A_1398 = arith.mulf %broadcast_in_dim3A_673, %get3A_1388 : vector<16xf32>
        %mul3A_1399 = arith.mulf %broadcast_in_dim3A_678, %get3A_1393 : vector<16xf32>
        %add3A_1400 = arith.addf %get3A_1396, %broadcast_in_dim3A_681 : vector<16xf32>
        %add3A_1401 = arith.addf %mul3A_1399, %add3A_1400 : vector<16xf32>
        %add3A_1402 = arith.addf %mul3A_1398, %add3A_1401 : vector<16xf32>
        %add3A_1403 = arith.addf %mul3A_1397, %add3A_1402 : vector<16xf32>
        %mul3A_1404 = arith.mulf %broadcast_in_dim3A_686, %get3A_1383 : vector<16xf32>
        %mul3A_1405 = arith.mulf %broadcast_in_dim3A_691, %get3A_1388 : vector<16xf32>
        %mul3A_1406 = arith.mulf %broadcast_in_dim3A_696, %get3A_1393 : vector<16xf32>
        %add3A_1407 = arith.addf %get3A_1396, %broadcast_in_dim3A_699 : vector<16xf32>
        %add3A_1408 = arith.addf %mul3A_1406, %add3A_1407 : vector<16xf32>
        %add3A_1409 = arith.addf %mul3A_1405, %add3A_1408 : vector<16xf32>
        %add3A_1410 = arith.addf %mul3A_1404, %add3A_1409 : vector<16xf32>
        %mul3A_1411 = arith.mulf %broadcast_in_dim3A_704, %get3A_1383 : vector<16xf32>
        %mul3A_1412 = arith.mulf %broadcast_in_dim3A_709, %get3A_1388 : vector<16xf32>
        %mul3A_1413 = arith.mulf %broadcast_in_dim3A_714, %get3A_1393 : vector<16xf32>
        %add3A_1414 = arith.addf %get3A_1396, %broadcast_in_dim3A_717 : vector<16xf32>
        %add3A_1415 = arith.addf %mul3A_1413, %add3A_1414 : vector<16xf32>
        %add3A_1416 = arith.addf %mul3A_1412, %add3A_1415 : vector<16xf32>
        %add3A_1417 = arith.addf %mul3A_1411, %add3A_1416 : vector<16xf32>
        %mul3A_1418 = arith.mulf %broadcast_in_dim3A_722, %get3A_1383 : vector<16xf32>
        %mul3A_1419 = arith.mulf %broadcast_in_dim3A_727, %get3A_1388 : vector<16xf32>
        %mul3A_1420 = arith.mulf %broadcast_in_dim3A_732, %get3A_1393 : vector<16xf32>
        %add3A_1421 = arith.addf %get3A_1396, %broadcast_in_dim3A_735 : vector<16xf32>
        %add3A_1422 = arith.addf %mul3A_1420, %add3A_1421 : vector<16xf32>
        %add3A_1423 = arith.addf %mul3A_1419, %add3A_1422 : vector<16xf32>
        %add3A_1424 = arith.addf %mul3A_1418, %add3A_1423 : vector<16xf32>
        %mul3A_1425 = arith.mulf %broadcast_in_dim3A_740, %get3A_1383 : vector<16xf32>
        %mul3A_1426 = arith.mulf %broadcast_in_dim3A_745, %get3A_1388 : vector<16xf32>
        %mul3A_1427 = arith.mulf %broadcast_in_dim3A_750, %get3A_1393 : vector<16xf32>
        %add3A_1428 = arith.addf %get3A_1396, %broadcast_in_dim3A_753 : vector<16xf32>
        %add3A_1429 = arith.addf %mul3A_1427, %add3A_1428 : vector<16xf32>
        %add3A_1430 = arith.addf %mul3A_1426, %add3A_1429 : vector<16xf32>
        %add3A_1431 = arith.addf %mul3A_1425, %add3A_1430 : vector<16xf32>
        %mul3A_1432 = arith.mulf %broadcast_in_dim3A_758, %get3A_1383 : vector<16xf32>
        %mul3A_1433 = arith.mulf %broadcast_in_dim3A_763, %get3A_1388 : vector<16xf32>
        %mul3A_1434 = arith.mulf %broadcast_in_dim3A_768, %get3A_1393 : vector<16xf32>
        %add3A_1435 = arith.addf %get3A_1396, %broadcast_in_dim3A_771 : vector<16xf32>
        %add3A_1436 = arith.addf %mul3A_1434, %add3A_1435 : vector<16xf32>
        %add3A_1437 = arith.addf %mul3A_1433, %add3A_1436 : vector<16xf32>
        %add3A_1438 = arith.addf %mul3A_1432, %add3A_1437 : vector<16xf32>
        %mul3A_1439 = arith.mulf %broadcast_in_dim3A_776, %get3A_1383 : vector<16xf32>
        %mul3A_1440 = arith.mulf %broadcast_in_dim3A_781, %get3A_1388 : vector<16xf32>
        %mul3A_1441 = arith.mulf %broadcast_in_dim3A_786, %get3A_1393 : vector<16xf32>
        %add3A_1442 = arith.addf %get3A_1396, %broadcast_in_dim3A_789 : vector<16xf32>
        %add3A_1443 = arith.addf %mul3A_1441, %add3A_1442 : vector<16xf32>
        %add3A_1444 = arith.addf %mul3A_1440, %add3A_1443 : vector<16xf32>
        %add3A_1445 = arith.addf %mul3A_1439, %add3A_1444 : vector<16xf32>
        %mul3A_1446 = arith.mulf %broadcast_in_dim3A_794, %get3A_1383 : vector<16xf32>
        %mul3A_1447 = arith.mulf %broadcast_in_dim3A_799, %get3A_1388 : vector<16xf32>
        %mul3A_1448 = arith.mulf %broadcast_in_dim3A_804, %get3A_1393 : vector<16xf32>
        %add3A_1449 = arith.addf %get3A_1396, %broadcast_in_dim3A_807 : vector<16xf32>
        %add3A_1450 = arith.addf %mul3A_1448, %add3A_1449 : vector<16xf32>
        %add3A_1451 = arith.addf %mul3A_1447, %add3A_1450 : vector<16xf32>
        %add3A_1452 = arith.addf %mul3A_1446, %add3A_1451 : vector<16xf32>
        %min3A_1453 = arith.minimumf %add3A_1403, %add3A_1410 : vector<16xf32>
        %min3A_1454 = arith.minimumf %add3A_1417, %add3A_1424 : vector<16xf32>
        %min3A_1455 = arith.minimumf %add3A_1431, %add3A_1438 : vector<16xf32>
        %min3A_1456 = arith.minimumf %add3A_1445, %add3A_1452 : vector<16xf32>
        %min3A_1457 = arith.minimumf %min3A_1453, %min3A_1454 : vector<16xf32>
        %min3A_1458 = arith.minimumf %min3A_1455, %min3A_1456 : vector<16xf32>
        %min3A_1459 = arith.minimumf %min3A_1457, %min3A_1458 : vector<16xf32>
        %get3A_1460 = arith.index_cast %mul3A_1378 : i32 to index
        %get3A_1461 = tpu.vector_load %arg8[%get3A_1460] {strides = array<i32>} : memref<2048xf32, #tpu.memory_space<vmem>>, vector<16xf32>,
        %get3A_1462 = vector.shape_cast %get3A_1461 : vector<16xf32> to vector<16xf32>
        %min3A_1463 = arith.minimumf %get3A_1462, %min3A_1459 : vector<16xf32>
        %swap3A_1464 = arith.index_cast %mul3A_1378 : i32 to index
        %swap3A_1465 = tpu.vector_load %arg8[%swap3A_1464] {strides = array<i32>} : memref<2048xf32, #tpu.memory_space<vmem>>, vector<16xf32>,
        %swap3A_1466 = vector.shape_cast %swap3A_1465 : vector<16xf32> to vector<16xf32>
        %swap3A_1467 = vector.shape_cast %min3A_1463 : vector<16xf32> to vector<16xf32>
        tpu.vector_store %arg8[%swap3A_1464], %swap3A_1467 {strides = array<i32>} : memref<2048xf32, #tpu.memory_space<vmem>>, vector<16xf32>,
        %min3A_1468 = arith.minimumf %min3A_1367, %add3A_1403 : vector<16xf32>
        %min3A_1469 = arith.minimumf %min3A_1368, %add3A_1410 : vector<16xf32>
        %min3A_1470 = arith.minimumf %min3A_1369, %add3A_1417 : vector<16xf32>
        %min3A_1471 = arith.minimumf %min3A_1370, %add3A_1424 : vector<16xf32>
        %min3A_1472 = arith.minimumf %min3A_1371, %add3A_1431 : vector<16xf32>
        %min3A_1473 = arith.minimumf %min3A_1372, %add3A_1438 : vector<16xf32>
        %min3A_1474 = arith.minimumf %min3A_1373, %add3A_1445 : vector<16xf32>
        %min3A_1475 = arith.minimumf %min3A_1374, %add3A_1452 : vector<16xf32>
        scf.yield %min3A_1468, %min3A_1469, %min3A_1470, %min3A_1471, %min3A_1472, %min3A_1473, %min3A_1474, %min3A_1475 : vector<16xf32>, vector<16xf32>, vector<16xf32>, vector<16xf32>, vector<16xf32>, vector<16xf32>, vector<16xf32>, vector<16xf32>
      }
      %scan3A_829 = arith.constant 128 : i32
      %slice3A_830 = vector.extract_strided_slice %scan3A_828#0 {offsets = [0], sizes = [1], strides = [1]} : vector<16xf32> to vector<1xf32>
      %squeeze3A_831 = vector.extract %slice3A_830[0] : f32 from vector<1xf32>
      %slice3A_832 = vector.extract_strided_slice %scan3A_828#0 {offsets = [1], sizes = [1], strides = [1]} : vector<16xf32> to vector<1xf32>
      %squeeze3A_833 = vector.extract %slice3A_832[0] : f32 from vector<1xf32>
      %slice3A_834 = vector.extract_strided_slice %scan3A_828#0 {offsets = [2], sizes = [1], strides = [1]} : vector<16xf32> to vector<1xf32>
      %squeeze3A_835 = vector.extract %slice3A_834[0] : f32 from vector<1xf32>
      %slice3A_836 = vector.extract_strided_slice %scan3A_828#0 {offsets = [3], sizes = [1], strides = [1]} : vector<16xf32> to vector<1xf32>
      %squeeze3A_837 = vector.extract %slice3A_836[0] : f32 from vector<1xf32>
      %slice3A_838 = vector.extract_strided_slice %scan3A_828#0 {offsets = [4], sizes = [1], strides = [1]} : vector<16xf32> to vector<1xf32>
      %squeeze3A_839 = vector.extract %slice3A_838[0] : f32 from vector<1xf32>
      %slice3A_840 = vector.extract_strided_slice %scan3A_828#0 {offsets = [5], sizes = [1], strides = [1]} : vector<16xf32> to vector<1xf32>
      %squeeze3A_841 = vector.extract %slice3A_840[0] : f32 from vector<1xf32>
      %slice3A_842 = vector.extract_strided_slice %scan3A_828#0 {offsets = [6], sizes = [1], strides = [1]} : vector<16xf32> to vector<1xf32>
      %squeeze3A_843 = vector.extract %slice3A_842[0] : f32 from vector<1xf32>
      %slice3A_844 = vector.extract_strided_slice %scan3A_828#0 {offsets = [7], sizes = [1], strides = [1]} : vector<16xf32> to vector<1xf32>
      %squeeze3A_845 = vector.extract %slice3A_844[0] : f32 from vector<1xf32>
      %slice3A_846 = vector.extract_strided_slice %scan3A_828#0 {offsets = [8], sizes = [1], strides = [1]} : vector<16xf32> to vector<1xf32>
      %squeeze3A_847 = vector.extract %slice3A_846[0] : f32 from vector<1xf32>
      %slice3A_848 = vector.extract_strided_slice %scan3A_828#0 {offsets = [9], sizes = [1], strides = [1]} : vector<16xf32> to vector<1xf32>
      %squeeze3A_849 = vector.extract %slice3A_848[0] : f32 from vector<1xf32>
      %slice3A_850 = vector.extract_strided_slice %scan3A_828#0 {offsets = [10], sizes = [1], strides = [1]} : vector<16xf32> to vector<1xf32>
      %squeeze3A_851 = vector.extract %slice3A_850[0] : f32 from vector<1xf32>
      %slice3A_852 = vector.extract_strided_slice %scan3A_828#0 {offsets = [11], sizes = [1], strides = [1]} : vector<16xf32> to vector<1xf32>
      %squeeze3A_853 = vector.extract %slice3A_852[0] : f32 from vector<1xf32>
      %slice3A_854 = vector.extract_strided_slice %scan3A_828#0 {offsets = [12], sizes = [1], strides = [1]} : vector<16xf32> to vector<1xf32>
      %squeeze3A_855 = vector.extract %slice3A_854[0] : f32 from vector<1xf32>
      %slice3A_856 = vector.extract_strided_slice %scan3A_828#0 {offsets = [13], sizes = [1], strides = [1]} : vector<16xf32> to vector<1xf32>
      %squeeze3A_857 = vector.extract %slice3A_856[0] : f32 from vector<1xf32>
      %slice3A_858 = vector.extract_strided_slice %scan3A_828#0 {offsets = [14], sizes = [1], strides = [1]} : vector<16xf32> to vector<1xf32>
      %squeeze3A_859 = vector.extract %slice3A_858[0] : f32 from vector<1xf32>
      %slice3A_860 = vector.extract_strided_slice %scan3A_828#0 {offsets = [15], sizes = [1], strides = [1]} : vector<16xf32> to vector<1xf32>
      %squeeze3A_861 = vector.extract %slice3A_860[0] : f32 from vector<1xf32>
      %min3A_862 = arith.minimumf %squeeze3A_831, %squeeze3A_833 : f32
      %min3A_863 = arith.minimumf %squeeze3A_835, %squeeze3A_837 : f32
      %min3A_864 = arith.minimumf %squeeze3A_839, %squeeze3A_841 : f32
      %min3A_865 = arith.minimumf %squeeze3A_843, %squeeze3A_845 : f32
      %min3A_866 = arith.minimumf %squeeze3A_847, %squeeze3A_849 : f32
      %min3A_867 = arith.minimumf %squeeze3A_851, %squeeze3A_853 : f32
      %min3A_868 = arith.minimumf %squeeze3A_855, %squeeze3A_857 : f32
      %min3A_869 = arith.minimumf %squeeze3A_859, %squeeze3A_861 : f32
      %min3A_870 = arith.minimumf %min3A_862, %min3A_863 : f32
      %min3A_871 = arith.minimumf %min3A_864, %min3A_865 : f32
      %min3A_872 = arith.minimumf %min3A_866, %min3A_867 : f32
      %min3A_873 = arith.minimumf %min3A_868, %min3A_869 : f32
      %min3A_874 = arith.minimumf %min3A_870, %min3A_871 : f32
      %min3A_875 = arith.minimumf %min3A_872, %min3A_873 : f32
      %min3A_876 = arith.minimumf %min3A_874, %min3A_875 : f32
      %max3A_877 = arith.constant 0.000000e+00 : f32
      %max3A_878 = arith.maximumf %min3A_876, %max3A_877 : f32
      %eq3A_879 = arith.constant 8 : i32
      %eq3A_880 = vector.broadcast %eq3A_879 : i32 to vector<16xi32>
      %eq3A_881 = arith.cmpi eq, %iota3A, %eq3A_880 : vector<16xi32>
      %broadcast_in_dim3A_882 = vector.broadcast %max3A_878 : f32 to vector<16xf32>
      %select_n3A_883 = arith.select %eq3A_881, %broadcast_in_dim3A_882, %select_n3A_663 : vector<16xi1>, vector<16xf32>
      %slice3A_884 = vector.extract_strided_slice %scan3A_828#1 {offsets = [0], sizes = [1], strides = [1]} : vector<16xf32> to vector<1xf32>
      %squeeze3A_885 = vector.extract %slice3A_884[0] : f32 from vector<1xf32>
      %slice3A_886 = vector.extract_strided_slice %scan3A_828#1 {offsets = [1], sizes = [1], strides = [1]} : vector<16xf32> to vector<1xf32>
      %squeeze3A_887 = vector.extract %slice3A_886[0] : f32 from vector<1xf32>
      %slice3A_888 = vector.extract_strided_slice %scan3A_828#1 {offsets = [2], sizes = [1], strides = [1]} : vector<16xf32> to vector<1xf32>
      %squeeze3A_889 = vector.extract %slice3A_888[0] : f32 from vector<1xf32>
      %slice3A_890 = vector.extract_strided_slice %scan3A_828#1 {offsets = [3], sizes = [1], strides = [1]} : vector<16xf32> to vector<1xf32>
      %squeeze3A_891 = vector.extract %slice3A_890[0] : f32 from vector<1xf32>
      %slice3A_892 = vector.extract_strided_slice %scan3A_828#1 {offsets = [4], sizes = [1], strides = [1]} : vector<16xf32> to vector<1xf32>
      %squeeze3A_893 = vector.extract %slice3A_892[0] : f32 from vector<1xf32>
      %slice3A_894 = vector.extract_strided_slice %scan3A_828#1 {offsets = [5], sizes = [1], strides = [1]} : vector<16xf32> to vector<1xf32>
      %squeeze3A_895 = vector.extract %slice3A_894[0] : f32 from vector<1xf32>
      %slice3A_896 = vector.extract_strided_slice %scan3A_828#1 {offsets = [6], sizes = [1], strides = [1]} : vector<16xf32> to vector<1xf32>
      %squeeze3A_897 = vector.extract %slice3A_896[0] : f32 from vector<1xf32>
      %slice3A_898 = vector.extract_strided_slice %scan3A_828#1 {offsets = [7], sizes = [1], strides = [1]} : vector<16xf32> to vector<1xf32>
      %squeeze3A_899 = vector.extract %slice3A_898[0] : f32 from vector<1xf32>
      %slice3A_900 = vector.extract_strided_slice %scan3A_828#1 {offsets = [8], sizes = [1], strides = [1]} : vector<16xf32> to vector<1xf32>
      %squeeze3A_901 = vector.extract %slice3A_900[0] : f32 from vector<1xf32>
      %slice3A_902 = vector.extract_strided_slice %scan3A_828#1 {offsets = [9], sizes = [1], strides = [1]} : vector<16xf32> to vector<1xf32>
      %squeeze3A_903 = vector.extract %slice3A_902[0] : f32 from vector<1xf32>
      %slice3A_904 = vector.extract_strided_slice %scan3A_828#1 {offsets = [10], sizes = [1], strides = [1]} : vector<16xf32> to vector<1xf32>
      %squeeze3A_905 = vector.extract %slice3A_904[0] : f32 from vector<1xf32>
      %slice3A_906 = vector.extract_strided_slice %scan3A_828#1 {offsets = [11], sizes = [1], strides = [1]} : vector<16xf32> to vector<1xf32>
      %squeeze3A_907 = vector.extract %slice3A_906[0] : f32 from vector<1xf32>
      %slice3A_908 = vector.extract_strided_slice %scan3A_828#1 {offsets = [12], sizes = [1], strides = [1]} : vector<16xf32> to vector<1xf32>
      %squeeze3A_909 = vector.extract %slice3A_908[0] : f32 from vector<1xf32>
      %slice3A_910 = vector.extract_strided_slice %scan3A_828#1 {offsets = [13], sizes = [1], strides = [1]} : vector<16xf32> to vector<1xf32>
      %squeeze3A_911 = vector.extract %slice3A_910[0] : f32 from vector<1xf32>
      %slice3A_912 = vector.extract_strided_slice %scan3A_828#1 {offsets = [14], sizes = [1], strides = [1]} : vector<16xf32> to vector<1xf32>
      %squeeze3A_913 = vector.extract %slice3A_912[0] : f32 from vector<1xf32>
      %slice3A_914 = vector.extract_strided_slice %scan3A_828#1 {offsets = [15], sizes = [1], strides = [1]} : vector<16xf32> to vector<1xf32>
      %squeeze3A_915 = vector.extract %slice3A_914[0] : f32 from vector<1xf32>
      %min3A_916 = arith.minimumf %squeeze3A_885, %squeeze3A_887 : f32
      %min3A_917 = arith.minimumf %squeeze3A_889, %squeeze3A_891 : f32
      %min3A_918 = arith.minimumf %squeeze3A_893, %squeeze3A_895 : f32
      %min3A_919 = arith.minimumf %squeeze3A_897, %squeeze3A_899 : f32
      %min3A_920 = arith.minimumf %squeeze3A_901, %squeeze3A_903 : f32
      %min3A_921 = arith.minimumf %squeeze3A_905, %squeeze3A_907 : f32
      %min3A_922 = arith.minimumf %squeeze3A_909, %squeeze3A_911 : f32
      %min3A_923 = arith.minimumf %squeeze3A_913, %squeeze3A_915 : f32
      %min3A_924 = arith.minimumf %min3A_916, %min3A_917 : f32
      %min3A_925 = arith.minimumf %min3A_918, %min3A_919 : f32
      %min3A_926 = arith.minimumf %min3A_920, %min3A_921 : f32
      %min3A_927 = arith.minimumf %min3A_922, %min3A_923 : f32
      %min3A_928 = arith.minimumf %min3A_924, %min3A_925 : f32
      %min3A_929 = arith.minimumf %min3A_926, %min3A_927 : f32
      %min3A_930 = arith.minimumf %min3A_928, %min3A_929 : f32
      %max3A_931 = arith.constant 0.000000e+00 : f32
      %max3A_932 = arith.maximumf %min3A_930, %max3A_931 : f32
      %eq3A_933 = arith.constant 9 : i32
      %eq3A_934 = vector.broadcast %eq3A_933 : i32 to vector<16xi32>
      %eq3A_935 = arith.cmpi eq, %iota3A, %eq3A_934 : vector<16xi32>
      %broadcast_in_dim3A_936 = vector.broadcast %max3A_932 : f32 to vector<16xf32>
      %select_n3A_937 = arith.select %eq3A_935, %broadcast_in_dim3A_936, %select_n3A_883 : vector<16xi1>, vector<16xf32>
      %slice3A_938 = vector.extract_strided_slice %scan3A_828#2 {offsets = [0], sizes = [1], strides = [1]} : vector<16xf32> to vector<1xf32>
      %squeeze3A_939 = vector.extract %slice3A_938[0] : f32 from vector<1xf32>
      %slice3A_940 = vector.extract_strided_slice %scan3A_828#2 {offsets = [1], sizes = [1], strides = [1]} : vector<16xf32> to vector<1xf32>
      %squeeze3A_941 = vector.extract %slice3A_940[0] : f32 from vector<1xf32>
      %slice3A_942 = vector.extract_strided_slice %scan3A_828#2 {offsets = [2], sizes = [1], strides = [1]} : vector<16xf32> to vector<1xf32>
      %squeeze3A_943 = vector.extract %slice3A_942[0] : f32 from vector<1xf32>
      %slice3A_944 = vector.extract_strided_slice %scan3A_828#2 {offsets = [3], sizes = [1], strides = [1]} : vector<16xf32> to vector<1xf32>
      %squeeze3A_945 = vector.extract %slice3A_944[0] : f32 from vector<1xf32>
      %slice3A_946 = vector.extract_strided_slice %scan3A_828#2 {offsets = [4], sizes = [1], strides = [1]} : vector<16xf32> to vector<1xf32>
      %squeeze3A_947 = vector.extract %slice3A_946[0] : f32 from vector<1xf32>
      %slice3A_948 = vector.extract_strided_slice %scan3A_828#2 {offsets = [5], sizes = [1], strides = [1]} : vector<16xf32> to vector<1xf32>
      %squeeze3A_949 = vector.extract %slice3A_948[0] : f32 from vector<1xf32>
      %slice3A_950 = vector.extract_strided_slice %scan3A_828#2 {offsets = [6], sizes = [1], strides = [1]} : vector<16xf32> to vector<1xf32>
      %squeeze3A_951 = vector.extract %slice3A_950[0] : f32 from vector<1xf32>
      %slice3A_952 = vector.extract_strided_slice %scan3A_828#2 {offsets = [7], sizes = [1], strides = [1]} : vector<16xf32> to vector<1xf32>
      %squeeze3A_953 = vector.extract %slice3A_952[0] : f32 from vector<1xf32>
      %slice3A_954 = vector.extract_strided_slice %scan3A_828#2 {offsets = [8], sizes = [1], strides = [1]} : vector<16xf32> to vector<1xf32>
      %squeeze3A_955 = vector.extract %slice3A_954[0] : f32 from vector<1xf32>
      %slice3A_956 = vector.extract_strided_slice %scan3A_828#2 {offsets = [9], sizes = [1], strides = [1]} : vector<16xf32> to vector<1xf32>
      %squeeze3A_957 = vector.extract %slice3A_956[0] : f32 from vector<1xf32>
      %slice3A_958 = vector.extract_strided_slice %scan3A_828#2 {offsets = [10], sizes = [1], strides = [1]} : vector<16xf32> to vector<1xf32>
      %squeeze3A_959 = vector.extract %slice3A_958[0] : f32 from vector<1xf32>
      %slice3A_960 = vector.extract_strided_slice %scan3A_828#2 {offsets = [11], sizes = [1], strides = [1]} : vector<16xf32> to vector<1xf32>
      %squeeze3A_961 = vector.extract %slice3A_960[0] : f32 from vector<1xf32>
      %slice3A_962 = vector.extract_strided_slice %scan3A_828#2 {offsets = [12], sizes = [1], strides = [1]} : vector<16xf32> to vector<1xf32>
      %squeeze3A_963 = vector.extract %slice3A_962[0] : f32 from vector<1xf32>
      %slice3A_964 = vector.extract_strided_slice %scan3A_828#2 {offsets = [13], sizes = [1], strides = [1]} : vector<16xf32> to vector<1xf32>
      %squeeze3A_965 = vector.extract %slice3A_964[0] : f32 from vector<1xf32>
      %slice3A_966 = vector.extract_strided_slice %scan3A_828#2 {offsets = [14], sizes = [1], strides = [1]} : vector<16xf32> to vector<1xf32>
      %squeeze3A_967 = vector.extract %slice3A_966[0] : f32 from vector<1xf32>
      %slice3A_968 = vector.extract_strided_slice %scan3A_828#2 {offsets = [15], sizes = [1], strides = [1]} : vector<16xf32> to vector<1xf32>
      %squeeze3A_969 = vector.extract %slice3A_968[0] : f32 from vector<1xf32>
      %min3A_970 = arith.minimumf %squeeze3A_939, %squeeze3A_941 : f32
      %min3A_971 = arith.minimumf %squeeze3A_943, %squeeze3A_945 : f32
      %min3A_972 = arith.minimumf %squeeze3A_947, %squeeze3A_949 : f32
      %min3A_973 = arith.minimumf %squeeze3A_951, %squeeze3A_953 : f32
      %min3A_974 = arith.minimumf %squeeze3A_955, %squeeze3A_957 : f32
      %min3A_975 = arith.minimumf %squeeze3A_959, %squeeze3A_961 : f32
      %min3A_976 = arith.minimumf %squeeze3A_963, %squeeze3A_965 : f32
      %min3A_977 = arith.minimumf %squeeze3A_967, %squeeze3A_969 : f32
      %min3A_978 = arith.minimumf %min3A_970, %min3A_971 : f32
      %min3A_979 = arith.minimumf %min3A_972, %min3A_973 : f32
      %min3A_980 = arith.minimumf %min3A_974, %min3A_975 : f32
      %min3A_981 = arith.minimumf %min3A_976, %min3A_977 : f32
      %min3A_982 = arith.minimumf %min3A_978, %min3A_979 : f32
      %min3A_983 = arith.minimumf %min3A_980, %min3A_981 : f32
      %min3A_984 = arith.minimumf %min3A_982, %min3A_983 : f32
      %max3A_985 = arith.constant 0.000000e+00 : f32
      %max3A_986 = arith.maximumf %min3A_984, %max3A_985 : f32
      %eq3A_987 = arith.constant 10 : i32
      %eq3A_988 = vector.broadcast %eq3A_987 : i32 to vector<16xi32>
      %eq3A_989 = arith.cmpi eq, %iota3A, %eq3A_988 : vector<16xi32>
      %broadcast_in_dim3A_990 = vector.broadcast %max3A_986 : f32 to vector<16xf32>
      %select_n3A_991 = arith.select %eq3A_989, %broadcast_in_dim3A_990, %select_n3A_937 : vector<16xi1>, vector<16xf32>
      %slice3A_992 = vector.extract_strided_slice %scan3A_828#3 {offsets = [0], sizes = [1], strides = [1]} : vector<16xf32> to vector<1xf32>
      %squeeze3A_993 = vector.extract %slice3A_992[0] : f32 from vector<1xf32>
      %slice3A_994 = vector.extract_strided_slice %scan3A_828#3 {offsets = [1], sizes = [1], strides = [1]} : vector<16xf32> to vector<1xf32>
      %squeeze3A_995 = vector.extract %slice3A_994[0] : f32 from vector<1xf32>
      %slice3A_996 = vector.extract_strided_slice %scan3A_828#3 {offsets = [2], sizes = [1], strides = [1]} : vector<16xf32> to vector<1xf32>
      %squeeze3A_997 = vector.extract %slice3A_996[0] : f32 from vector<1xf32>
      %slice3A_998 = vector.extract_strided_slice %scan3A_828#3 {offsets = [3], sizes = [1], strides = [1]} : vector<16xf32> to vector<1xf32>
      %squeeze3A_999 = vector.extract %slice3A_998[0] : f32 from vector<1xf32>
      %slice3A_1000 = vector.extract_strided_slice %scan3A_828#3 {offsets = [4], sizes = [1], strides = [1]} : vector<16xf32> to vector<1xf32>
      %squeeze3A_1001 = vector.extract %slice3A_1000[0] : f32 from vector<1xf32>
      %slice3A_1002 = vector.extract_strided_slice %scan3A_828#3 {offsets = [5], sizes = [1], strides = [1]} : vector<16xf32> to vector<1xf32>
      %squeeze3A_1003 = vector.extract %slice3A_1002[0] : f32 from vector<1xf32>
      %slice3A_1004 = vector.extract_strided_slice %scan3A_828#3 {offsets = [6], sizes = [1], strides = [1]} : vector<16xf32> to vector<1xf32>
      %squeeze3A_1005 = vector.extract %slice3A_1004[0] : f32 from vector<1xf32>
      %slice3A_1006 = vector.extract_strided_slice %scan3A_828#3 {offsets = [7], sizes = [1], strides = [1]} : vector<16xf32> to vector<1xf32>
      %squeeze3A_1007 = vector.extract %slice3A_1006[0] : f32 from vector<1xf32>
      %slice3A_1008 = vector.extract_strided_slice %scan3A_828#3 {offsets = [8], sizes = [1], strides = [1]} : vector<16xf32> to vector<1xf32>
      %squeeze3A_1009 = vector.extract %slice3A_1008[0] : f32 from vector<1xf32>
      %slice3A_1010 = vector.extract_strided_slice %scan3A_828#3 {offsets = [9], sizes = [1], strides = [1]} : vector<16xf32> to vector<1xf32>
      %squeeze3A_1011 = vector.extract %slice3A_1010[0] : f32 from vector<1xf32>
      %slice3A_1012 = vector.extract_strided_slice %scan3A_828#3 {offsets = [10], sizes = [1], strides = [1]} : vector<16xf32> to vector<1xf32>
      %squeeze3A_1013 = vector.extract %slice3A_1012[0] : f32 from vector<1xf32>
      %slice3A_1014 = vector.extract_strided_slice %scan3A_828#3 {offsets = [11], sizes = [1], strides = [1]} : vector<16xf32> to vector<1xf32>
      %squeeze3A_1015 = vector.extract %slice3A_1014[0] : f32 from vector<1xf32>
      %slice3A_1016 = vector.extract_strided_slice %scan3A_828#3 {offsets = [12], sizes = [1], strides = [1]} : vector<16xf32> to vector<1xf32>
      %squeeze3A_1017 = vector.extract %slice3A_1016[0] : f32 from vector<1xf32>
      %slice3A_1018 = vector.extract_strided_slice %scan3A_828#3 {offsets = [13], sizes = [1], strides = [1]} : vector<16xf32> to vector<1xf32>
      %squeeze3A_1019 = vector.extract %slice3A_1018[0] : f32 from vector<1xf32>
      %slice3A_1020 = vector.extract_strided_slice %scan3A_828#3 {offsets = [14], sizes = [1], strides = [1]} : vector<16xf32> to vector<1xf32>
      %squeeze3A_1021 = vector.extract %slice3A_1020[0] : f32 from vector<1xf32>
      %slice3A_1022 = vector.extract_strided_slice %scan3A_828#3 {offsets = [15], sizes = [1], strides = [1]} : vector<16xf32> to vector<1xf32>
      %squeeze3A_1023 = vector.extract %slice3A_1022[0] : f32 from vector<1xf32>
      %min3A_1024 = arith.minimumf %squeeze3A_993, %squeeze3A_995 : f32
      %min3A_1025 = arith.minimumf %squeeze3A_997, %squeeze3A_999 : f32
      %min3A_1026 = arith.minimumf %squeeze3A_1001, %squeeze3A_1003 : f32
      %min3A_1027 = arith.minimumf %squeeze3A_1005, %squeeze3A_1007 : f32
      %min3A_1028 = arith.minimumf %squeeze3A_1009, %squeeze3A_1011 : f32
      %min3A_1029 = arith.minimumf %squeeze3A_1013, %squeeze3A_1015 : f32
      %min3A_1030 = arith.minimumf %squeeze3A_1017, %squeeze3A_1019 : f32
      %min3A_1031 = arith.minimumf %squeeze3A_1021, %squeeze3A_1023 : f32
      %min3A_1032 = arith.minimumf %min3A_1024, %min3A_1025 : f32
      %min3A_1033 = arith.minimumf %min3A_1026, %min3A_1027 : f32
      %min3A_1034 = arith.minimumf %min3A_1028, %min3A_1029 : f32
      %min3A_1035 = arith.minimumf %min3A_1030, %min3A_1031 : f32
      %min3A_1036 = arith.minimumf %min3A_1032, %min3A_1033 : f32
      %min3A_1037 = arith.minimumf %min3A_1034, %min3A_1035 : f32
      %min3A_1038 = arith.minimumf %min3A_1036, %min3A_1037 : f32
      %max3A_1039 = arith.constant 0.000000e+00 : f32
      %max3A_1040 = arith.maximumf %min3A_1038, %max3A_1039 : f32
      %eq3A_1041 = arith.constant 11 : i32
      %eq3A_1042 = vector.broadcast %eq3A_1041 : i32 to vector<16xi32>
      %eq3A_1043 = arith.cmpi eq, %iota3A, %eq3A_1042 : vector<16xi32>
      %broadcast_in_dim3A_1044 = vector.broadcast %max3A_1040 : f32 to vector<16xf32>
      %select_n3A_1045 = arith.select %eq3A_1043, %broadcast_in_dim3A_1044, %select_n3A_991 : vector<16xi1>, vector<16xf32>
      %slice3A_1046 = vector.extract_strided_slice %scan3A_828#4 {offsets = [0], sizes = [1], strides = [1]} : vector<16xf32> to vector<1xf32>
      %squeeze3A_1047 = vector.extract %slice3A_1046[0] : f32 from vector<1xf32>
      %slice3A_1048 = vector.extract_strided_slice %scan3A_828#4 {offsets = [1], sizes = [1], strides = [1]} : vector<16xf32> to vector<1xf32>
      %squeeze3A_1049 = vector.extract %slice3A_1048[0] : f32 from vector<1xf32>
      %slice3A_1050 = vector.extract_strided_slice %scan3A_828#4 {offsets = [2], sizes = [1], strides = [1]} : vector<16xf32> to vector<1xf32>
      %squeeze3A_1051 = vector.extract %slice3A_1050[0] : f32 from vector<1xf32>
      %slice3A_1052 = vector.extract_strided_slice %scan3A_828#4 {offsets = [3], sizes = [1], strides = [1]} : vector<16xf32> to vector<1xf32>
      %squeeze3A_1053 = vector.extract %slice3A_1052[0] : f32 from vector<1xf32>
      %slice3A_1054 = vector.extract_strided_slice %scan3A_828#4 {offsets = [4], sizes = [1], strides = [1]} : vector<16xf32> to vector<1xf32>
      %squeeze3A_1055 = vector.extract %slice3A_1054[0] : f32 from vector<1xf32>
      %slice3A_1056 = vector.extract_strided_slice %scan3A_828#4 {offsets = [5], sizes = [1], strides = [1]} : vector<16xf32> to vector<1xf32>
      %squeeze3A_1057 = vector.extract %slice3A_1056[0] : f32 from vector<1xf32>
      %slice3A_1058 = vector.extract_strided_slice %scan3A_828#4 {offsets = [6], sizes = [1], strides = [1]} : vector<16xf32> to vector<1xf32>
      %squeeze3A_1059 = vector.extract %slice3A_1058[0] : f32 from vector<1xf32>
      %slice3A_1060 = vector.extract_strided_slice %scan3A_828#4 {offsets = [7], sizes = [1], strides = [1]} : vector<16xf32> to vector<1xf32>
      %squeeze3A_1061 = vector.extract %slice3A_1060[0] : f32 from vector<1xf32>
      %slice3A_1062 = vector.extract_strided_slice %scan3A_828#4 {offsets = [8], sizes = [1], strides = [1]} : vector<16xf32> to vector<1xf32>
      %squeeze3A_1063 = vector.extract %slice3A_1062[0] : f32 from vector<1xf32>
      %slice3A_1064 = vector.extract_strided_slice %scan3A_828#4 {offsets = [9], sizes = [1], strides = [1]} : vector<16xf32> to vector<1xf32>
      %squeeze3A_1065 = vector.extract %slice3A_1064[0] : f32 from vector<1xf32>
      %slice3A_1066 = vector.extract_strided_slice %scan3A_828#4 {offsets = [10], sizes = [1], strides = [1]} : vector<16xf32> to vector<1xf32>
      %squeeze3A_1067 = vector.extract %slice3A_1066[0] : f32 from vector<1xf32>
      %slice3A_1068 = vector.extract_strided_slice %scan3A_828#4 {offsets = [11], sizes = [1], strides = [1]} : vector<16xf32> to vector<1xf32>
      %squeeze3A_1069 = vector.extract %slice3A_1068[0] : f32 from vector<1xf32>
      %slice3A_1070 = vector.extract_strided_slice %scan3A_828#4 {offsets = [12], sizes = [1], strides = [1]} : vector<16xf32> to vector<1xf32>
      %squeeze3A_1071 = vector.extract %slice3A_1070[0] : f32 from vector<1xf32>
      %slice3A_1072 = vector.extract_strided_slice %scan3A_828#4 {offsets = [13], sizes = [1], strides = [1]} : vector<16xf32> to vector<1xf32>
      %squeeze3A_1073 = vector.extract %slice3A_1072[0] : f32 from vector<1xf32>
      %slice3A_1074 = vector.extract_strided_slice %scan3A_828#4 {offsets = [14], sizes = [1], strides = [1]} : vector<16xf32> to vector<1xf32>
      %squeeze3A_1075 = vector.extract %slice3A_1074[0] : f32 from vector<1xf32>
      %slice3A_1076 = vector.extract_strided_slice %scan3A_828#4 {offsets = [15], sizes = [1], strides = [1]} : vector<16xf32> to vector<1xf32>
      %squeeze3A_1077 = vector.extract %slice3A_1076[0] : f32 from vector<1xf32>
      %min3A_1078 = arith.minimumf %squeeze3A_1047, %squeeze3A_1049 : f32
      %min3A_1079 = arith.minimumf %squeeze3A_1051, %squeeze3A_1053 : f32
      %min3A_1080 = arith.minimumf %squeeze3A_1055, %squeeze3A_1057 : f32
      %min3A_1081 = arith.minimumf %squeeze3A_1059, %squeeze3A_1061 : f32
      %min3A_1082 = arith.minimumf %squeeze3A_1063, %squeeze3A_1065 : f32
      %min3A_1083 = arith.minimumf %squeeze3A_1067, %squeeze3A_1069 : f32
      %min3A_1084 = arith.minimumf %squeeze3A_1071, %squeeze3A_1073 : f32
      %min3A_1085 = arith.minimumf %squeeze3A_1075, %squeeze3A_1077 : f32
      %min3A_1086 = arith.minimumf %min3A_1078, %min3A_1079 : f32
      %min3A_1087 = arith.minimumf %min3A_1080, %min3A_1081 : f32
      %min3A_1088 = arith.minimumf %min3A_1082, %min3A_1083 : f32
      %min3A_1089 = arith.minimumf %min3A_1084, %min3A_1085 : f32
      %min3A_1090 = arith.minimumf %min3A_1086, %min3A_1087 : f32
      %min3A_1091 = arith.minimumf %min3A_1088, %min3A_1089 : f32
      %min3A_1092 = arith.minimumf %min3A_1090, %min3A_1091 : f32
      %max3A_1093 = arith.constant 0.000000e+00 : f32
      %max3A_1094 = arith.maximumf %min3A_1092, %max3A_1093 : f32
      %eq3A_1095 = arith.constant 12 : i32
      %eq3A_1096 = vector.broadcast %eq3A_1095 : i32 to vector<16xi32>
      %eq3A_1097 = arith.cmpi eq, %iota3A, %eq3A_1096 : vector<16xi32>
      %broadcast_in_dim3A_1098 = vector.broadcast %max3A_1094 : f32 to vector<16xf32>
      %select_n3A_1099 = arith.select %eq3A_1097, %broadcast_in_dim3A_1098, %select_n3A_1045 : vector<16xi1>, vector<16xf32>
      %slice3A_1100 = vector.extract_strided_slice %scan3A_828#5 {offsets = [0], sizes = [1], strides = [1]} : vector<16xf32> to vector<1xf32>
      %squeeze3A_1101 = vector.extract %slice3A_1100[0] : f32 from vector<1xf32>
      %slice3A_1102 = vector.extract_strided_slice %scan3A_828#5 {offsets = [1], sizes = [1], strides = [1]} : vector<16xf32> to vector<1xf32>
      %squeeze3A_1103 = vector.extract %slice3A_1102[0] : f32 from vector<1xf32>
      %slice3A_1104 = vector.extract_strided_slice %scan3A_828#5 {offsets = [2], sizes = [1], strides = [1]} : vector<16xf32> to vector<1xf32>
      %squeeze3A_1105 = vector.extract %slice3A_1104[0] : f32 from vector<1xf32>
      %slice3A_1106 = vector.extract_strided_slice %scan3A_828#5 {offsets = [3], sizes = [1], strides = [1]} : vector<16xf32> to vector<1xf32>
      %squeeze3A_1107 = vector.extract %slice3A_1106[0] : f32 from vector<1xf32>
      %slice3A_1108 = vector.extract_strided_slice %scan3A_828#5 {offsets = [4], sizes = [1], strides = [1]} : vector<16xf32> to vector<1xf32>
      %squeeze3A_1109 = vector.extract %slice3A_1108[0] : f32 from vector<1xf32>
      %slice3A_1110 = vector.extract_strided_slice %scan3A_828#5 {offsets = [5], sizes = [1], strides = [1]} : vector<16xf32> to vector<1xf32>
      %squeeze3A_1111 = vector.extract %slice3A_1110[0] : f32 from vector<1xf32>
      %slice3A_1112 = vector.extract_strided_slice %scan3A_828#5 {offsets = [6], sizes = [1], strides = [1]} : vector<16xf32> to vector<1xf32>
      %squeeze3A_1113 = vector.extract %slice3A_1112[0] : f32 from vector<1xf32>
      %slice3A_1114 = vector.extract_strided_slice %scan3A_828#5 {offsets = [7], sizes = [1], strides = [1]} : vector<16xf32> to vector<1xf32>
      %squeeze3A_1115 = vector.extract %slice3A_1114[0] : f32 from vector<1xf32>
      %slice3A_1116 = vector.extract_strided_slice %scan3A_828#5 {offsets = [8], sizes = [1], strides = [1]} : vector<16xf32> to vector<1xf32>
      %squeeze3A_1117 = vector.extract %slice3A_1116[0] : f32 from vector<1xf32>
      %slice3A_1118 = vector.extract_strided_slice %scan3A_828#5 {offsets = [9], sizes = [1], strides = [1]} : vector<16xf32> to vector<1xf32>
      %squeeze3A_1119 = vector.extract %slice3A_1118[0] : f32 from vector<1xf32>
      %slice3A_1120 = vector.extract_strided_slice %scan3A_828#5 {offsets = [10], sizes = [1], strides = [1]} : vector<16xf32> to vector<1xf32>
      %squeeze3A_1121 = vector.extract %slice3A_1120[0] : f32 from vector<1xf32>
      %slice3A_1122 = vector.extract_strided_slice %scan3A_828#5 {offsets = [11], sizes = [1], strides = [1]} : vector<16xf32> to vector<1xf32>
      %squeeze3A_1123 = vector.extract %slice3A_1122[0] : f32 from vector<1xf32>
      %slice3A_1124 = vector.extract_strided_slice %scan3A_828#5 {offsets = [12], sizes = [1], strides = [1]} : vector<16xf32> to vector<1xf32>
      %squeeze3A_1125 = vector.extract %slice3A_1124[0] : f32 from vector<1xf32>
      %slice3A_1126 = vector.extract_strided_slice %scan3A_828#5 {offsets = [13], sizes = [1], strides = [1]} : vector<16xf32> to vector<1xf32>
      %squeeze3A_1127 = vector.extract %slice3A_1126[0] : f32 from vector<1xf32>
      %slice3A_1128 = vector.extract_strided_slice %scan3A_828#5 {offsets = [14], sizes = [1], strides = [1]} : vector<16xf32> to vector<1xf32>
      %squeeze3A_1129 = vector.extract %slice3A_1128[0] : f32 from vector<1xf32>
      %slice3A_1130 = vector.extract_strided_slice %scan3A_828#5 {offsets = [15], sizes = [1], strides = [1]} : vector<16xf32> to vector<1xf32>
      %squeeze3A_1131 = vector.extract %slice3A_1130[0] : f32 from vector<1xf32>
      %min3A_1132 = arith.minimumf %squeeze3A_1101, %squeeze3A_1103 : f32
      %min3A_1133 = arith.minimumf %squeeze3A_1105, %squeeze3A_1107 : f32
      %min3A_1134 = arith.minimumf %squeeze3A_1109, %squeeze3A_1111 : f32
      %min3A_1135 = arith.minimumf %squeeze3A_1113, %squeeze3A_1115 : f32
      %min3A_1136 = arith.minimumf %squeeze3A_1117, %squeeze3A_1119 : f32
      %min3A_1137 = arith.minimumf %squeeze3A_1121, %squeeze3A_1123 : f32
      %min3A_1138 = arith.minimumf %squeeze3A_1125, %squeeze3A_1127 : f32
      %min3A_1139 = arith.minimumf %squeeze3A_1129, %squeeze3A_1131 : f32
      %min3A_1140 = arith.minimumf %min3A_1132, %min3A_1133 : f32
      %min3A_1141 = arith.minimumf %min3A_1134, %min3A_1135 : f32
      %min3A_1142 = arith.minimumf %min3A_1136, %min3A_1137 : f32
      %min3A_1143 = arith.minimumf %min3A_1138, %min3A_1139 : f32
      %min3A_1144 = arith.minimumf %min3A_1140, %min3A_1141 : f32
      %min3A_1145 = arith.minimumf %min3A_1142, %min3A_1143 : f32
      %min3A_1146 = arith.minimumf %min3A_1144, %min3A_1145 : f32
      %max3A_1147 = arith.constant 0.000000e+00 : f32
      %max3A_1148 = arith.maximumf %min3A_1146, %max3A_1147 : f32
      %eq3A_1149 = arith.constant 13 : i32
      %eq3A_1150 = vector.broadcast %eq3A_1149 : i32 to vector<16xi32>
      %eq3A_1151 = arith.cmpi eq, %iota3A, %eq3A_1150 : vector<16xi32>
      %broadcast_in_dim3A_1152 = vector.broadcast %max3A_1148 : f32 to vector<16xf32>
      %select_n3A_1153 = arith.select %eq3A_1151, %broadcast_in_dim3A_1152, %select_n3A_1099 : vector<16xi1>, vector<16xf32>
      %slice3A_1154 = vector.extract_strided_slice %scan3A_828#6 {offsets = [0], sizes = [1], strides = [1]} : vector<16xf32> to vector<1xf32>
      %squeeze3A_1155 = vector.extract %slice3A_1154[0] : f32 from vector<1xf32>
      %slice3A_1156 = vector.extract_strided_slice %scan3A_828#6 {offsets = [1], sizes = [1], strides = [1]} : vector<16xf32> to vector<1xf32>
      %squeeze3A_1157 = vector.extract %slice3A_1156[0] : f32 from vector<1xf32>
      %slice3A_1158 = vector.extract_strided_slice %scan3A_828#6 {offsets = [2], sizes = [1], strides = [1]} : vector<16xf32> to vector<1xf32>
      %squeeze3A_1159 = vector.extract %slice3A_1158[0] : f32 from vector<1xf32>
      %slice3A_1160 = vector.extract_strided_slice %scan3A_828#6 {offsets = [3], sizes = [1], strides = [1]} : vector<16xf32> to vector<1xf32>
      %squeeze3A_1161 = vector.extract %slice3A_1160[0] : f32 from vector<1xf32>
      %slice3A_1162 = vector.extract_strided_slice %scan3A_828#6 {offsets = [4], sizes = [1], strides = [1]} : vector<16xf32> to vector<1xf32>
      %squeeze3A_1163 = vector.extract %slice3A_1162[0] : f32 from vector<1xf32>
      %slice3A_1164 = vector.extract_strided_slice %scan3A_828#6 {offsets = [5], sizes = [1], strides = [1]} : vector<16xf32> to vector<1xf32>
      %squeeze3A_1165 = vector.extract %slice3A_1164[0] : f32 from vector<1xf32>
      %slice3A_1166 = vector.extract_strided_slice %scan3A_828#6 {offsets = [6], sizes = [1], strides = [1]} : vector<16xf32> to vector<1xf32>
      %squeeze3A_1167 = vector.extract %slice3A_1166[0] : f32 from vector<1xf32>
      %slice3A_1168 = vector.extract_strided_slice %scan3A_828#6 {offsets = [7], sizes = [1], strides = [1]} : vector<16xf32> to vector<1xf32>
      %squeeze3A_1169 = vector.extract %slice3A_1168[0] : f32 from vector<1xf32>
      %slice3A_1170 = vector.extract_strided_slice %scan3A_828#6 {offsets = [8], sizes = [1], strides = [1]} : vector<16xf32> to vector<1xf32>
      %squeeze3A_1171 = vector.extract %slice3A_1170[0] : f32 from vector<1xf32>
      %slice3A_1172 = vector.extract_strided_slice %scan3A_828#6 {offsets = [9], sizes = [1], strides = [1]} : vector<16xf32> to vector<1xf32>
      %squeeze3A_1173 = vector.extract %slice3A_1172[0] : f32 from vector<1xf32>
      %slice3A_1174 = vector.extract_strided_slice %scan3A_828#6 {offsets = [10], sizes = [1], strides = [1]} : vector<16xf32> to vector<1xf32>
      %squeeze3A_1175 = vector.extract %slice3A_1174[0] : f32 from vector<1xf32>
      %slice3A_1176 = vector.extract_strided_slice %scan3A_828#6 {offsets = [11], sizes = [1], strides = [1]} : vector<16xf32> to vector<1xf32>
      %squeeze3A_1177 = vector.extract %slice3A_1176[0] : f32 from vector<1xf32>
      %slice3A_1178 = vector.extract_strided_slice %scan3A_828#6 {offsets = [12], sizes = [1], strides = [1]} : vector<16xf32> to vector<1xf32>
      %squeeze3A_1179 = vector.extract %slice3A_1178[0] : f32 from vector<1xf32>
      %slice3A_1180 = vector.extract_strided_slice %scan3A_828#6 {offsets = [13], sizes = [1], strides = [1]} : vector<16xf32> to vector<1xf32>
      %squeeze3A_1181 = vector.extract %slice3A_1180[0] : f32 from vector<1xf32>
      %slice3A_1182 = vector.extract_strided_slice %scan3A_828#6 {offsets = [14], sizes = [1], strides = [1]} : vector<16xf32> to vector<1xf32>
      %squeeze3A_1183 = vector.extract %slice3A_1182[0] : f32 from vector<1xf32>
      %slice3A_1184 = vector.extract_strided_slice %scan3A_828#6 {offsets = [15], sizes = [1], strides = [1]} : vector<16xf32> to vector<1xf32>
      %squeeze3A_1185 = vector.extract %slice3A_1184[0] : f32 from vector<1xf32>
      %min3A_1186 = arith.minimumf %squeeze3A_1155, %squeeze3A_1157 : f32
      %min3A_1187 = arith.minimumf %squeeze3A_1159, %squeeze3A_1161 : f32
      %min3A_1188 = arith.minimumf %squeeze3A_1163, %squeeze3A_1165 : f32
      %min3A_1189 = arith.minimumf %squeeze3A_1167, %squeeze3A_1169 : f32
      %min3A_1190 = arith.minimumf %squeeze3A_1171, %squeeze3A_1173 : f32
      %min3A_1191 = arith.minimumf %squeeze3A_1175, %squeeze3A_1177 : f32
      %min3A_1192 = arith.minimumf %squeeze3A_1179, %squeeze3A_1181 : f32
      %min3A_1193 = arith.minimumf %squeeze3A_1183, %squeeze3A_1185 : f32
      %min3A_1194 = arith.minimumf %min3A_1186, %min3A_1187 : f32
      %min3A_1195 = arith.minimumf %min3A_1188, %min3A_1189 : f32
      %min3A_1196 = arith.minimumf %min3A_1190, %min3A_1191 : f32
      %min3A_1197 = arith.minimumf %min3A_1192, %min3A_1193 : f32
      %min3A_1198 = arith.minimumf %min3A_1194, %min3A_1195 : f32
      %min3A_1199 = arith.minimumf %min3A_1196, %min3A_1197 : f32
      %min3A_1200 = arith.minimumf %min3A_1198, %min3A_1199 : f32
      %max3A_1201 = arith.constant 0.000000e+00 : f32
      %max3A_1202 = arith.maximumf %min3A_1200, %max3A_1201 : f32
      %eq3A_1203 = arith.constant 14 : i32
      %eq3A_1204 = vector.broadcast %eq3A_1203 : i32 to vector<16xi32>
      %eq3A_1205 = arith.cmpi eq, %iota3A, %eq3A_1204 : vector<16xi32>
      %broadcast_in_dim3A_1206 = vector.broadcast %max3A_1202 : f32 to vector<16xf32>
      %select_n3A_1207 = arith.select %eq3A_1205, %broadcast_in_dim3A_1206, %select_n3A_1153 : vector<16xi1>, vector<16xf32>
      %slice3A_1208 = vector.extract_strided_slice %scan3A_828#7 {offsets = [0], sizes = [1], strides = [1]} : vector<16xf32> to vector<1xf32>
      %squeeze3A_1209 = vector.extract %slice3A_1208[0] : f32 from vector<1xf32>
      %slice3A_1210 = vector.extract_strided_slice %scan3A_828#7 {offsets = [1], sizes = [1], strides = [1]} : vector<16xf32> to vector<1xf32>
      %squeeze3A_1211 = vector.extract %slice3A_1210[0] : f32 from vector<1xf32>
      %slice3A_1212 = vector.extract_strided_slice %scan3A_828#7 {offsets = [2], sizes = [1], strides = [1]} : vector<16xf32> to vector<1xf32>
      %squeeze3A_1213 = vector.extract %slice3A_1212[0] : f32 from vector<1xf32>
      %slice3A_1214 = vector.extract_strided_slice %scan3A_828#7 {offsets = [3], sizes = [1], strides = [1]} : vector<16xf32> to vector<1xf32>
      %squeeze3A_1215 = vector.extract %slice3A_1214[0] : f32 from vector<1xf32>
      %slice3A_1216 = vector.extract_strided_slice %scan3A_828#7 {offsets = [4], sizes = [1], strides = [1]} : vector<16xf32> to vector<1xf32>
      %squeeze3A_1217 = vector.extract %slice3A_1216[0] : f32 from vector<1xf32>
      %slice3A_1218 = vector.extract_strided_slice %scan3A_828#7 {offsets = [5], sizes = [1], strides = [1]} : vector<16xf32> to vector<1xf32>
      %squeeze3A_1219 = vector.extract %slice3A_1218[0] : f32 from vector<1xf32>
      %slice3A_1220 = vector.extract_strided_slice %scan3A_828#7 {offsets = [6], sizes = [1], strides = [1]} : vector<16xf32> to vector<1xf32>
      %squeeze3A_1221 = vector.extract %slice3A_1220[0] : f32 from vector<1xf32>
      %slice3A_1222 = vector.extract_strided_slice %scan3A_828#7 {offsets = [7], sizes = [1], strides = [1]} : vector<16xf32> to vector<1xf32>
      %squeeze3A_1223 = vector.extract %slice3A_1222[0] : f32 from vector<1xf32>
      %slice3A_1224 = vector.extract_strided_slice %scan3A_828#7 {offsets = [8], sizes = [1], strides = [1]} : vector<16xf32> to vector<1xf32>
      %squeeze3A_1225 = vector.extract %slice3A_1224[0] : f32 from vector<1xf32>
      %slice3A_1226 = vector.extract_strided_slice %scan3A_828#7 {offsets = [9], sizes = [1], strides = [1]} : vector<16xf32> to vector<1xf32>
      %squeeze3A_1227 = vector.extract %slice3A_1226[0] : f32 from vector<1xf32>
      %slice3A_1228 = vector.extract_strided_slice %scan3A_828#7 {offsets = [10], sizes = [1], strides = [1]} : vector<16xf32> to vector<1xf32>
      %squeeze3A_1229 = vector.extract %slice3A_1228[0] : f32 from vector<1xf32>
      %slice3A_1230 = vector.extract_strided_slice %scan3A_828#7 {offsets = [11], sizes = [1], strides = [1]} : vector<16xf32> to vector<1xf32>
      %squeeze3A_1231 = vector.extract %slice3A_1230[0] : f32 from vector<1xf32>
      %slice3A_1232 = vector.extract_strided_slice %scan3A_828#7 {offsets = [12], sizes = [1], strides = [1]} : vector<16xf32> to vector<1xf32>
      %squeeze3A_1233 = vector.extract %slice3A_1232[0] : f32 from vector<1xf32>
      %slice3A_1234 = vector.extract_strided_slice %scan3A_828#7 {offsets = [13], sizes = [1], strides = [1]} : vector<16xf32> to vector<1xf32>
      %squeeze3A_1235 = vector.extract %slice3A_1234[0] : f32 from vector<1xf32>
      %slice3A_1236 = vector.extract_strided_slice %scan3A_828#7 {offsets = [14], sizes = [1], strides = [1]} : vector<16xf32> to vector<1xf32>
      %squeeze3A_1237 = vector.extract %slice3A_1236[0] : f32 from vector<1xf32>
      %slice3A_1238 = vector.extract_strided_slice %scan3A_828#7 {offsets = [15], sizes = [1], strides = [1]} : vector<16xf32> to vector<1xf32>
      %squeeze3A_1239 = vector.extract %slice3A_1238[0] : f32 from vector<1xf32>
      %min3A_1240 = arith.minimumf %squeeze3A_1209, %squeeze3A_1211 : f32
      %min3A_1241 = arith.minimumf %squeeze3A_1213, %squeeze3A_1215 : f32
      %min3A_1242 = arith.minimumf %squeeze3A_1217, %squeeze3A_1219 : f32
      %min3A_1243 = arith.minimumf %squeeze3A_1221, %squeeze3A_1223 : f32
      %min3A_1244 = arith.minimumf %squeeze3A_1225, %squeeze3A_1227 : f32
      %min3A_1245 = arith.minimumf %squeeze3A_1229, %squeeze3A_1231 : f32
      %min3A_1246 = arith.minimumf %squeeze3A_1233, %squeeze3A_1235 : f32
      %min3A_1247 = arith.minimumf %squeeze3A_1237, %squeeze3A_1239 : f32
      %min3A_1248 = arith.minimumf %min3A_1240, %min3A_1241 : f32
      %min3A_1249 = arith.minimumf %min3A_1242, %min3A_1243 : f32
      %min3A_1250 = arith.minimumf %min3A_1244, %min3A_1245 : f32
      %min3A_1251 = arith.minimumf %min3A_1246, %min3A_1247 : f32
      %min3A_1252 = arith.minimumf %min3A_1248, %min3A_1249 : f32
      %min3A_1253 = arith.minimumf %min3A_1250, %min3A_1251 : f32
      %min3A_1254 = arith.minimumf %min3A_1252, %min3A_1253 : f32
      %max3A_1255 = arith.constant 0.000000e+00 : f32
      %max3A_1256 = arith.maximumf %min3A_1254, %max3A_1255 : f32
      %eq3A_1257 = arith.constant 15 : i32
      %eq3A_1258 = vector.broadcast %eq3A_1257 : i32 to vector<16xi32>
      %eq3A_1259 = arith.cmpi eq, %iota3A, %eq3A_1258 : vector<16xi32>
      %broadcast_in_dim3A_1260 = vector.broadcast %max3A_1256 : f32 to vector<16xf32>
      %select_n3A_1261 = arith.select %eq3A_1259, %broadcast_in_dim3A_1260, %select_n3A_1207 : vector<16xi1>, vector<16xf32>
      %mul3A_1262 = arith.constant 16 : i32
      %mul3A_1263 = arith.muli %scan3A_46, %mul3A_1262 : i32
      %swap3A = arith.index_cast %mul3A_1263 : i32 to index
      %swap3A_1264 = tpu.vector_load %arg9[%swap3A] {strides = array<i32>} : memref<32xf32, #tpu.memory_space<vmem>>, vector<16xf32>,
      %swap3A_1265 = vector.shape_cast %swap3A_1264 : vector<16xf32> to vector<16xf32>
      %swap3A_1266 = vector.shape_cast %select_n3A_1261 : vector<16xf32> to vector<16xf32>
      tpu.vector_store %arg9[%swap3A], %swap3A_1266 {strides = array<i32>} : memref<32xf32, #tpu.memory_space<vmem>>, vector<16xf32>,
    }
    %scan3A_43 = arith.constant 2 : i32
    %mul3A_44 = arith.constant 32 : i32
    %mul3A_45 = arith.muli %select_n3A_30, %mul3A_44 : i32
    "tpu.region"() ({
      %run_scoped3A = tpu.sem_alloc : memref<!tpu.dma_semaphore, #tpu.memory_space<semaphore_mem>>
      %dma_start3A = tpu.memref_slice %arg4[%select_n3A, %mul3A_45] : memref<1x1024xf32, #tpu.memory_space<hbm>> -> memref<1x32xf32, #tpu.memory_space<hbm>>
      %dma_start3A_46 = tpu.memref_squeeze %dma_start3A : memref<1x32xf32, #tpu.memory_space<hbm>> -> memref<32xf32, #tpu.memory_space<hbm>>
      %dma_start3A_47 = tpu.memref_slice %arg4[%select_n3A, %mul3A_45] : memref<1x1024xf32, #tpu.memory_space<hbm>> -> memref<1x32xf32, #tpu.memory_space<hbm>>
      %dma_start3A_48 = tpu.memref_squeeze %dma_start3A_47 : memref<1x32xf32, #tpu.memory_space<hbm>> -> memref<32xf32, #tpu.memory_space<hbm>>
      tpu.enqueue_dma source(%arg9 : memref<32xf32, #tpu.memory_space<vmem>>) target(%dma_start3A_48 : memref<32xf32, #tpu.memory_space<hbm>>) target_semaphore(%run_scoped3A : memref<!tpu.dma_semaphore, #tpu.memory_space<semaphore_mem>>)
      %dma_wait3A = tpu.memref_slice %arg4[%select_n3A, %mul3A_45] : memref<1x1024xf32, #tpu.memory_space<hbm>> -> memref<1x32xf32, #tpu.memory_space<hbm>>
      %dma_wait3A_49 = tpu.memref_squeeze %dma_wait3A : memref<1x32xf32, #tpu.memory_space<hbm>> -> memref<32xf32, #tpu.memory_space<hbm>>
      %dma_wait3A_50 = tpu.memref_slice %arg4[%select_n3A, %mul3A_45] : memref<1x1024xf32, #tpu.memory_space<hbm>> -> memref<1x32xf32, #tpu.memory_space<hbm>>
      %dma_wait3A_51 = tpu.memref_squeeze %dma_wait3A_50 : memref<1x32xf32, #tpu.memory_space<hbm>> -> memref<32xf32, #tpu.memory_space<hbm>>
      tpu.wait_dma2 semaphore(%run_scoped3A : memref<!tpu.dma_semaphore, #tpu.memory_space<semaphore_mem>>) src(%arg9 : memref<32xf32, #tpu.memory_space<vmem>>) dst(%dma_wait3A_51 : memref<32xf32, #tpu.memory_space<hbm>>)
      tpu.yield
    }) : () -> ()
    "tpu.region"() ({
      %run_scoped3A = tpu.sem_alloc : memref<!tpu.dma_semaphore, #tpu.memory_space<semaphore_mem>>
      %dma_start3A = arith.constant 0 : i32
      %dma_start3A_46 = tpu.memref_slice %arg5[%select_n3A, %select_n3A_30, %dma_start3A] : memref<1x32x2048xf32, #tpu.memory_space<hbm>> -> memref<1x1x2048xf32, #tpu.memory_space<hbm>>
      %dma_start3A_47 = tpu.memref_squeeze %dma_start3A_46 : memref<1x1x2048xf32, #tpu.memory_space<hbm>> -> memref<2048xf32, #tpu.memory_space<hbm>>
      %dma_start3A_48 = arith.constant 0 : i32
      %dma_start3A_49 = tpu.memref_slice %arg5[%select_n3A, %select_n3A_30, %dma_start3A_48] : memref<1x32x2048xf32, #tpu.memory_space<hbm>> -> memref<1x1x2048xf32, #tpu.memory_space<hbm>>
      %dma_start3A_50 = tpu.memref_squeeze %dma_start3A_49 : memref<1x1x2048xf32, #tpu.memory_space<hbm>> -> memref<2048xf32, #tpu.memory_space<hbm>>
      tpu.enqueue_dma source(%arg8 : memref<2048xf32, #tpu.memory_space<vmem>>) target(%dma_start3A_50 : memref<2048xf32, #tpu.memory_space<hbm>>) target_semaphore(%run_scoped3A : memref<!tpu.dma_semaphore, #tpu.memory_space<semaphore_mem>>)
      %dma_wait3A = arith.constant 0 : i32
      %dma_wait3A_51 = tpu.memref_slice %arg5[%select_n3A, %select_n3A_30, %dma_wait3A] : memref<1x32x2048xf32, #tpu.memory_space<hbm>> -> memref<1x1x2048xf32, #tpu.memory_space<hbm>>
      %dma_wait3A_52 = tpu.memref_squeeze %dma_wait3A_51 : memref<1x1x2048xf32, #tpu.memory_space<hbm>> -> memref<2048xf32, #tpu.memory_space<hbm>>
      %dma_wait3A_53 = arith.constant 0 : i32
      %dma_wait3A_54 = tpu.memref_slice %arg5[%select_n3A, %select_n3A_30, %dma_wait3A_53] : memref<1x32x2048xf32, #tpu.memory_space<hbm>> -> memref<1x1x2048xf32, #tpu.memory_space<hbm>>
      %dma_wait3A_55 = tpu.memref_squeeze %dma_wait3A_54 : memref<1x1x2048xf32, #tpu.memory_space<hbm>> -> memref<2048xf32, #tpu.memory_space<hbm>>
      tpu.wait_dma2 semaphore(%run_scoped3A : memref<!tpu.dma_semaphore, #tpu.memory_space<semaphore_mem>>) src(%arg8 : memref<2048xf32, #tpu.memory_space<vmem>>) dst(%dma_wait3A_55 : memref<2048xf32, #tpu.memory_space<hbm>>)
      tpu.yield
    }) : () -> ()
    return
  }
}

module attributes {stable_mosaic.version = 14 : i64} {
  func.func @_tc_body(%arg0: i32, %arg1: i32, %arg2: memref<1x3x1024xf32, #tpu.memory_space<vmem>>, %arg3: memref<1x3x2048xf32, #tpu.memory_space<vmem>>, %arg4: memref<1x1x1024xf32, #tpu.memory_space<vmem>>, %arg5: memref<1x1x2048xf32, #tpu.memory_space<vmem>>) attributes {dimension_semantics = [#tpu.dimension_semantics<arbitrary>, #tpu.dimension_semantics<arbitrary>], iteration_bounds = array<i64: 1, 1>, scalar_prefetch = 0 : i64, scratch_operands = 0 : i64, tpu.core_type = #tpu.core_type<tc>, window_params = [{transform_indices = @transform_0, window_bounds = array<i64: 1, 3, 1024>}, {transform_indices = @transform_1, window_bounds = array<i64: 1, 3, 2048>}, {transform_indices = @transform_2, window_bounds = array<i64: 1, 1, 1024>}, {transform_indices = @transform_3, window_bounds = array<i64: 1, 1, 2048>}]} {
    %get3A = arith.constant 0 : index
    %get3A_0 = arith.constant 0 : index
    %get3A_1 = arith.constant 0 : index
    %get3A_2 = vector.load %arg2[%get3A, %get3A_0, %get3A_1] : memref<1x3x1024xf32, #tpu.memory_space<vmem>>, vector<1x3x1024xf32>
    %get3A_3 = vector.shape_cast %get3A_2 : vector<1x3x1024xf32> to vector<3x1024xf32>
    %get3A_4 = arith.constant 0 : index
    %get3A_5 = arith.constant 0 : index
    %get3A_6 = arith.constant 0 : index
    %get3A_7 = vector.load %arg3[%get3A_4, %get3A_5, %get3A_6] : memref<1x3x2048xf32, #tpu.memory_space<vmem>>, vector<1x3x2048xf32>
    %get3A_8 = vector.shape_cast %get3A_7 : vector<1x3x2048xf32> to vector<3x2048xf32>
    %mul3A = arith.mulf %get3A_3, %get3A_3 : vector<3x1024xf32>
    %reduce_sum3A = arith.constant dense<0.000000e+00> : vector<1024xf32>
    %reduce_sum3A_9 = vector.multi_reduction <add>, %mul3A, %reduce_sum3A [0] : vector<3x1024xf32> to vector<1024xf32>
    %broadcast_in_dim3A = vector.shape_cast %reduce_sum3A_9 : vector<1024xf32> to vector<1x1024xf32>
    %mul3A_10 = arith.mulf %get3A_8, %get3A_8 : vector<3x2048xf32>
    %reduce_sum3A_11 = arith.constant dense<0.000000e+00> : vector<2048xf32>
    %reduce_sum3A_12 = vector.multi_reduction <add>, %mul3A_10, %reduce_sum3A_11 [0] : vector<3x2048xf32> to vector<2048xf32>
    %broadcast_in_dim3A_13 = vector.shape_cast %reduce_sum3A_12 : vector<2048xf32> to vector<1x2048xf32>
    %convert_element_type3A = arith.truncf %broadcast_in_dim3A : vector<1x1024xf32> to vector<1x1024xbf16>
    %convert_element_type3A_14 = arith.extf %convert_element_type3A : vector<1x1024xbf16> to vector<1x1024xf32>
    %sub3A = arith.subf %broadcast_in_dim3A, %convert_element_type3A_14 : vector<1x1024xf32>
    %convert_element_type3A_15 = arith.truncf %broadcast_in_dim3A_13 : vector<1x2048xf32> to vector<1x2048xbf16>
    %convert_element_type3A_16 = arith.extf %convert_element_type3A_15 : vector<1x2048xbf16> to vector<1x2048xf32>
    %sub3A_17 = arith.subf %broadcast_in_dim3A_13, %convert_element_type3A_16 : vector<1x2048xf32>
    %broadcast_in_dim3A_18 = arith.constant 1.000000e+00 : f32
    %broadcast_in_dim3A_19 = vector.broadcast %broadcast_in_dim3A_18 : f32 to vector<1x1024xf32>
    %broadcast_in_dim3A_20 = arith.constant 1.000000e+00 : f32
    %broadcast_in_dim3A_21 = vector.broadcast %broadcast_in_dim3A_20 : f32 to vector<1x2048xf32>
    %concatenate3A = tpu.concatenate %get3A_3, %convert_element_type3A_14, %sub3A, %broadcast_in_dim3A_19, %broadcast_in_dim3A_19 in 0 : vector<3x1024xf32>, vector<1x1024xf32>, vector<1x1024xf32>, vector<1x1024xf32>, vector<1x1024xf32> -> vector<7x1024xf32>
    %mul3A_22 = arith.constant -2.000000e+00 : f32
    %mul3A_23 = vector.broadcast %mul3A_22 : f32 to vector<3x2048xf32>
    %mul3A_24 = arith.mulf %mul3A_23, %get3A_8 : vector<3x2048xf32>
    %concatenate3A_25 = tpu.concatenate %mul3A_24, %broadcast_in_dim3A_21, %broadcast_in_dim3A_21, %convert_element_type3A_16, %sub3A_17 in 0 : vector<3x2048xf32>, vector<1x2048xf32>, vector<1x2048xf32>, vector<1x2048xf32>, vector<1x2048xf32> -> vector<7x2048xf32>
    %slice3A = vector.extract_strided_slice %concatenate3A_25 {offsets = [0, 0], sizes = [7, 512], strides = [1, 1]} : vector<7x2048xf32> to vector<7x512xf32>
    %dot_general3A = arith.constant dense<0.000000e+00> : vector<1024x512xf32>
    %dot_general3A_26 = tpu.matmul %concatenate3A, %slice3A, %dot_general3A {dimension_numbers = #tpu.dot_dimension_numbers<[0], [0], [1], [1], [0, 1, 1, 1], [], []>, transpose_lhs_hint = false} : vector<7x1024xf32>, vector<7x512xf32>, vector<1024x512xf32> -> vector<1024x512xf32>
    %reduce_min3A = arith.constant dense<0x7F800000> : vector<512xf32>
    %reduce_min3A_27 = vector.multi_reduction <minimumf>, %dot_general3A_26, %reduce_min3A [0] : vector<1024x512xf32> to vector<512xf32>
    %slice3A_28 = vector.extract_strided_slice %dot_general3A_26 {offsets = [0, 0], sizes = [1024, 128], strides = [1, 1]} : vector<1024x512xf32> to vector<1024x128xf32>
    %slice3A_29 = vector.extract_strided_slice %dot_general3A_26 {offsets = [0, 128], sizes = [1024, 128], strides = [1, 1]} : vector<1024x512xf32> to vector<1024x128xf32>
    %min3A = arith.minimumf %slice3A_28, %slice3A_29 : vector<1024x128xf32>
    %slice3A_30 = vector.extract_strided_slice %dot_general3A_26 {offsets = [0, 256], sizes = [1024, 128], strides = [1, 1]} : vector<1024x512xf32> to vector<1024x128xf32>
    %min3A_31 = arith.minimumf %min3A, %slice3A_30 : vector<1024x128xf32>
    %slice3A_32 = vector.extract_strided_slice %dot_general3A_26 {offsets = [0, 384], sizes = [1024, 128], strides = [1, 1]} : vector<1024x512xf32> to vector<1024x128xf32>
    %min3A_33 = arith.minimumf %min3A_31, %slice3A_32 : vector<1024x128xf32>
    %slice3A_34 = vector.extract_strided_slice %concatenate3A_25 {offsets = [0, 512], sizes = [7, 512], strides = [1, 1]} : vector<7x2048xf32> to vector<7x512xf32>
    %dot_general3A_35 = arith.constant dense<0.000000e+00> : vector<1024x512xf32>
    %dot_general3A_36 = tpu.matmul %concatenate3A, %slice3A_34, %dot_general3A_35 {dimension_numbers = #tpu.dot_dimension_numbers<[0], [0], [1], [1], [0, 1, 1, 1], [], []>, transpose_lhs_hint = false} : vector<7x1024xf32>, vector<7x512xf32>, vector<1024x512xf32> -> vector<1024x512xf32>
    %reduce_min3A_37 = arith.constant dense<0x7F800000> : vector<512xf32>
    %reduce_min3A_38 = vector.multi_reduction <minimumf>, %dot_general3A_36, %reduce_min3A_37 [0] : vector<1024x512xf32> to vector<512xf32>
    %slice3A_39 = vector.extract_strided_slice %dot_general3A_36 {offsets = [0, 0], sizes = [1024, 128], strides = [1, 1]} : vector<1024x512xf32> to vector<1024x128xf32>
    %min3A_40 = arith.minimumf %min3A_33, %slice3A_39 : vector<1024x128xf32>
    %slice3A_41 = vector.extract_strided_slice %dot_general3A_36 {offsets = [0, 128], sizes = [1024, 128], strides = [1, 1]} : vector<1024x512xf32> to vector<1024x128xf32>
    %min3A_42 = arith.minimumf %min3A_40, %slice3A_41 : vector<1024x128xf32>
    %slice3A_43 = vector.extract_strided_slice %dot_general3A_36 {offsets = [0, 256], sizes = [1024, 128], strides = [1, 1]} : vector<1024x512xf32> to vector<1024x128xf32>
    %min3A_44 = arith.minimumf %min3A_42, %slice3A_43 : vector<1024x128xf32>
    %slice3A_45 = vector.extract_strided_slice %dot_general3A_36 {offsets = [0, 384], sizes = [1024, 128], strides = [1, 1]} : vector<1024x512xf32> to vector<1024x128xf32>
    %min3A_46 = arith.minimumf %min3A_44, %slice3A_45 : vector<1024x128xf32>
    %slice3A_47 = vector.extract_strided_slice %concatenate3A_25 {offsets = [0, 1024], sizes = [7, 512], strides = [1, 1]} : vector<7x2048xf32> to vector<7x512xf32>
    %dot_general3A_48 = arith.constant dense<0.000000e+00> : vector<1024x512xf32>
    %dot_general3A_49 = tpu.matmul %concatenate3A, %slice3A_47, %dot_general3A_48 {dimension_numbers = #tpu.dot_dimension_numbers<[0], [0], [1], [1], [0, 1, 1, 1], [], []>, transpose_lhs_hint = false} : vector<7x1024xf32>, vector<7x512xf32>, vector<1024x512xf32> -> vector<1024x512xf32>
    %reduce_min3A_50 = arith.constant dense<0x7F800000> : vector<512xf32>
    %reduce_min3A_51 = vector.multi_reduction <minimumf>, %dot_general3A_49, %reduce_min3A_50 [0] : vector<1024x512xf32> to vector<512xf32>
    %slice3A_52 = vector.extract_strided_slice %dot_general3A_49 {offsets = [0, 0], sizes = [1024, 128], strides = [1, 1]} : vector<1024x512xf32> to vector<1024x128xf32>
    %min3A_53 = arith.minimumf %min3A_46, %slice3A_52 : vector<1024x128xf32>
    %slice3A_54 = vector.extract_strided_slice %dot_general3A_49 {offsets = [0, 128], sizes = [1024, 128], strides = [1, 1]} : vector<1024x512xf32> to vector<1024x128xf32>
    %min3A_55 = arith.minimumf %min3A_53, %slice3A_54 : vector<1024x128xf32>
    %slice3A_56 = vector.extract_strided_slice %dot_general3A_49 {offsets = [0, 256], sizes = [1024, 128], strides = [1, 1]} : vector<1024x512xf32> to vector<1024x128xf32>
    %min3A_57 = arith.minimumf %min3A_55, %slice3A_56 : vector<1024x128xf32>
    %slice3A_58 = vector.extract_strided_slice %dot_general3A_49 {offsets = [0, 384], sizes = [1024, 128], strides = [1, 1]} : vector<1024x512xf32> to vector<1024x128xf32>
    %min3A_59 = arith.minimumf %min3A_57, %slice3A_58 : vector<1024x128xf32>
    %slice3A_60 = vector.extract_strided_slice %concatenate3A_25 {offsets = [0, 1536], sizes = [7, 512], strides = [1, 1]} : vector<7x2048xf32> to vector<7x512xf32>
    %dot_general3A_61 = arith.constant dense<0.000000e+00> : vector<1024x512xf32>
    %dot_general3A_62 = tpu.matmul %concatenate3A, %slice3A_60, %dot_general3A_61 {dimension_numbers = #tpu.dot_dimension_numbers<[0], [0], [1], [1], [0, 1, 1, 1], [], []>, transpose_lhs_hint = false} : vector<7x1024xf32>, vector<7x512xf32>, vector<1024x512xf32> -> vector<1024x512xf32>
    %reduce_min3A_63 = arith.constant dense<0x7F800000> : vector<512xf32>
    %reduce_min3A_64 = vector.multi_reduction <minimumf>, %dot_general3A_62, %reduce_min3A_63 [0] : vector<1024x512xf32> to vector<512xf32>
    %slice3A_65 = vector.extract_strided_slice %dot_general3A_62 {offsets = [0, 0], sizes = [1024, 128], strides = [1, 1]} : vector<1024x512xf32> to vector<1024x128xf32>
    %min3A_66 = arith.minimumf %min3A_59, %slice3A_65 : vector<1024x128xf32>
    %slice3A_67 = vector.extract_strided_slice %dot_general3A_62 {offsets = [0, 128], sizes = [1024, 128], strides = [1, 1]} : vector<1024x512xf32> to vector<1024x128xf32>
    %min3A_68 = arith.minimumf %min3A_66, %slice3A_67 : vector<1024x128xf32>
    %slice3A_69 = vector.extract_strided_slice %dot_general3A_62 {offsets = [0, 256], sizes = [1024, 128], strides = [1, 1]} : vector<1024x512xf32> to vector<1024x128xf32>
    %min3A_70 = arith.minimumf %min3A_68, %slice3A_69 : vector<1024x128xf32>
    %slice3A_71 = vector.extract_strided_slice %dot_general3A_62 {offsets = [0, 384], sizes = [1024, 128], strides = [1, 1]} : vector<1024x512xf32> to vector<1024x128xf32>
    %min3A_72 = arith.minimumf %min3A_70, %slice3A_71 : vector<1024x128xf32>
    %transpose3A = tpu.transpose %min3A_72, [1, 0] : vector<1024x128xf32> -> vector<128x1024xf32>
    %reduce_min3A_73 = arith.constant dense<0x7F800000> : vector<1024xf32>
    %reduce_min3A_74 = vector.multi_reduction <minimumf>, %transpose3A, %reduce_min3A_73 [0] : vector<128x1024xf32> to vector<1024xf32>
    %max3A = arith.constant 0.000000e+00 : f32
    %max3A_75 = vector.broadcast %max3A : f32 to vector<1024xf32>
    %max3A_76 = arith.maximumf %reduce_min3A_74, %max3A_75 : vector<1024xf32>
    %swap3A = arith.constant 0 : index
    %swap3A_77 = arith.constant 0 : index
    %swap3A_78 = arith.constant 0 : index
    %swap3A_79 = vector.load %arg4[%swap3A, %swap3A_77, %swap3A_78] : memref<1x1x1024xf32, #tpu.memory_space<vmem>>, vector<1x1x1024xf32>
    %swap3A_80 = vector.shape_cast %swap3A_79 : vector<1x1x1024xf32> to vector<1024xf32>
    %swap3A_81 = vector.shape_cast %max3A_76 : vector<1024xf32> to vector<1x1x1024xf32>
    tpu.vector_store %arg4[%swap3A, %swap3A_77, %swap3A_78], %swap3A_81 {strides = array<i32>} : memref<1x1x1024xf32, #tpu.memory_space<vmem>>, vector<1x1x1024xf32>,
    %concatenate3A_82 = tpu.concatenate %reduce_min3A_27, %reduce_min3A_38, %reduce_min3A_51, %reduce_min3A_64 in 0 : vector<512xf32>, vector<512xf32>, vector<512xf32>, vector<512xf32> -> vector<2048xf32>
    %eq3A = arith.constant 0 : i32
    %eq3A_83 = arith.cmpi eq, %arg1, %eq3A : i32
    %convert_element_type3A_84 = arith.extui %eq3A_83 : i1 to i32
    %cond3A = arith.constant 0 : i32
    %cond3A_85 = arith.cmpi ne, %convert_element_type3A_84, %cond3A : i32
    scf.if %cond3A_85 {
      %swap3A_90 = arith.constant 0 : index
      %swap3A_91 = arith.constant 0 : index
      %swap3A_92 = arith.constant 0 : index
      %swap3A_93 = vector.load %arg5[%swap3A_90, %swap3A_91, %swap3A_92] : memref<1x1x2048xf32, #tpu.memory_space<vmem>>, vector<1x1x2048xf32>
      %swap3A_94 = vector.shape_cast %swap3A_93 : vector<1x1x2048xf32> to vector<2048xf32>
      %swap3A_95 = vector.shape_cast %concatenate3A_82 : vector<2048xf32> to vector<1x1x2048xf32>
      tpu.vector_store %arg5[%swap3A_90, %swap3A_91, %swap3A_92], %swap3A_95 {strides = array<i32>} : memref<1x1x2048xf32, #tpu.memory_space<vmem>>, vector<1x1x2048xf32>,
    } else {
    }
    %gt3A = arith.constant 0 : i32
    %gt3A_86 = arith.cmpi sgt, %arg1, %gt3A : i32
    %convert_element_type3A_87 = arith.extui %gt3A_86 : i1 to i32
    %cond3A_88 = arith.constant 0 : i32
    %cond3A_89 = arith.cmpi ne, %convert_element_type3A_87, %cond3A_88 : i32
    scf.if %cond3A_89 {
      %get3A_90 = arith.constant 0 : index
      %get3A_91 = arith.constant 0 : index
      %get3A_92 = arith.constant 0 : index
      %get3A_93 = vector.load %arg5[%get3A_90, %get3A_91, %get3A_92] : memref<1x1x2048xf32, #tpu.memory_space<vmem>>, vector<1x1x2048xf32>
      %get3A_94 = vector.shape_cast %get3A_93 : vector<1x1x2048xf32> to vector<2048xf32>
      %min3A_95 = arith.minimumf %get3A_94, %concatenate3A_82 : vector<2048xf32>
      %swap3A_96 = arith.constant 0 : index
      %swap3A_97 = arith.constant 0 : index
      %swap3A_98 = arith.constant 0 : index
      %swap3A_99 = vector.load %arg5[%swap3A_96, %swap3A_97, %swap3A_98] : memref<1x1x2048xf32, #tpu.memory_space<vmem>>, vector<1x1x2048xf32>
      %swap3A_100 = vector.shape_cast %swap3A_99 : vector<1x1x2048xf32> to vector<2048xf32>
      %swap3A_101 = vector.shape_cast %min3A_95 : vector<2048xf32> to vector<1x1x2048xf32>
      tpu.vector_store %arg5[%swap3A_96, %swap3A_97, %swap3A_98], %swap3A_101 {strides = array<i32>} : memref<1x1x2048xf32, #tpu.memory_space<vmem>>, vector<1x1x2048xf32>,
    } else {
    }
    return
  }
  func.func @transform_0(%arg0: i32, %arg1: i32) -> (i32, i32, i32) {
    %c0_i32 = arith.constant 0 : i32
    %c0_i32_0 = arith.constant 0 : i32
    return %arg0, %c0_i32, %arg1 : i32, i32, i32
  }
  func.func @transform_1(%arg0: i32, %arg1: i32) -> (i32, i32, i32) {
    %c0_i32 = arith.constant 0 : i32
    %c0_i32_0 = arith.constant 0 : i32
    %c0_i32_1 = arith.constant 0 : i32
    return %arg0, %c0_i32, %c0_i32_0 : i32, i32, i32
  }
  func.func @transform_2(%arg0: i32, %arg1: i32) -> (i32, i32, i32) {
    %c0_i32 = arith.constant 0 : i32
    %c0_i32_0 = arith.constant 0 : i32
    return %arg0, %c0_i32, %arg1 : i32, i32, i32
  }
  func.func @transform_3(%arg0: i32, %arg1: i32) -> (i32, i32, i32) {
    %c0_i32 = arith.constant 0 : i32
    %c0_i32_0 = arith.constant 0 : i32
    %c0_i32_1 = arith.constant 0 : i32
    return %arg0, %c0_i32, %c0_i32_0 : i32, i32, i32
  }
}

module attributes {stable_mosaic.version = 14 : i64} {
  func.func @_tc_body(%arg0: i32, %arg1: i32, %arg2: memref<1x3x2048xf32, #tpu.memory_space<vmem>>, %arg3: memref<1x3x2048xf32, #tpu.memory_space<vmem>>, %arg4: memref<1x1x2048xf32, #tpu.memory_space<vmem>>, %arg5: memref<1x1x2048xf32, #tpu.memory_space<vmem>>) attributes {dimension_semantics = [#tpu.dimension_semantics<arbitrary>, #tpu.dimension_semantics<arbitrary>], iteration_bounds = array<i64: 7, 1>, scalar_prefetch = 0 : i64, scratch_operands = 0 : i64, tpu.core_type = #tpu.core_type<tc>, window_params = [{transform_indices = @transform_0, window_bounds = array<i64: 1, 3, 2048>}, {transform_indices = @transform_1, window_bounds = array<i64: 1, 3, 2048>}, {transform_indices = @transform_2, window_bounds = array<i64: 1, 1, 2048>}, {transform_indices = @transform_3, window_bounds = array<i64: 1, 1, 2048>}]} {
    %get3A = arith.constant 0 : index
    %get3A_0 = arith.constant 0 : index
    %get3A_1 = arith.constant 0 : index
    %get3A_2 = vector.load %arg2[%get3A, %get3A_0, %get3A_1] : memref<1x3x2048xf32, #tpu.memory_space<vmem>>, vector<1x3x2048xf32>
    %get3A_3 = vector.shape_cast %get3A_2 : vector<1x3x2048xf32> to vector<3x2048xf32>
    %get3A_4 = arith.constant 0 : index
    %get3A_5 = arith.constant 0 : index
    %get3A_6 = arith.constant 0 : index
    %get3A_7 = vector.load %arg3[%get3A_4, %get3A_5, %get3A_6] : memref<1x3x2048xf32, #tpu.memory_space<vmem>>, vector<1x3x2048xf32>
    %get3A_8 = vector.shape_cast %get3A_7 : vector<1x3x2048xf32> to vector<3x2048xf32>
    %mul3A = arith.mulf %get3A_3, %get3A_3 : vector<3x2048xf32>
    %reduce_sum3A = arith.constant dense<0.000000e+00> : vector<2048xf32>
    %reduce_sum3A_9 = vector.multi_reduction <add>, %mul3A, %reduce_sum3A [0] : vector<3x2048xf32> to vector<2048xf32>
    %broadcast_in_dim3A = vector.shape_cast %reduce_sum3A_9 : vector<2048xf32> to vector<1x2048xf32>
    %mul3A_10 = arith.mulf %get3A_8, %get3A_8 : vector<3x2048xf32>
    %reduce_sum3A_11 = arith.constant dense<0.000000e+00> : vector<2048xf32>
    %reduce_sum3A_12 = vector.multi_reduction <add>, %mul3A_10, %reduce_sum3A_11 [0] : vector<3x2048xf32> to vector<2048xf32>
    %broadcast_in_dim3A_13 = vector.shape_cast %reduce_sum3A_12 : vector<2048xf32> to vector<1x2048xf32>
    %convert_element_type3A = arith.truncf %broadcast_in_dim3A : vector<1x2048xf32> to vector<1x2048xbf16>
    %convert_element_type3A_14 = arith.extf %convert_element_type3A : vector<1x2048xbf16> to vector<1x2048xf32>
    %sub3A = arith.subf %broadcast_in_dim3A, %convert_element_type3A_14 : vector<1x2048xf32>
    %convert_element_type3A_15 = arith.truncf %broadcast_in_dim3A_13 : vector<1x2048xf32> to vector<1x2048xbf16>
    %convert_element_type3A_16 = arith.extf %convert_element_type3A_15 : vector<1x2048xbf16> to vector<1x2048xf32>
    %sub3A_17 = arith.subf %broadcast_in_dim3A_13, %convert_element_type3A_16 : vector<1x2048xf32>
    %broadcast_in_dim3A_18 = arith.constant 1.000000e+00 : f32
    %broadcast_in_dim3A_19 = vector.broadcast %broadcast_in_dim3A_18 : f32 to vector<1x2048xf32>
    %broadcast_in_dim3A_20 = arith.constant 1.000000e+00 : f32
    %broadcast_in_dim3A_21 = vector.broadcast %broadcast_in_dim3A_20 : f32 to vector<1x2048xf32>
    %concatenate3A = tpu.concatenate %get3A_3, %convert_element_type3A_14, %sub3A, %broadcast_in_dim3A_19, %broadcast_in_dim3A_19 in 0 : vector<3x2048xf32>, vector<1x2048xf32>, vector<1x2048xf32>, vector<1x2048xf32>, vector<1x2048xf32> -> vector<7x2048xf32>
    %mul3A_22 = arith.constant -2.000000e+00 : f32
    %mul3A_23 = vector.broadcast %mul3A_22 : f32 to vector<3x2048xf32>
    %mul3A_24 = arith.mulf %mul3A_23, %get3A_8 : vector<3x2048xf32>
    %concatenate3A_25 = tpu.concatenate %mul3A_24, %broadcast_in_dim3A_21, %broadcast_in_dim3A_21, %convert_element_type3A_16, %sub3A_17 in 0 : vector<3x2048xf32>, vector<1x2048xf32>, vector<1x2048xf32>, vector<1x2048xf32>, vector<1x2048xf32> -> vector<7x2048xf32>
    %slice3A = vector.extract_strided_slice %concatenate3A_25 {offsets = [0, 0], sizes = [7, 512], strides = [1, 1]} : vector<7x2048xf32> to vector<7x512xf32>
    %dot_general3A = arith.constant dense<0.000000e+00> : vector<2048x512xf32>
    %dot_general3A_26 = tpu.matmul %concatenate3A, %slice3A, %dot_general3A {dimension_numbers = #tpu.dot_dimension_numbers<[0], [0], [1], [1], [0, 1, 1, 1], [], []>, transpose_lhs_hint = false} : vector<7x2048xf32>, vector<7x512xf32>, vector<2048x512xf32> -> vector<2048x512xf32>
    %reduce_min3A = arith.constant dense<0x7F800000> : vector<512xf32>
    %reduce_min3A_27 = vector.multi_reduction <minimumf>, %dot_general3A_26, %reduce_min3A [0] : vector<2048x512xf32> to vector<512xf32>
    %slice3A_28 = vector.extract_strided_slice %dot_general3A_26 {offsets = [0, 0], sizes = [2048, 128], strides = [1, 1]} : vector<2048x512xf32> to vector<2048x128xf32>
    %slice3A_29 = vector.extract_strided_slice %dot_general3A_26 {offsets = [0, 128], sizes = [2048, 128], strides = [1, 1]} : vector<2048x512xf32> to vector<2048x128xf32>
    %min3A = arith.minimumf %slice3A_28, %slice3A_29 : vector<2048x128xf32>
    %slice3A_30 = vector.extract_strided_slice %dot_general3A_26 {offsets = [0, 256], sizes = [2048, 128], strides = [1, 1]} : vector<2048x512xf32> to vector<2048x128xf32>
    %min3A_31 = arith.minimumf %min3A, %slice3A_30 : vector<2048x128xf32>
    %slice3A_32 = vector.extract_strided_slice %dot_general3A_26 {offsets = [0, 384], sizes = [2048, 128], strides = [1, 1]} : vector<2048x512xf32> to vector<2048x128xf32>
    %min3A_33 = arith.minimumf %min3A_31, %slice3A_32 : vector<2048x128xf32>
    %slice3A_34 = vector.extract_strided_slice %concatenate3A_25 {offsets = [0, 512], sizes = [7, 512], strides = [1, 1]} : vector<7x2048xf32> to vector<7x512xf32>
    %dot_general3A_35 = arith.constant dense<0.000000e+00> : vector<2048x512xf32>
    %dot_general3A_36 = tpu.matmul %concatenate3A, %slice3A_34, %dot_general3A_35 {dimension_numbers = #tpu.dot_dimension_numbers<[0], [0], [1], [1], [0, 1, 1, 1], [], []>, transpose_lhs_hint = false} : vector<7x2048xf32>, vector<7x512xf32>, vector<2048x512xf32> -> vector<2048x512xf32>
    %reduce_min3A_37 = arith.constant dense<0x7F800000> : vector<512xf32>
    %reduce_min3A_38 = vector.multi_reduction <minimumf>, %dot_general3A_36, %reduce_min3A_37 [0] : vector<2048x512xf32> to vector<512xf32>
    %slice3A_39 = vector.extract_strided_slice %dot_general3A_36 {offsets = [0, 0], sizes = [2048, 128], strides = [1, 1]} : vector<2048x512xf32> to vector<2048x128xf32>
    %min3A_40 = arith.minimumf %min3A_33, %slice3A_39 : vector<2048x128xf32>
    %slice3A_41 = vector.extract_strided_slice %dot_general3A_36 {offsets = [0, 128], sizes = [2048, 128], strides = [1, 1]} : vector<2048x512xf32> to vector<2048x128xf32>
    %min3A_42 = arith.minimumf %min3A_40, %slice3A_41 : vector<2048x128xf32>
    %slice3A_43 = vector.extract_strided_slice %dot_general3A_36 {offsets = [0, 256], sizes = [2048, 128], strides = [1, 1]} : vector<2048x512xf32> to vector<2048x128xf32>
    %min3A_44 = arith.minimumf %min3A_42, %slice3A_43 : vector<2048x128xf32>
    %slice3A_45 = vector.extract_strided_slice %dot_general3A_36 {offsets = [0, 384], sizes = [2048, 128], strides = [1, 1]} : vector<2048x512xf32> to vector<2048x128xf32>
    %min3A_46 = arith.minimumf %min3A_44, %slice3A_45 : vector<2048x128xf32>
    %slice3A_47 = vector.extract_strided_slice %concatenate3A_25 {offsets = [0, 1024], sizes = [7, 512], strides = [1, 1]} : vector<7x2048xf32> to vector<7x512xf32>
    %dot_general3A_48 = arith.constant dense<0.000000e+00> : vector<2048x512xf32>
    %dot_general3A_49 = tpu.matmul %concatenate3A, %slice3A_47, %dot_general3A_48 {dimension_numbers = #tpu.dot_dimension_numbers<[0], [0], [1], [1], [0, 1, 1, 1], [], []>, transpose_lhs_hint = false} : vector<7x2048xf32>, vector<7x512xf32>, vector<2048x512xf32> -> vector<2048x512xf32>
    %reduce_min3A_50 = arith.constant dense<0x7F800000> : vector<512xf32>
    %reduce_min3A_51 = vector.multi_reduction <minimumf>, %dot_general3A_49, %reduce_min3A_50 [0] : vector<2048x512xf32> to vector<512xf32>
    %slice3A_52 = vector.extract_strided_slice %dot_general3A_49 {offsets = [0, 0], sizes = [2048, 128], strides = [1, 1]} : vector<2048x512xf32> to vector<2048x128xf32>
    %min3A_53 = arith.minimumf %min3A_46, %slice3A_52 : vector<2048x128xf32>
    %slice3A_54 = vector.extract_strided_slice %dot_general3A_49 {offsets = [0, 128], sizes = [2048, 128], strides = [1, 1]} : vector<2048x512xf32> to vector<2048x128xf32>
    %min3A_55 = arith.minimumf %min3A_53, %slice3A_54 : vector<2048x128xf32>
    %slice3A_56 = vector.extract_strided_slice %dot_general3A_49 {offsets = [0, 256], sizes = [2048, 128], strides = [1, 1]} : vector<2048x512xf32> to vector<2048x128xf32>
    %min3A_57 = arith.minimumf %min3A_55, %slice3A_56 : vector<2048x128xf32>
    %slice3A_58 = vector.extract_strided_slice %dot_general3A_49 {offsets = [0, 384], sizes = [2048, 128], strides = [1, 1]} : vector<2048x512xf32> to vector<2048x128xf32>
    %min3A_59 = arith.minimumf %min3A_57, %slice3A_58 : vector<2048x128xf32>
    %slice3A_60 = vector.extract_strided_slice %concatenate3A_25 {offsets = [0, 1536], sizes = [7, 512], strides = [1, 1]} : vector<7x2048xf32> to vector<7x512xf32>
    %dot_general3A_61 = arith.constant dense<0.000000e+00> : vector<2048x512xf32>
    %dot_general3A_62 = tpu.matmul %concatenate3A, %slice3A_60, %dot_general3A_61 {dimension_numbers = #tpu.dot_dimension_numbers<[0], [0], [1], [1], [0, 1, 1, 1], [], []>, transpose_lhs_hint = false} : vector<7x2048xf32>, vector<7x512xf32>, vector<2048x512xf32> -> vector<2048x512xf32>
    %reduce_min3A_63 = arith.constant dense<0x7F800000> : vector<512xf32>
    %reduce_min3A_64 = vector.multi_reduction <minimumf>, %dot_general3A_62, %reduce_min3A_63 [0] : vector<2048x512xf32> to vector<512xf32>
    %slice3A_65 = vector.extract_strided_slice %dot_general3A_62 {offsets = [0, 0], sizes = [2048, 128], strides = [1, 1]} : vector<2048x512xf32> to vector<2048x128xf32>
    %min3A_66 = arith.minimumf %min3A_59, %slice3A_65 : vector<2048x128xf32>
    %slice3A_67 = vector.extract_strided_slice %dot_general3A_62 {offsets = [0, 128], sizes = [2048, 128], strides = [1, 1]} : vector<2048x512xf32> to vector<2048x128xf32>
    %min3A_68 = arith.minimumf %min3A_66, %slice3A_67 : vector<2048x128xf32>
    %slice3A_69 = vector.extract_strided_slice %dot_general3A_62 {offsets = [0, 256], sizes = [2048, 128], strides = [1, 1]} : vector<2048x512xf32> to vector<2048x128xf32>
    %min3A_70 = arith.minimumf %min3A_68, %slice3A_69 : vector<2048x128xf32>
    %slice3A_71 = vector.extract_strided_slice %dot_general3A_62 {offsets = [0, 384], sizes = [2048, 128], strides = [1, 1]} : vector<2048x512xf32> to vector<2048x128xf32>
    %min3A_72 = arith.minimumf %min3A_70, %slice3A_71 : vector<2048x128xf32>
    %transpose3A = tpu.transpose %min3A_72, [1, 0] : vector<2048x128xf32> -> vector<128x2048xf32>
    %reduce_min3A_73 = arith.constant dense<0x7F800000> : vector<2048xf32>
    %reduce_min3A_74 = vector.multi_reduction <minimumf>, %transpose3A, %reduce_min3A_73 [0] : vector<128x2048xf32> to vector<2048xf32>
    %max3A = arith.constant 0.000000e+00 : f32
    %max3A_75 = vector.broadcast %max3A : f32 to vector<2048xf32>
    %max3A_76 = arith.maximumf %reduce_min3A_74, %max3A_75 : vector<2048xf32>
    %swap3A = arith.constant 0 : index
    %swap3A_77 = arith.constant 0 : index
    %swap3A_78 = arith.constant 0 : index
    %swap3A_79 = vector.load %arg4[%swap3A, %swap3A_77, %swap3A_78] : memref<1x1x2048xf32, #tpu.memory_space<vmem>>, vector<1x1x2048xf32>
    %swap3A_80 = vector.shape_cast %swap3A_79 : vector<1x1x2048xf32> to vector<2048xf32>
    %swap3A_81 = vector.shape_cast %max3A_76 : vector<2048xf32> to vector<1x1x2048xf32>
    tpu.vector_store %arg4[%swap3A, %swap3A_77, %swap3A_78], %swap3A_81 {strides = array<i32>} : memref<1x1x2048xf32, #tpu.memory_space<vmem>>, vector<1x1x2048xf32>,
    %concatenate3A_82 = tpu.concatenate %reduce_min3A_27, %reduce_min3A_38, %reduce_min3A_51, %reduce_min3A_64 in 0 : vector<512xf32>, vector<512xf32>, vector<512xf32>, vector<512xf32> -> vector<2048xf32>
    %eq3A = arith.constant 0 : i32
    %eq3A_83 = arith.cmpi eq, %arg1, %eq3A : i32
    %convert_element_type3A_84 = arith.extui %eq3A_83 : i1 to i32
    %cond3A = arith.constant 0 : i32
    %cond3A_85 = arith.cmpi ne, %convert_element_type3A_84, %cond3A : i32
    scf.if %cond3A_85 {
      %swap3A_90 = arith.constant 0 : index
      %swap3A_91 = arith.constant 0 : index
      %swap3A_92 = arith.constant 0 : index
      %swap3A_93 = vector.load %arg5[%swap3A_90, %swap3A_91, %swap3A_92] : memref<1x1x2048xf32, #tpu.memory_space<vmem>>, vector<1x1x2048xf32>
      %swap3A_94 = vector.shape_cast %swap3A_93 : vector<1x1x2048xf32> to vector<2048xf32>
      %swap3A_95 = vector.shape_cast %concatenate3A_82 : vector<2048xf32> to vector<1x1x2048xf32>
      tpu.vector_store %arg5[%swap3A_90, %swap3A_91, %swap3A_92], %swap3A_95 {strides = array<i32>} : memref<1x1x2048xf32, #tpu.memory_space<vmem>>, vector<1x1x2048xf32>,
    } else {
    }
    %gt3A = arith.constant 0 : i32
    %gt3A_86 = arith.cmpi sgt, %arg1, %gt3A : i32
    %convert_element_type3A_87 = arith.extui %gt3A_86 : i1 to i32
    %cond3A_88 = arith.constant 0 : i32
    %cond3A_89 = arith.cmpi ne, %convert_element_type3A_87, %cond3A_88 : i32
    scf.if %cond3A_89 {
      %get3A_90 = arith.constant 0 : index
      %get3A_91 = arith.constant 0 : index
      %get3A_92 = arith.constant 0 : index
      %get3A_93 = vector.load %arg5[%get3A_90, %get3A_91, %get3A_92] : memref<1x1x2048xf32, #tpu.memory_space<vmem>>, vector<1x1x2048xf32>
      %get3A_94 = vector.shape_cast %get3A_93 : vector<1x1x2048xf32> to vector<2048xf32>
      %min3A_95 = arith.minimumf %get3A_94, %concatenate3A_82 : vector<2048xf32>
      %swap3A_96 = arith.constant 0 : index
      %swap3A_97 = arith.constant 0 : index
      %swap3A_98 = arith.constant 0 : index
      %swap3A_99 = vector.load %arg5[%swap3A_96, %swap3A_97, %swap3A_98] : memref<1x1x2048xf32, #tpu.memory_space<vmem>>, vector<1x1x2048xf32>
      %swap3A_100 = vector.shape_cast %swap3A_99 : vector<1x1x2048xf32> to vector<2048xf32>
      %swap3A_101 = vector.shape_cast %min3A_95 : vector<2048xf32> to vector<1x1x2048xf32>
      tpu.vector_store %arg5[%swap3A_96, %swap3A_97, %swap3A_98], %swap3A_101 {strides = array<i32>} : memref<1x1x2048xf32, #tpu.memory_space<vmem>>, vector<1x1x2048xf32>,
    } else {
    }
    return
  }
  func.func @transform_0(%arg0: i32, %arg1: i32) -> (i32, i32, i32) {
    %c0_i32 = arith.constant 0 : i32
    %c0_i32_0 = arith.constant 0 : i32
    return %arg0, %c0_i32, %arg1 : i32, i32, i32
  }
  func.func @transform_1(%arg0: i32, %arg1: i32) -> (i32, i32, i32) {
    %c0_i32 = arith.constant 0 : i32
    %c0_i32_0 = arith.constant 0 : i32
    %c0_i32_1 = arith.constant 0 : i32
    return %arg0, %c0_i32, %c0_i32_0 : i32, i32, i32
  }
  func.func @transform_2(%arg0: i32, %arg1: i32) -> (i32, i32, i32) {
    %c0_i32 = arith.constant 0 : i32
    %c0_i32_0 = arith.constant 0 : i32
    return %arg0, %c0_i32, %arg1 : i32, i32, i32
  }
  func.func @transform_3(%arg0: i32, %arg1: i32) -> (i32, i32, i32) {
    %c0_i32 = arith.constant 0 : i32
    %c0_i32_0 = arith.constant 0 : i32
    %c0_i32_1 = arith.constant 0 : i32
    return %arg0, %c0_i32, %c0_i32_0 : i32, i32, i32
  }
}

</mosaic_0001>

<sc_bundles>
// kernel: kernel.5.cloned.1.call-start
scs
__scs_entry_jumppad:
0x0: {  	(pc) =	sbr.rel $0x88, $3  }
0x1: {  	(tag) =	ssettag $0x0;
	lr =	simm.s32 $0x1  }
0x2: {  	[smem:$0x3F9F] =	sst lr;
	_ =	strace $0xD0000000  }
0x3: {  	_ = 	snop  }
0x4: {  	_ = 	snop  }
0x5: {  	_ = 	snop  }
0x6: {  	_ = 	snop  }
0x7: {  	_ = 	snop  }
__scs_overlays_trampoline_lowered:
0x8: {  	[smem:$0x3FAE] =	sst s0  }
0x9: {  	[smem:$0x3FAF] =	sst s1  }
0xa: {  	[smem:$0x3FB0] =	sst s2  }
0xb: {  	[smem:$0x3FB1] =	sst s3  }
0xc: {  	[smem:$0x3FB2] =	sst s4  }
0xd: {  	[smem:$0x3FB3] =	sst s5  }
0xe: {  	[smem:$0x3FB4] =	sst s6  }
0xf: {  	[smem:$0x3FB5] =	sst s7  }
0x10: {  	[smem:$0x3FB6] =	sst s8  }
0x11: {  	[smem:$0x3FB7] =	sst s9;
	s0 =	simm.s32 @!p0 $0x0  }
0x12: {  	s1 =	sld [smem:$0x3F9D];
	s0 =	simm.s32 @p0 $0x1  }
0x13: {  	[smem:$0x3FB8] =	sst s0;
	s0 =	simm.s32 @!p1 $0x0  }
0x14: {  	s2 =	sld [smem:$0x3F9C];
	s0 =	simm.s32 @p1 $0x1  }
0x15: {  	[smem:$0x3FB9] =	sst s0;
	s0 =	simm.s32 @!p2 $0x0  }
0x16: {  	s3 =	sld [smem:$0x3FDB];
	s0 =	simm.s32 @p2 $0x1  }
0x17: {  	s4 =	simm.s32 $0x1BF5;
	[smem:$0x3FBB] =	sst s0  }
0x18: {  	s0 =	sld [smem:$0x3F9E];
	_ =	swait.ge [sflag:s4], $0x0  }
0x19: {  	s7 =	sld [smem:$0x3F9F]  }
0x1a: {  	s8 =	sadd.s32 $0xFFFFE003, lr  }
0x1b: {  	s9 =	sadd.s32 $0xFFFFFEF7, lr;
	s5 =	simm.s32 $0xFFFFFFFF;
	p2 =	slt.u32 s8, $0xFFFFF086  }
0x1c: {  	p1 =	slt.u32 s9, $0xF7A;
	s5 =	simm.s32 @!p2 $0x0  }
0x1d: {  	s5 =	simm.s32 @p1 $0x1;
	p0 =	seq.s32 s7, s2  }
0x1e: {  	s7 =	smul.u32 @!p0 $0xF7A, s2;
	p2 =	seq.s32 @!p0 s5, $0x0  }
0x1f: {  	s9 =	smul.u32 $0xF7A, s1;
	s8 =	simm.s32 @!p0 $0x1BF5;
	p2 =	por !p2, p0  }
0x20: {  	[sflag:s8] =	ssyncset.s32 @!p0 $0xFFFFF086;
	s6 =	sadd.s32 @!p0 s3, s7;
	s7 =	simm.s32 @!p0 $0x108  }
0x21: {  	s3 =	sadd.s32 s3, s9;
	s6 =	sadd.s32 @!p0 $0x88, s6;
	s7 =	simm.s32 @p2 $0x1082  }
0x22: {  	[simem:s7], [sflag:s8] =	dma.local @!p0 [hbm:s6], $0xF7A  }
0x23: {  	s9 =	sor.u32 $0xD0000000, s2;
	s6 =	simm.s32 $0x108;
	_ =	swait.ge @!p0 [sflag:s8], $0x0  }
0x24: {  	s3 =	sadd.s32 $0x88, s3;
	s6 =	simm.s32 @!p1 $0x1082;
	[sflag:s4] =	ssyncset.s32 $0xFFFFF086  }
0x25: {  	[simem:s6], [sflag:s4] =	dma.local [hbm:s3], $0xF7A  }
0x26: {  	[smem:$0x3F9F] =	sst s1;
	(tag) =	ssettag s2;
	_ =	strace s9  }
0x27: {  	s1 =	sld [smem:$0x3FAF]  }
0x28: {  	s2 =	sld [smem:$0x3FB0]  }
0x29: {  	s4 =	sld [smem:$0x3FB2]  }
0x2a: {  	p0 =	seq.s32 s5, $0x0;
	s5 =	sld [smem:$0x3FB3]  }
0x2b: {  	s6 =	sld [smem:$0x3FB4]  }
0x2c: {  	s7 =	sld [smem:$0x3FB5]  }
0x2d: {  	s3 =	simm.s32 $0x108;
	s8 =	sld [smem:$0x3FB6]  }
0x2e: {  	s3 =	simm.s32 @!p0 $0x1082;
	s9 =	sld [smem:$0x3FB7]  }
0x2f: {  	lr =	sadd.s32 s0, s3;
	s0 =	sld [smem:$0x3FAE]  }
0x30: {  	s3 =	sld [smem:$0x3FB1]  }
0x31: {  	[smem:$0x3FBA] =	sst s10  }
0x32: {  	s10 =	sld [smem:$0x3FB8];
	_ =	sdelay $0x3  }
0x33: {  	p0 =	seq.s32 s10, $0x1;
	s10 =	sld [smem:$0x3FBA];
	_ =	sdelay $0x3  }
0x34: {  	[smem:$0x3FBA] =	sst s10  }
0x35: {  	s10 =	sld [smem:$0x3FB9];
	_ =	sdelay $0x3  }
0x36: {  	p1 =	seq.s32 s10, $0x1;
	s10 =	sld [smem:$0x3FBA];
	_ =	sdelay $0x3  }
0x37: {  	[smem:$0x3FBA] =	sst s10  }
0x38: {  	s10 =	sld [smem:$0x3FBB]  }
0x39: {  	_ = 	snop;
	(pc) =	sbr.ind lr, $3  }
0x3a: {  	_ = 	snop  }
0x3b: {  	_ = 	snop  }
0x3c: {  	p2 =	seq.s32 s10, $0x1;
	s10 =	sld [smem:$0x3FBA]  }
0x3d: {  	_ =	shalt  }
0x3e: {  	_ =	shalt  }
0x3f: {  	_ =	shalt  }
0x40: {  	_ =	shalt  }
0x41: {  	_ =	shalt  }
0x42: {  	_ =	shalt  }
0x43: {  	_ =	shalt  }
0x44: {  	_ =	shalt  }
0x45: {  	_ =	shalt  }
0x46: {  	_ =	shalt  }
0x47: {  	_ =	shalt  }
0x48: {  	_ =	shalt  }
0x49: {  	_ =	shalt  }
0x4a: {  	_ =	shalt  }
0x4b: {  	_ =	shalt  }
0x4c: {  	_ =	shalt  }
0x4d: {  	_ =	shalt  }
0x4e: {  	_ =	shalt  }
0x4f: {  	_ =	shalt  }
0x50: {  	_ =	shalt  }
0x51: {  	_ =	shalt  }
0x52: {  	_ =	shalt  }
0x53: {  	_ =	shalt  }
0x54: {  	_ =	shalt  }
0x55: {  	_ =	shalt  }
0x56: {  	_ =	shalt  }
0x57: {  	_ =	shalt  }
0x58: {  	_ =	shalt  }
0x59: {  	_ =	shalt  }
0x5a: {  	_ =	shalt  }
0x5b: {  	_ =	shalt  }
0x5c: {  	_ =	shalt  }
0x5d: {  	_ =	shalt  }
0x5e: {  	_ =	shalt  }
0x5f: {  	_ =	shalt  }
0x60: {  	_ =	shalt  }
0x61: {  	_ =	shalt  }
0x62: {  	_ =	shalt  }
0x63: {  	_ =	shalt  }
0x64: {  	_ =	shalt  }
0x65: {  	_ =	shalt  }
0x66: {  	_ =	shalt  }
0x67: {  	_ =	shalt  }
0x68: {  	_ =	shalt  }
0x69: {  	_ =	shalt  }
0x6a: {  	_ =	shalt  }
0x6b: {  	_ =	shalt  }
0x6c: {  	_ =	shalt  }
0x6d: {  	_ =	shalt  }
0x6e: {  	_ =	shalt  }
0x6f: {  	_ =	shalt  }
0x70: {  	_ =	shalt  }
0x71: {  	_ =	shalt  }
0x72: {  	_ =	shalt  }
0x73: {  	_ =	shalt  }
0x74: {  	_ =	shalt  }
0x75: {  	_ =	shalt  }
0x76: {  	_ =	shalt  }
0x77: {  	_ =	shalt  }
0x78: {  	_ =	shalt  }
0x79: {  	_ =	shalt  }
0x7a: {  	_ =	shalt  }
0x7b: {  	_ =	shalt  }
0x7c: {  	_ =	shalt  }
0x7d: {  	_ =	shalt  }
0x7e: {  	_ =	shalt  }
0x7f: {  	_ =	shalt  }
0x80: {  	_ =	shalt  }
0x81: {  	_ =	shalt  }
0x82: {  	_ =	shalt  }
0x83: {  	_ =	shalt  }
0x84: {  	_ =	shalt  }
0x85: {  	_ =	shalt  }
0x86: {  	_ =	shalt  }
0x87: {  	_ =	shalt  }
.Lfunc_end0:
.L_simem_size_0:
called_computation_lowered:
.L_overlay_start_0:
0x88: {  	s2 =	sld [smem:$0x3FD9]  }
0x89: {  	s3 =	sld [smem:$0x3FFE];
	_ =	sdelay $0x1  }
0x8a: {  	s1 =	srdreg.scid  }
0x8b: {  	s0 =	sand.u32 $0x1, s1  }
0x8c: {  	s16 =	sshll.u32 s0, $0xA;
	s2 =	sadd.s32 s3, s2  }
0x8d: {  	s2 =	sadd.s32 s2, s16  }
0x8e: {  	[smem:$0x3FC6] =	sst s2  }
0x8f: {  	_ = 	snop  }
0x90: {  	(tm) =	ssettm $0x1  }
0x91: {  	s17 =	sld [smem:$0x3FFB];
	_ =	sdelay $0x3  }
0x92: {  	_ =	strace s17  }
0x93: {  	s2 =	sld [smem:$0x3FFC];
	_ =	sdelay $0x3  }
0x94: {  	_ =	strace s2  }
0x95: {  	s2 =	sld [smem:$0x3FFD];
	_ =	sdelay $0x3  }
0x96: {  	_ =	strace s2  }
0x97: {  	_ =	strace $0x8FFFFFFF  }
0x98: {  	s18 =	sld [smem:$0x3FDB];
	_ =	sdelay $0x1  }
0x99: {  	s19 =	simm.s32 $_scs_section_size  }
0x9a: {  	s4 =	simm.s32 $_size__tile_overlayer_lowered;
	s5 =	simm.s32 $_tile_overlayer_lowered  }
0x9b: {  	s22 =	simm.s32 $0x1BFF;
	s21 =	sshll.u32 s5, $0x1;
	s2 =	sadd.s32 s19, s18  }
0x9c: {  	s6 =	simm.s32 $0x0;
	s20 =	sshll.u32 s4, $0x1;
	s4 =	sadd.s32 s21, s2  }
0x9d: {  	[timem:s6], [sflag:s22] =	dma.local [hbm:s4], s20  }
0x9e: {  	_ =	swait.ge [sflag:s22], s20  }
0x9f: {  	s3 =	ssub.s32 $0x0, s20;
	[sflag:s22] =	ssyncset.done $0x0  }
0xa0: {  	[sflag:s22] =	ssyncadd.s32 s3;
	_ =	sdelay $0x1  }
0xa1: {  	s23 =	simm.s32 $0x1B8B  }
0xa2: {  	_ =	swait.ge [sflag:s23], $0x1  }
0xa3: {  	[sflag:s23] =	ssyncset.done $0x0  }
0xa4: {  	s25 =	simm.s32 $0x1B8E;
	s24 =	sld [smem:$0x3FFE];
	[sflag:s23] =	ssyncadd.s32 $0xFFFFFFFF  }
0xa5: {  	s26 =	simm.s32 $execute0_lowered;
	[smem:$0x3FD2] =	sst s25  }
0xa6: {  	s4 =	sshll.u32 s26, $0x1;
	_ =	strace $0x80000046;
	[dreg:$0x1] =	wrdreg $0xFFFFFFFF  }
0xa7: {  	s28 =	simm.s32 $_size_execute0_lowered;
	s2 =	sadd.s32 s2, s4;
	[dreg:$0x0] =	wrdreg $0x0  }
0xa8: {  	s4 =	sshll.u32 s28, $0x1;
	[dreg:$0x2] =	wrdreg s2  }
0xa9: {  	[dreg:$0x3] =	wrdreg s4  }
0xaa: {  	[dreg:$0x4] =	wrdreg $0xC0  }
0xab: {  	_ =	task [dreg:s6], $0x5FFFF  }
0xac: {  	[dreg:$0x1] =	wrdreg $0xFFFFFFFF  }
0xad: {  	[dreg:$0x0] =	wrdreg $0x60  }
0xae: {  	[dreg:$0x2] =	wrdreg s24  }
0xaf: {  	[dreg:$0x3] =	wrdreg $0x9  }
0xb0: {  	_ =	task.clear_ibuf [dreg:s6], $0x4FFFF;
	_ =	strace $0x90000046  }
0xb1: {  	s29 =	simm.s32 $0x9;
	_ =	strace $0x80000048  }
0xb2: {  	_ =	swait.ge [sflag:s29], $0x1  }
0xb3: {  	[sflag:s29] =	ssyncadd.s32 $0xFFFFFFFF  }
0xb4: {  	_ =	strace $0x90000048  }
0xb5: {  	_ =	sfence  }
0xb6: {  	s30 =	sld [smem:$0x0];
	_ =	sdelay $0x2  }
0xb7: {  	s31 =	sshll.u32 s1, $0xD;
	s1 =	sshrl.u32 s1, $0x2  }
0xb8: {  	s3 =	sand.u32 $0x4000, s31;
	s1 =	sadd.s32 s1, s30  }
0xb9: {  	s0 =	sor.u32 s3, s0;
	s1 =	sshll.u32 s1, $0x11  }
0xba: {  	s0 =	sor.u32 s1, s0  }
0xbb: {  	s0 =	sadd.s32 $0x8F2B, s0  }
0xbc: {  	[sflag:s0] =	ssyncadd.remote.s32 $0x1  }
0xbd: {  	_ =	sfence.sel $0xFFFF  }
0xbe: {  	[dreg:$0x0] =	wrdreg $0xFFFFFFFF;
	(pc) =	sbr.abs _section_cstart, $3  }
0xbf: {  	[dreg:$0x1] =	wrdreg $0xFFFFFFFF  }
0xc0: {  	_ =	task.clear_ibuf [dreg:s6], $0x2FFFF;
	_ =	strace $0x9FFFFFFF  }
0xc1: {  	(tm) =	ssettm $0x7FFFFFFF  }
tec
execute0_lowered:
.L_overlay_start_1:
0x0: {  	(tag) =	ssettag $0x1  }
0x1: {  	s4 =	rddreg [dreg:$0x0];
	s0 =	srdreg.scid;
	s7 =	simm.s32 $0x0  }
0x2: {  	s5 =	stileid.u32;
	s0 =	sand.u32 $0x1, s0;
	[smem:$0x7FF] =	sst s7  }
0x3: {  	s2 =	sshll.u32 s5, $0x4;
	s6 =	sadd.s32 $0x400, s4;
	s29 =	sshll.u32 s5, $0x5  }
0x4: {  	s1 =	sshll.u32 s0, $0x4;
	_ =	strace $0x80000047;
	s2 =	sand.u32 $0x70, s2  }
0x5: {  	[dreg:$0x2] =	wrdreg s6;
	s0 =	ssub.s32 $0x2, s0;
	s1 =	sor.u32 s5, s1  }
0x6: {  	s2 =	sadd.s32 s2, s4;
	s31 =	sshrl.u32 s0, $0x1;
	s3 =	sshll.u32 s1, $0x2  }
0x7: {  	v0 =	vimm.f32 $3.000000010e+38;
	vm0 =	vcmask $0x300;
	s30 =	sshll.u32 s1, $0x7;
	s1 =	sshll.u32 s1, $0x8;
	s0 =	ssub.s32 s0, s31  }
0x8: {  	vm1 =	vcmask $0x704;
	vm2 =	vcmask $0xB08;
	vm3 =	vcmask $0xF0C;
	s3 =	sadd.s32 s3, s4;
	s4 =	sor.u32 s29, s30;
	s1 =	sand.u32 $0x1800, s1  }
0x9: {  	vm4 =	vcmask $0x1310;
	vm5 =	vcmask $0x1714;
	vm6 =	vcmask $0x1B18;
	s0 =	smax.u32 s0, $0x1;
	s4 =	sand.u32 $0xE60, s4;
	s3 =	sadd.s32 $0x800, s3  }
0xa: {  	vm7 =	vcmask $0x1F1C;
	vm8 =	vcmask $0x2320;
	vm9 =	vcmask $0x2724;
	s1 =	sadd.s32 s1, s2;
	[dreg:$0x5] =	wrdreg s0;
	s4 =	sor.u32 $0x2000, s4  }
0xb: {  	vm10 =	vcmask $0x2B28;
	vm11 =	vcmask $0x2F2C;
	[dreg:$0x3] =	wrdreg s3;
	s1 =	sadd.s32 $0xA00, s1;
	v1 =	vmov s4  }
0xc: {  	vm12 =	vcmask $0x3330;
	vm13 =	vcmask $0x3734;
	vm14 =	vcmask $0x3B38;
	s2 =	simm.s32 $0x0;
	[dreg:$0x4] =	wrdreg s1;
	s1 =	simm.s32 $0x1;
	[tilespmem:$0x1FFF0] =	vst v1  }
.LBB2_1:
0xd: {  	[dreg:$0x6] =	wrdreg s2  }
0xe: {  	s0 =	rddreg [dreg:$0x2]  }
0xf: {  	[tilespmem:s7], [sflag:$0x1] =	stream.linear.gather [hbm4b:s0+s7], $0x2000, $0x38;
	[tilespmem:$0x5080] =	vst v63  }
0x10: {  	_ =	swait.ge [sflag:s1], $0x2000  }
0x11: {  	[sflag:s1] =	ssyncset.done $0x0  }
0x12: {  	[sflag:s1] =	ssyncadd.s32 $0xFFFFE000  }
0x13: {  	s29 =	simm.s32 $0x2000;
	s28 =	rddreg [dreg:$0x0]  }
0x14: {  	[tilespmem:s29], [sflag:$0x1] =	stream.linear.gather [hbm4b:s28+s7], $0x2000, $0x38;
	[tilespmem:$0x5080] =	vst v63  }
0x15: {  	_ =	swait.ge [sflag:s1], $0x2000  }
0x16: {  	s30 =	sand.u32 $0x70, s7;
	[sflag:s1] =	ssyncset.done $0x0  }
0x17: {  	s31 =	sand.u32 $0x1E00, s7;
	s0 =	simm.s32 $0x0;
	[sflag:s1] =	ssyncadd.s32 $0xFFFFE000  }
0x18: {  	s1 =	sor.u32 s30, s31;
	[tilespmem:s0+$0x4000] =	vst v0  }
0x19: {  	v2 =	vld [tilespmem:s1+$0x80]  }
0x1a: {  	v3 =	vld [tilespmem:s1+$0x100];
	_ =	sdelay $0x1  }
0x1b: {  	v4 =	vld [tilespmem:s1+$0x0];
	_ =	sdelay $0x2  }
0x1c: {  	v5 =	vmul.f32 v2, v2;
	v3 =	vmul.f32 v3, v3;
	_ =	sdelay $0x1  }
0x1d: {  	s2 =	simm.s32 $0x10;
	s3 =	simm.s32 $0x20;
	s1 =	simm.s32 $0x40;
	v2 =	vmul.f32 v4, v4;
	v3 =	vadd.f32 v3, v5  }
.LBB2_2:
0x1e: {  	s4 =	sand.u32 $0x70, s2  }
0x1f: {  	s5 =	sshra.s32 s1, $0x2;
	s6 =	sand.u32 $0x1E00, s1;
	v2 =	vadd.f32 v3, v2;
	s2 =	smov.u32 s3  }
0x20: {  	p0 =	sne.s32 s3, $0x7F0;
	s3 =	sadd.s32 $0x10, s3;
	[tilespmem:s5+$0x4000] =	vst v0;
	s4 =	sor.u32 s4, s6  }
0x21: {  	[tilespmem:s0+$0x4880] =	vst v2;
	s0 =	smov.u32 s5  }
0x22: {  	v2 =	vld [tilespmem:s4+$0x80]  }
0x23: {  	v3 =	vld [tilespmem:s4+$0x100]  }
0x24: {  	v4 =	vld [tilespmem:s4+$0x0];
	_ =	sdelay $0x2  }
.Ltmp0:
0x25: {  	(pc) =	sbr.rel @p0 .LBB2_2-.Ltmp0, $3  }
0x26: {  	v5 =	vmul.f32 v2, v2;
	v3 =	vmul.f32 v3, v3;
	_ =	sdelay $0x1  }
0x27: {  	v2 =	vmul.f32 v4, v4;
	v3 =	vadd.f32 v3, v5  }
0x28: {  	s1 =	sadd.s32 $0x40, s1  }
0x29: {  	s3 =	sshra.s32 s1, $0x2;
	v2 =	vadd.f32 v3, v2  }
0x2a: {  	s2 =	sand.u32 $0x70, s2;
	s31 =	sand.u32 $0x1E00, s1;
	[tilespmem:s3+$0x4000] =	vst v0  }
0x2b: {  	s1 =	sor.u32 s2, s31;
	[tilespmem:s0+$0x4880] =	vst v2  }
0x2c: {  	v2 =	vld [tilespmem:s1+$0x80]  }
0x2d: {  	v63 =	vld [tilespmem:s1+$0x100];
	_ =	sdelay $0x1  }
0x2e: {  	v4 =	vld [tilespmem:s1+$0x0];
	_ =	sdelay $0x2  }
0x2f: {  	v2 =	vmul.f32 v2, v2;
	v3 =	vmul.f32 v63, v63;
	_ =	sdelay $0x1  }
0x30: {  	v4 =	vmul.f32 v4, v4;
	v2 =	vadd.f32 v3, v2;
	_ =	sdelay $0x1  }
0x31: {  	v2 =	vadd.f32 v2, v4;
	_ =	sdelay $0x1  }
0x32: {  	p1 =	por $0x1, $0x1;
	s0 =	simm.s32 $0x0;
	[tilespmem:s3+$0x4880] =	vst v2  }
.LBB2_4:
0x33: {  	v0 =	vld [tilespmem:$0x1FFF0];
	_ =	sdelay $0x7  }
0x34: {  	v3 =	vld.idx.msk [tilespmem:v0+s0+$0x0 ss:$0x1], $0xffff  }
0x35: {  	v1 =	vld.idx.msk [tilespmem:v0+s0+$0x80 ss:$0x1], $0xffff  }
0x36: {  	v0 =	vld.idx.msk [tilespmem:v0+s0+$0x100 ss:$0x1], $0xffff;
	_ =	sdelay $0x2  }
0x37: {  	(v2sf) =	vpush v3, $0x0  }
0x38: {  	(v2sf) =	vpush v1, $0x0  }
0x39: {  	(v2sf) =	vpush v0, $0x0  }
0x3a: {  	(v2sf) =	vpush v3, $0x1  }
0x3b: {  	(v2sf) =	vpush v1, $0x1  }
0x3c: {  	(v2sf) =	vpush v0, $0x1  }
0x3d: {  	(v2sf) =	vpush v3, $0x2  }
0x3e: {  	(v2sf) =	vpush v1, $0x2  }
0x3f: {  	(v2sf) =	vpush v0, $0x2  }
0x40: {  	v2 =	vmul.f32 v1, v1;
	v6 =	vmul.f32 v0, v0;
	(v2sf) =	vpush v3, $0x3  }
0x41: {  	(v2sf) =	vpush v1, $0x3  }
0x42: {  	s22 =	simm.s32 $0x0;
	v8 =	vmul.f32 v3, v3;
	v2 =	vadd.f32 v6, v2;
	(v2sf) =	vpush v0, $0x3  }
0x43: {  	v6 =	vld [tilespmem:s22+$0x4880];
	(v2sf) =	vpush v3, $0x4  }
0x44: {  	v63 =	vadd.f32 v2, v8;
	(v2sf) =	vpush v1, $0x4  }
0x45: {  	s19 =	simm.s32 $0x0;
	(v2sf) =	vpush v0, $0x4  }
0x46: {  	[dreg:$0x7] =	wrdreg s0;
	s20 =	sand.u32 $0x60, s19;
	v42 =	vbroadcast v63, $0x2;
	s26 =	spop (v2sf);
	(v2sf) =	vpush v3, $0x5  }
0x47: {  	s21 =	sand.u32 $0x1E00, s19;
	v35 =	vbroadcast v63, $0x7;
	s0 =	smul.f32 $-2.000000000e+00, s26;
	s1 =	spop (v2sf);
	(v2sf) =	vpush v1, $0x5  }
0x48: {  	s25 =	sor.u32 s20, s21;
	v26 =	vbroadcast v63, $0x4;
	v37 =	vadd.f32 v6, v42;
	s1 =	smul.f32 $-2.000000000e+00, s1;
	s2 =	spop (v2sf);
	(v2sf) =	vpush v0, $0x5  }
0x49: {  	v9 =	vld [tilespmem:s25+$0x100];
	v46 =	vbroadcast v63, $0x5;
	v38 =	vadd.f32 v6, v35;
	s2 =	smul.f32 $-2.000000000e+00, s2;
	s3 =	spop (v2sf);
	(v2sf) =	vpush v3, $0x6  }
0x4a: {  	v23 =	vld [tilespmem:s25+$0x0];
	v41 =	vbroadcast v63, $0x0;
	v44 =	vadd.f32 v6, v26;
	s3 =	smul.f32 $-2.000000000e+00, s3;
	s4 =	spop (v2sf);
	(v2sf) =	vpush v1, $0x6  }
0x4b: {  	v27 =	vld [tilespmem:s25+$0x80];
	v33 =	vbroadcast v63, $0x3;
	v49 =	vadd.f32 v6, v46;
	s4 =	smul.f32 $-2.000000000e+00, s4;
	s5 =	spop (v2sf);
	(v2sf) =	vpush v0, $0x6  }
0x4c: {  	v36 =	vbroadcast v63, $0x1;
	v51 =	vadd.f32 v6, v41;
	s6 =	spop (v2sf);
	s5 =	smul.f32 $-2.000000000e+00, s5;
	(v2sf) =	vpush v3, $0x7  }
0x4d: {  	v45 =	vbroadcast v63, $0x6;
	v53 =	vadd.f32 v6, v33;
	s6 =	smul.f32 $-2.000000000e+00, s6;
	s7 =	spop (v2sf);
	(v2sf) =	vpush v1, $0x7  }
0x4e: {  	v55 =	vadd.f32 v6, v36;
	v4 =	vmov s0;
	s7 =	smul.f32 $-2.000000000e+00, s7;
	s8 =	spop (v2sf);
	(v2sf) =	vpush v0, $0x7  }
0x4f: {  	v17 =	vmov s1;
	v50 =	vmul.f32 v23, v4;
	v25 =	vmov s2;
	s8 =	smul.f32 $-2.000000000e+00, s8;
	s9 =	spop (v2sf)  }
0x50: {  	v6 =	vadd.f32 v6, v45;
	v54 =	vmul.f32 v27, v17;
	v47 =	vmul.f32 v9, v25;
	s10 =	spop (v2sf);
	s9 =	smul.f32 $-2.000000000e+00, s9  }
0x51: {  	v19 =	vmov s3;
	v21 =	vmov s4;
	v18 =	vmov s5;
	s11 =	spop (v2sf);
	s10 =	smul.f32 $-2.000000000e+00, s10  }
0x52: {  	v56 =	vmul.f32 v27, v21;
	v47 =	vadd.f32 v51, v47;
	v11 =	vmov s6;
	s12 =	spop (v2sf);
	s11 =	smul.f32 $-2.000000000e+00, s11  }
0x53: {  	[tilespmem:$0x1FFC0] =	vst v63;
	v63 =	vmul.f32 v9, v18;
	v12 =	vmov s7;
	v22 =	vmov s8;
	s13 =	spop (v2sf);
	s12 =	smul.f32 $-2.000000000e+00, s12  }
0x54: {  	v60 =	vmul.f32 v23, v11;
	v47 =	vadd.f32 v47, v54;
	v39 =	vmul.f32 v9, v22;
	s14 =	spop (v2sf);
	s13 =	smul.f32 $-2.000000000e+00, s13  }
0x55: {  	v57 =	vmul.f32 v27, v12;
	v10 =	vmov s9;
	v29 =	vmov s11;
	s28 =	spop (v2sf);
	s29 =	smul.f32 $-2.000000000e+00, s14  }
0x56: {  	v16 =	vmov s10;
	v37 =	vadd.f32 v37, v39;
	v52 =	vmul.f32 v9, v29;
	s30 =	spop (v2sf);
	s31 =	smul.f32 $-2.000000000e+00, s28  }
0x57: {  	[tilespmem:$0x1FF90] =	vst v1;
	v61 =	vmul.f32 v23, v10;
	v58 =	vmul.f32 v27, v16;
	v1 =	vmov s12;
	s3 =	spop (v2sf);
	s4 =	smul.f32 $-2.000000000e+00, s30  }
0x58: {  	v30 =	vmov s13;
	v37 =	vadd.f32 v37, v57;
	v52 =	vadd.f32 v53, v52;
	s5 =	spop (v2sf);
	s6 =	smul.f32 $-2.000000000e+00, s3  }
0x59: {  	v32 =	vmov s29;
	v20 =	vmov s31;
	s15 =	spop (v2sf);
	s16 =	smul.f32 $-2.000000000e+00, s5;
	v15 =	vmov s4  }
0x5a: {  	v48 =	vmul.f32 v23, v20;
	v52 =	vadd.f32 v52, v58;
	s17 =	spop (v2sf);
	s18 =	smul.f32 $-2.000000000e+00, s15;
	v24 =	vmov s6  }
0x5b: {  	v37 =	vadd.f32 v37, v60;
	v62 =	vmul.f32 v27, v15;
	s23 =	spop (v2sf);
	s24 =	smul.f32 $-2.000000000e+00, s17;
	v2 =	vmul.f32 v9, v24  }
0x5c: {  	v13 =	vmov s16;
	v53 =	vadd.f32 v52, v61;
	v31 =	vmov s18;
	s26 =	spop (v2sf);
	s3 =	smul.f32 $-2.000000000e+00, s23  }
0x5d: {  	[tilespmem:$0x1FFA0] =	vst v0;
	v0 =	vmul.f32 v23, v13;
	v34 =	vmov s24;
	s28 =	smul.f32 $-2.000000000e+00, s26;
	s29 =	spop (v2sf);
	v39 =	vadd.f32 v49, v2  }
0x5e: {  	[tilespmem:$0x1FFB0] =	vst v3;
	v49 =	vmul.f32 v9, v32;
	v3 =	vmul.f32 v27, v31;
	v2 =	vadd.f32 v55, v63;
	s30 =	smul.f32 $-2.000000000e+00, s29  }
0x5f: {  	v55 =	vmul.f32 v23, v19;
	v14 =	vmov s3;
	v40 =	vmul.f32 v9, v34  }
0x60: {  	v28 =	vmov s28;
	v39 =	vadd.f32 v39, v62;
	v43 =	vmov s30  }
0x61: {  	v54 =	vadd.f32 v44, v49;
	v6 =	vadd.f32 v6, v40;
	v9 =	vmul.f32 v9, v43  }
0x62: {  	v51 =	vmul.f32 v27, v28;
	v27 =	vmul.f32 v27, v30;
	v58 =	vadd.f32 v39, v48  }
0x63: {  	v6 =	vadd.f32 v6, v3;
	v3 =	vmul.f32 v23, v14;
	v9 =	vadd.f32 v38, v9  }
0x64: {  	v23 =	vmul.f32 v23, v1;
	v39 =	vadd.f32 v54, v27;
	v27 =	vadd.f32 v47, v50  }
0x65: {  	v38 =	vadd.f32 v2, v56;
	v9 =	vadd.f32 v9, v51  }
0x66: {  	v6 =	vadd.f32 v6, v0;
	v23 =	vadd.f32 v39, v23  }
0x67: {  	v59 =	vadd.f32 v38, v55;
	v60 =	vadd.f32 v9, v3;
	v9 =	vld [tilespmem:s22+$0x4000]  }
0x68: {  	v56 =	vmin.f32 v37, v53  }
0x69: {  	v62 =	vmin.f32 v23, v58;
	v57 =	vmin.f32 v27, v59;
	v61 =	vmin.f32 v6, v60  }
0x6a: {  	v38 =	vmin.f32 v57, v56;
	v63 =	vmin.f32 v62, v61  }
0x6b: {  	v38 =	vmin.f32 v38, v63  }
0x6c: {  	s1 =	sor.u32 $0x10, s20;
	v9 =	vmin.f32 v9, v38  }
0x6d: {  	s0 =	sor.u32 s1, s21;
	s31 =	sand.u32 $0x780, s19;
	v49 =	vimm.f32 $3.000000010e+38;
	[tilespmem:s22+$0x4000] =	vst v9  }
0x6e: {  	s18 =	sor.u32 s31, s1;
	v44 =	vmin.f32 v49, v37;
	v50 =	vld [tilespmem:s0+$0x100]  }
0x6f: {  	p0 =	por p1, p1;
	[tilespmem:$0x1FFD0] =	vst v4;
	v40 =	vimm.f32 $3.000000010e+38;
	v39 =	vimm.f32 $3.000000010e+38;
	v37 =	vmin.f32 v49, v6;
	v48 =	vld [tilespmem:s18+$0x4880]  }
0x70: {  	s20 =	simm.s32 $0x0;
	[tilespmem:$0x1FFE0] =	vst v1;
	s19 =	simm.s32 $0x0;
	s17 =	simm.s32 $0x0;
	v6 =	vimm.f32 $3.000000010e+38;
	v38 =	vimm.f32 $3.000000010e+38;
	v9 =	vimm.f32 $3.000000010e+38;
	v47 =	vld [tilespmem:s0+$0x80]  }
.LBB2_5:
0x71: {  	_ = 	snop  }
0x72: {  	v49 =	vmin.f32 v49, v53;
	v39 =	vmin.f32 v39, v58;
	v40 =	vmin.f32 v40, v60  }
0x73: {  	v38 =	vmin.f32 v38, v59;
	v9 =	vmin.f32 v9, v27;
	v51 =	vmul.f32 v50, v25  }
0x74: {  	v52 =	vmul.f32 v50, v32;
	v54 =	vadd.f32 v48, v41;
	v55 =	vadd.f32 v48, v42  }
0x75: {  	v56 =	vmul.f32 v50, v29;
	v57 =	vadd.f32 v48, v36;
	v58 =	vmul.f32 v47, v30  }
0x76: {  	v59 =	vadd.f32 v48, v46;
	v60 =	vmul.f32 v50, v34;
	v62 =	vmul.f32 v50, v43  }
0x77: {  	v53 =	vld [tilespmem:s0+$0x0];
	v61 =	vadd.f32 v48, v45;
	v63 =	vmul.f32 v47, v21;
	v1 =	vmul.f32 v50, v22  }
0x78: {  	v0 =	vadd.f32 v48, v35;
	v2 =	vmul.f32 v47, v17;
	v4 =	vmul.f32 v50, v18  }
0x79: {  	v5 =	vadd.f32 v48, v33;
	v50 =	vmul.f32 v50, v24;
	v48 =	vadd.f32 v48, v26  }
0x7a: {  	v3 =	vmul.f32 v47, v31;
	v60 =	vadd.f32 v61, v60;
	v0 =	vadd.f32 v0, v62  }
0x7b: {  	v8 =	vmul.f32 v47, v28;
	v5 =	vadd.f32 v5, v56;
	v50 =	vadd.f32 v59, v50  }
0x7c: {  	v7 =	vmul.f32 v53, v20;
	v1 =	vadd.f32 v55, v1;
	v4 =	vadd.f32 v57, v4  }
0x7d: {  	v61 =	vmul.f32 v53, v19;
	v57 =	vld [tilespmem:$0x1FFD0];
	v0 =	vadd.f32 v0, v8;
	v8 =	vadd.f32 v54, v51  }
0x7e: {  	v3 =	vadd.f32 v60, v3;
	v60 =	vmul.f32 v47, v16;
	v51 =	vmul.f32 v47, v12  }
0x7f: {  	v47 =	vmul.f32 v47, v15;
	v4 =	vadd.f32 v4, v63;
	v63 =	vld [tilespmem:$0x1FFE0];
	v2 =	vadd.f32 v8, v2  }
0x80: {  	v56 =	vmul.f32 v53, v13;
	v8 =	vadd.f32 v48, v52;
	v1 =	vadd.f32 v1, v51  }
0x81: {  	v54 =	vmul.f32 v53, v14;
	v5 =	vadd.f32 v5, v60;
	v27 =	vadd.f32 v50, v47  }
0x82: {  	v3 =	vadd.f32 v3, v56;
	v4 =	vadd.f32 v4, v61;
	v55 =	vmul.f32 v53, v57  }
0x83: {  	v62 =	vmul.f32 v53, v11;
	v0 =	vadd.f32 v0, v54;
	v8 =	vadd.f32 v8, v58  }
0x84: {  	v59 =	vmul.f32 v53, v63;
	v2 =	vadd.f32 v2, v55;
	v55 =	vmul.f32 v53, v10  }
0x85: {  	v1 =	vadd.f32 v1, v62;
	v7 =	vadd.f32 v27, v7  }
0x86: {  	v6 =	vmin.f32 v6, v23;
	v23 =	vld [tilespmem:s18+$0x4000];
	v5 =	vadd.f32 v5, v55;
	v8 =	vadd.f32 v8, v59  }
0x87: {  	v27 =	vmin.f32 v3, v0;
	v9 =	vmin.f32 v9, v2;
	v2 =	vmin.f32 v2, v4  }
0x88: {  	v49 =	vmin.f32 v49, v5;
	v5 =	vmin.f32 v1, v5;
	v59 =	vmin.f32 v8, v7  }
0x89: {  	v44 =	vmin.f32 v44, v1;
	v2 =	vmin.f32 v2, v5;
	v1 =	vmin.f32 v59, v27  }
0x8a: {  	v60 =	vmin.f32 v2, v1  }
0x8b: {  	s19 =	sadd.s32 $0x80, s19;
	s20 =	sadd.s32 $0x20, s20;
	v40 =	vmin.f32 v40, v0;
	v0 =	vmin.f32 v23, v60  }
0x8c: {  	s22 =	sand.u32 $0x60, s20;
	s21 =	sand.u32 $0x1E00, s19;
	s23 =	sshra.s32 s19, $0x2;
	[tilespmem:s18+$0x4000] =	vst v0  }
0x8d: {  	s31 =	sor.u32 s22, s21;
	v0 =	vld [tilespmem:s23+$0x4880]  }
0x8e: {  	v2 =	vld [tilespmem:s31+$0x100]  }
0x8f: {  	v1 =	vmin.f32 v37, v3;
	v3 =	vld [tilespmem:s31+$0x0];
	_ =	sdelay $0x1  }
0x90: {  	v38 =	vmin.f32 v38, v4;
	v39 =	vmin.f32 v39, v7;
	v4 =	vld [tilespmem:s31+$0x80]  }
0x91: {  	v6 =	vmin.f32 v6, v8;
	v5 =	vadd.f32 v0, v42;
	v7 =	vadd.f32 v0, v35  }
0x92: {  	v8 =	vmul.f32 v2, v22;
	v23 =	vadd.f32 v0, v26;
	v27 =	vmul.f32 v2, v34  }
0x93: {  	v37 =	vmul.f32 v2, v25;
	v47 =	vmul.f32 v3, v20;
	v48 =	vadd.f32 v0, v46  }
0x94: {  	v50 =	vmul.f32 v3, v57;
	v61 =	vadd.f32 v0, v41;
	v52 =	vmul.f32 v2, v29  }
0x95: {  	v53 =	vadd.f32 v0, v33;
	v62 =	vmul.f32 v4, v17;
	v56 =	vmul.f32 v4, v21  }
0x96: {  	v55 =	vadd.f32 v0, v36;
	v60 =	vmul.f32 v4, v12;
	v51 =	vmul.f32 v4, v28  }
0x97: {  	v0 =	vadd.f32 v0, v45;
	v57 =	vmul.f32 v4, v30;
	v54 =	vmul.f32 v2, v18  }
0x98: {  	v59 =	vmul.f32 v3, v10;
	v5 =	vadd.f32 v5, v8;
	v8 =	vmul.f32 v2, v24  }
0x99: {  	v37 =	vadd.f32 v61, v37;
	v61 =	vmul.f32 v4, v16;
	v52 =	vadd.f32 v53, v52  }
0x9a: {  	v0 =	vadd.f32 v0, v27;
	v27 =	vmul.f32 v4, v31;
	v4 =	vmul.f32 v4, v15  }
0x9b: {  	v5 =	vadd.f32 v5, v60;
	v37 =	vadd.f32 v37, v62;
	v62 =	vmul.f32 v3, v11  }
0x9c: {  	v8 =	vadd.f32 v48, v8;
	v48 =	vmul.f32 v2, v32;
	v52 =	vadd.f32 v52, v61  }
0x9d: {  	v2 =	vmul.f32 v2, v43;
	v0 =	vadd.f32 v0, v27;
	v5 =	vadd.f32 v5, v62  }
0x9e: {  	v60 =	vmul.f32 v3, v14;
	v53 =	vadd.f32 v52, v59;
	v4 =	vadd.f32 v8, v4  }
0x9f: {  	v8 =	vmul.f32 v3, v13;
	v2 =	vadd.f32 v7, v2;
	v7 =	vadd.f32 v55, v54  }
0xa0: {  	v52 =	vmul.f32 v3, v63;
	v23 =	vadd.f32 v23, v48;
	v27 =	vadd.f32 v37, v50  }
0xa1: {  	v3 =	vmul.f32 v3, v19;
	v0 =	vadd.f32 v0, v8;
	v7 =	vadd.f32 v7, v56  }
0xa2: {  	v2 =	vadd.f32 v2, v51;
	v8 =	vadd.f32 v23, v57  }
0xa3: {  	v58 =	vadd.f32 v4, v47;
	v59 =	vadd.f32 v7, v3  }
0xa4: {  	v63 =	vld [tilespmem:s23+$0x4000];
	v60 =	vadd.f32 v2, v60;
	v23 =	vadd.f32 v8, v52  }
0xa5: {  	v4 =	vmin.f32 v5, v53  }
0xa6: {  	v3 =	vmin.f32 v27, v59;
	v7 =	vmin.f32 v0, v60;
	v8 =	vmin.f32 v23, v58  }
0xa7: {  	s17 =	sadd.s32 $0x2, s17;
	v3 =	vmin.f32 v3, v4;
	v4 =	vmin.f32 v8, v7  }
0xa8: {  	p1 =	slt.u32 s17, $0x7E;
	v3 =	vmin.f32 v3, v4  }
.Ltmp1:
0xa9: {  	s1 =	sor.u32 $0x10, s22;
	v2 =	vmin.f32 v63, v3;
	(pc) =	sbr.rel @p1 .LBB2_5-.Ltmp1, $4  }
0xaa: {  	s2 =	sand.u32 $0x780, s20;
	s0 =	sor.u32 s1, s21;
	[tilespmem:s23+$0x4000] =	vst v2  }
0xab: {  	s18 =	sor.u32 s2, s1;
	v50 =	vld [tilespmem:s0+$0x100]  }
0xac: {  	v48 =	vld [tilespmem:s18+$0x4880]  }
0xad: {  	v44 =	vmin.f32 v44, v5;
	v37 =	vmin.f32 v1, v0;
	v47 =	vld [tilespmem:s0+$0x80]  }
0xae: {  	_ =	sdelay $0x1  }
0xaf: {  	v54 =	vld [tilespmem:$0x1FFB0];
	v0 =	vmul.f32 v50, v25;
	v2 =	vmul.f32 v50, v32  }
0xb0: {  	v4 =	vmul.f32 v50, v29;
	v29 =	vmul.f32 v50, v34  }
0xb1: {  	v22 =	vmul.f32 v50, v22;
	v1 =	vadd.f32 v48, v41;
	v3 =	vadd.f32 v48, v42  }
0xb2: {  	v52 =	vld [tilespmem:$0x1FF90];
	v18 =	vmul.f32 v50, v18;
	v5 =	vadd.f32 v48, v36;
	v8 =	vadd.f32 v48, v46  }
0xb3: {  	v24 =	vmul.f32 v50, v24;
	v56 =	vadd.f32 v48, v35;
	v26 =	vadd.f32 v48, v26  }
0xb4: {  	v51 =	vld [tilespmem:$0x1FFA0];
	v7 =	vmul.f32 v47, v30;
	v30 =	vadd.f32 v48, v45;
	(v2sf) =	vpush v54, $0x8  }
0xb5: {  	v55 =	vmul.f32 v50, v43;
	v8 =	vadd.f32 v8, v24;
	v0 =	vadd.f32 v1, v0  }
0xb6: {  	v21 =	vmul.f32 v47, v21;
	v1 =	vadd.f32 v3, v22;
	v5 =	vadd.f32 v5, v18  }
0xb7: {  	v17 =	vmul.f32 v47, v17;
	v2 =	vadd.f32 v26, v2;
	(v2sf) =	vpush v52, $0x8  }
0xb8: {  	v25 =	vld [tilespmem:s0+$0x0];
	v3 =	vmul.f32 v47, v12;
	v29 =	vadd.f32 v30, v29;
	v30 =	vadd.f32 v48, v33  }
0xb9: {  	v31 =	vmul.f32 v47, v31;
	(v2sf) =	vpush v51, $0x8;
	v0 =	vadd.f32 v0, v17  }
0xba: {  	v12 =	vmul.f32 v47, v15;
	v15 =	vld [tilespmem:$0x1FFD0];
	v17 =	vadd.f32 v5, v21;
	v1 =	vadd.f32 v1, v3  }
0xbb: {  	v28 =	vmul.f32 v47, v28;
	(v2sf) =	vpush v54, $0x9;
	v29 =	vadd.f32 v29, v31  }
0xbc: {  	v16 =	vmul.f32 v47, v16;
	v31 =	vadd.f32 v56, v55;
	(v2sf) =	vpush v52, $0x9  }
0xbd: {  	v3 =	vmul.f32 v25, v10;
	v4 =	vadd.f32 v30, v4;
	(v2sf) =	vpush v51, $0x9  }
0xbe: {  	v10 =	vmul.f32 v25, v13;
	v24 =	vadd.f32 v31, v28;
	(v2sf) =	vpush v54, $0xA  }
0xbf: {  	v15 =	vmul.f32 v25, v15;
	v4 =	vadd.f32 v4, v16;
	(v2sf) =	vpush v52, $0xA  }
0xc0: {  	v13 =	vadd.f32 v29, v10;
	(v2sf) =	vpush v51, $0xA  }
0xc1: {  	v5 =	vadd.f32 v0, v15;
	(v2sf) =	vpush v54, $0xB  }
0xc2: {  	v0 =	vadd.f32 v2, v7;
	v2 =	vld [tilespmem:$0x1FFE0];
	(v2sf) =	vpush v52, $0xB  }
0xc3: {  	v19 =	vmul.f32 v25, v19;
	v7 =	vadd.f32 v8, v12;
	(v2sf) =	vpush v51, $0xB  }
0xc4: {  	v11 =	vmul.f32 v25, v11;
	v15 =	vadd.f32 v4, v3;
	(v2sf) =	vpush v54, $0xC  }
0xc5: {  	v3 =	vmul.f32 v25, v14;
	v12 =	vadd.f32 v17, v19;
	(v2sf) =	vpush v52, $0xC  }
0xc6: {  	v20 =	vmul.f32 v25, v20;
	v17 =	vadd.f32 v1, v11;
	(v2sf) =	vpush v51, $0xC  }
0xc7: {  	v14 =	vadd.f32 v24, v3;
	v2 =	vmul.f32 v25, v2;
	s23 =	spop (v2sf);
	(v2sf) =	vpush v54, $0xD  }
0xc8: {  	v19 =	vadd.f32 v7, v20;
	s1 =	spop (v2sf);
	(v2sf) =	vpush v52, $0xD  }
0xc9: {  	v16 =	vadd.f32 v0, v2;
	s2 =	spop (v2sf);
	(v2sf) =	vpush v51, $0xD  }
0xca: {  	v1 =	vmin.f32 v5, v12;
	v3 =	vmin.f32 v13, v14;
	v0 =	vld [tilespmem:s18+$0x4000];
	s3 =	spop (v2sf);
	(v2sf) =	vpush v54, $0xE  }
0xcb: {  	v2 =	vmin.f32 v17, v15;
	v7 =	vmin.f32 v16, v19;
	s4 =	spop (v2sf);
	(v2sf) =	vpush v52, $0xE  }
0xcc: {  	v1 =	vmin.f32 v1, v2;
	s0 =	smul.f32 $-2.000000000e+00, s23;
	v2 =	vmin.f32 v7, v3;
	s5 =	spop (v2sf);
	(v2sf) =	vpush v51, $0xE  }
0xcd: {  	s17 =	simm.s32 $0x0;
	s1 =	smul.f32 $-2.000000000e+00, s1;
	v1 =	vmin.f32 v1, v2;
	v2 =	vld [tilespmem:$0x1FFC0];
	s6 =	spop (v2sf)  }
0xce: {  	s20 =	simm.s32 $0x0;
	v9 =	vmin.f32 v9, v27;
	v6 =	vmin.f32 v6, v23;
	s2 =	smul.f32 $-2.000000000e+00, s2;
	s7 =	spop (v2sf)  }
0xcf: {  	s21 =	sand.u32 $0x60, s17;
	[tilespmem:$0x1FF00] =	vst v5;
	v5 =	vmin.f32 v49, v53;
	s3 =	smul.f32 $-2.000000000e+00, s3;
	v0 =	vmin.f32 v0, v1;
	(v2sf) =	vpush v54, $0xF;
	s8 =	spop (v2sf)  }
0xd0: {  	s16 =	sand.u32 $0x1E00, s17;
	v5 =	vmin.f32 v5, v15;
	v10 =	vmov s0;
	s4 =	smul.f32 $-2.000000000e+00, s4;
	[tilespmem:s18+$0x4000] =	vst v0;
	(v2sf) =	vpush v52, $0xF;
	s9 =	spop (v2sf)  }
0xd1: {  	s23 =	sor.u32 s21, s16;
	v21 =	vmov s1;
	v34 =	vmov s2;
	s5 =	smul.f32 $-2.000000000e+00, s5;
	v0 =	vld [tilespmem:s20+$0x4880];
	(v2sf) =	vpush v51, $0xF;
	s10 =	spop (v2sf)  }
0xd2: {  	v29 =	vmov s3;
	v1 =	vld [tilespmem:s23+$0x100];
	s6 =	smul.f32 $-2.000000000e+00, s6;
	v51 =	vbroadcast v2, $0x8;
	v50 =	vbroadcast v2, $0x9;
	s11 =	spop (v2sf)  }
0xd3: {  	v33 =	vmov s4;
	s7 =	smul.f32 $-2.000000000e+00, s7;
	v52 =	vbroadcast v2, $0xA;
	v46 =	vbroadcast v2, $0xB;
	s12 =	spop (v2sf)  }
0xd4: {  	v30 =	vmov s5;
	v43 =	vbroadcast v2, $0xC;
	v49 =	vbroadcast v2, $0xF;
	s8 =	smul.f32 $-2.000000000e+00, s8;
	s19 =	spop (v2sf)  }
0xd5: {  	v3 =	vld [tilespmem:s23+$0x80];
	v53 =	vbroadcast v2, $0xD;
	v56 =	vbroadcast v2, $0xE;
	v24 =	vmov s6;
	s9 =	smul.f32 $-2.000000000e+00, s9;
	s13 =	spop (v2sf)  }
0xd6: {  	s10 =	smul.f32 $-2.000000000e+00, s10;
	v36 =	vmov s8;
	v7 =	vadd.f32 v0, v52;
	v20 =	vadd.f32 v0, v49;
	s14 =	spop (v2sf)  }
0xd7: {  	v25 =	vadd.f32 v0, v53;
	v55 =	vmul.f32 v1, v34;
	v57 =	vadd.f32 v0, v51;
	s11 =	smul.f32 $-2.000000000e+00, s11;
	s15 =	spop (v2sf)  }
0xd8: {  	v61 =	vadd.f32 v0, v46;
	v63 =	vadd.f32 v0, v56;
	v8 =	vmul.f32 v1, v36;
	s12 =	smul.f32 $-2.000000000e+00, s12;
	s24 =	spop (v2sf)  }
0xd9: {  	v26 =	vmov s7;
	v2 =	vadd.f32 v0, v43;
	v55 =	vadd.f32 v57, v55;
	s25 =	smul.f32 $-2.000000000e+00, s13;
	s26 =	spop (v2sf)  }
0xda: {  	v57 =	vmul.f32 v3, v26;
	v42 =	vmov s11;
	v7 =	vadd.f32 v7, v8;
	s14 =	smul.f32 $-2.000000000e+00, s14;
	s28 =	spop (v2sf)  }
0xdb: {  	v0 =	vadd.f32 v0, v50;
	v4 =	vmov s9;
	v62 =	vmul.f32 v1, v42;
	s30 =	smul.f32 $-2.000000000e+00, s24;
	s29 =	spop (v2sf)  }
0xdc: {  	v22 =	vld [tilespmem:s23+$0x0];
	v32 =	vmov s10;
	v18 =	vmov s12;
	v7 =	vadd.f32 v7, v57;
	s24 =	smul.f32 $-2.000000000e+00, s29  }
0xdd: {  	s15 =	smul.f32 $-2.000000000e+00, s15;
	v47 =	vmov s25;
	v61 =	vadd.f32 v61, v62;
	v41 =	vmov s30  }
0xde: {  	v62 =	vmul.f32 v3, v32;
	s31 =	spop (v2sf);
	v8 =	vmul.f32 v1, v41;
	v54 =	vmov s24  }
0xdf: {  	v35 =	vmov s14;
	v31 =	vmov s15;
	s2 =	smul.f32 $-2.000000000e+00, s28;
	s22 =	spop (v2sf);
	v11 =	vmul.f32 v1, v54  }
0xe0: {  	s13 =	smul.f32 $-2.000000000e+00, s26;
	v57 =	vadd.f32 v61, v62;
	s25 =	spop (v2sf);
	v8 =	vadd.f32 v25, v8;
	v25 =	vmul.f32 v3, v21  }
0xe1: {  	v45 =	vmov s2;
	s26 =	smul.f32 $-2.000000000e+00, s25;
	v63 =	vadd.f32 v63, v11;
	v11 =	vmul.f32 v22, v24  }
0xe2: {  	v61 =	vmul.f32 v3, v45;
	v25 =	vadd.f32 v55, v25;
	v55 =	vmul.f32 v22, v4  }
0xe3: {  	v48 =	vmov s26;
	v62 =	vadd.f32 v7, v11;
	v7 =	vmul.f32 v3, v31  }
0xe4: {  	v11 =	vadd.f32 v57, v55;
	v57 =	vmul.f32 v1, v48;
	v63 =	vadd.f32 v63, v61  }
0xe5: {  	v61 =	vmul.f32 v22, v35;
	v7 =	vadd.f32 v8, v7;
	v8 =	vmul.f32 v1, v30  }
0xe6: {  	v28 =	vmov s13;
	s28 =	smul.f32 $-2.000000000e+00, s22;
	v55 =	vmul.f32 v3, v33;
	v1 =	vmul.f32 v1, v47  }
0xe7: {  	s29 =	smul.f32 $-2.000000000e+00, s19;
	v20 =	vadd.f32 v20, v57;
	v0 =	vadd.f32 v0, v8;
	v8 =	vmul.f32 v22, v28  }
0xe8: {  	s0 =	smul.f32 $-2.000000000e+00, s31;
	v57 =	vmov s28;
	v7 =	vadd.f32 v7, v61;
	v1 =	vadd.f32 v2, v1  }
0xe9: {  	[tilespmem:$0x1FEE0] =	vst v4;
	v61 =	vmov s29;
	v4 =	vadd.f32 v63, v8;
	v8 =	vmul.f32 v3, v57  }
0xea: {  	v2 =	vadd.f32 v0, v55;
	v55 =	vmov s0;
	v3 =	vmul.f32 v3, v61  }
0xeb: {  	[tilespmem:$0x1FEF0] =	vst v10;
	v63 =	vmul.f32 v22, v29;
	v8 =	vadd.f32 v20, v8;
	v20 =	vmul.f32 v22, v10;
	v10 =	vld [tilespmem:$0x1FF00]  }
0xec: {  	v0 =	vmul.f32 v22, v18;
	v1 =	vadd.f32 v1, v3;
	v3 =	vmul.f32 v22, v55  }
0xed: {  	v6 =	vmin.f32 v6, v16;
	v22 =	vadd.f32 v2, v63;
	v20 =	vadd.f32 v25, v20  }
0xee: {  	[tilespmem:$0x1FF30] =	vst v6;
	v6 =	vmin.f32 v44, v17;
	v3 =	vadd.f32 v8, v3;
	v8 =	vadd.f32 v1, v0;
	v0 =	vld [tilespmem:s20+$0x4000]  }
0xef: {  	v2 =	vmin.f32 v40, v60;
	v25 =	vmin.f32 v62, v11;
	v27 =	vmin.f32 v20, v22  }
0xf0: {  	[tilespmem:$0x1FF20] =	vst v5;
	v60 =	vmin.f32 v4, v3;
	v63 =	vmin.f32 v8, v7;
	v9 =	vmin.f32 v9, v10  }
0xf1: {  	v1 =	vmin.f32 v38, v59;
	[tilespmem:$0x1FF10] =	vst v9;
	v9 =	vmin.f32 v27, v25;
	v27 =	vmin.f32 v63, v60  }
0xf2: {  	[tilespmem:$0x1FF40] =	vst v6;
	v1 =	vmin.f32 v1, v12;
	v5 =	vmin.f32 v9, v27  }
0xf3: {  	v58 =	vmin.f32 v39, v58;
	s30 =	sor.u32 $0x10, s21;
	[tilespmem:$0x1FF60] =	vst v1;
	v0 =	vmin.f32 v0, v5  }
0xf4: {  	v17 =	vimm.f32 $3.000000010e+38;
	s31 =	sand.u32 $0x780, s17;
	s0 =	sor.u32 s30, s16;
	v5 =	vmin.f32 v58, v19;
	[tilespmem:s20+$0x4000] =	vst v0  }
0xf5: {  	v6 =	vimm.f32 $3.000000010e+38;
	v9 =	vimm.f32 $3.000000010e+38;
	[tilespmem:$0x1FF50] =	vst v5;
	v0 =	vmin.f32 v2, v14;
	s20 =	sor.u32 s31, s30;
	v44 =	vld [tilespmem:s0+$0x100]  }
0xf6: {  	v15 =	vmin.f32 v9, v62;
	v5 =	vmin.f32 v9, v4;
	[tilespmem:$0x1FF70] =	vst v0;
	v0 =	vmin.f32 v37, v13;
	v40 =	vld [tilespmem:s20+$0x4880]  }
0xf7: {  	s18 =	simm.s32 $0x0;
	s19 =	simm.s32 $0x0;
	v2 =	vimm.f32 $3.000000010e+38;
	v14 =	vimm.f32 $3.000000010e+38;
	v4 =	vimm.f32 $3.000000010e+38;
	v37 =	vld [tilespmem:s0+$0x80];
	[tilespmem:$0x1FF80] =	vst v0  }
.LBB2_7:
0xf8: {  	_ =	sdelay $0x2  }
0xf9: {  	v0 =	vmin.f32 v9, v11;
	v12 =	vmul.f32 v44, v48;
	v23 =	vadd.f32 v40, v49  }
0xfa: {  	v1 =	vmin.f32 v6, v7;
	v2 =	vmin.f32 v2, v3;
	v3 =	vmin.f32 v17, v22  }
0xfb: {  	v17 =	vadd.f32 v40, v52;
	v13 =	vmul.f32 v37, v57;
	v12 =	vadd.f32 v23, v12  }
0xfc: {  	v58 =	vadd.f32 v40, v50;
	v19 =	vmul.f32 v44, v36;
	v38 =	vmul.f32 v44, v30  }
0xfd: {  	v9 =	vld [tilespmem:s0+$0x0];
	v6 =	vmul.f32 v44, v34;
	v11 =	vadd.f32 v40, v51;
	v12 =	vadd.f32 v12, v13  }
0xfe: {  	v7 =	vmul.f32 v44, v47;
	v13 =	vadd.f32 v17, v19;
	v17 =	vadd.f32 v58, v38;
	v58 =	vld [tilespmem:$0x1FEF0]  }
0xff: {  	v22 =	vmul.f32 v44, v42;
	v59 =	vmul.f32 v37, v61;
	v60 =	vadd.f32 v40, v53  }
0x100: {  	v62 =	vmul.f32 v44, v54;
	v63 =	vadd.f32 v40, v56;
	v39 =	vadd.f32 v40, v46  }
0x101: {  	v25 =	vmul.f32 v37, v21;
	v44 =	vmul.f32 v44, v41;
	v6 =	vadd.f32 v11, v6  }
0x102: {  	v16 =	vmul.f32 v37, v33;
	v22 =	vadd.f32 v39, v22;
	v39 =	vadd.f32 v40, v43  }
0x103: {  	v40 =	vadd.f32 v60, v44;
	v6 =	vadd.f32 v6, v25;
	v60 =	vmul.f32 v9, v58  }
0x104: {  	v27 =	vmul.f32 v37, v45;
	v10 =	vmul.f32 v9, v35  }
0x105: {  	v62 =	vadd.f32 v63, v62;
	v63 =	vmul.f32 v9, v29;
	v6 =	vadd.f32 v6, v60;
	v60 =	vld [tilespmem:$0x1FEE0]  }
0x106: {  	v23 =	vmul.f32 v9, v24;
	v44 =	vmul.f32 v9, v28  }
0x107: {  	v11 =	vmul.f32 v37, v26;
	v27 =	vadd.f32 v62, v27;
	v62 =	vmul.f32 v37, v32  }
0x108: {  	v19 =	vmul.f32 v37, v31;
	v37 =	vmul.f32 v9, v55;
	v7 =	vadd.f32 v39, v7  }
0x109: {  	v16 =	vadd.f32 v17, v16;
	v11 =	vadd.f32 v13, v11;
	v13 =	vmul.f32 v9, v18  }
0x10a: {  	v17 =	vadd.f32 v22, v62;
	v7 =	vadd.f32 v7, v59;
	v9 =	vmul.f32 v9, v60  }
0x10b: {  	v14 =	vmin.f32 v14, v20;
	v19 =	vadd.f32 v40, v19;
	v20 =	vadd.f32 v27, v44  }
0x10c: {  	v12 =	vadd.f32 v12, v37;
	v17 =	vadd.f32 v17, v9  }
0x10d: {  	v4 =	vmin.f32 v4, v8;
	v8 =	vadd.f32 v16, v63;
	v7 =	vadd.f32 v7, v13  }
0x10e: {  	v11 =	vadd.f32 v11, v23;
	v13 =	vld [tilespmem:s20+$0x4000];
	v9 =	vmin.f32 v0, v17;
	v0 =	vadd.f32 v19, v10  }
0x10f: {  	v16 =	vmin.f32 v20, v12;
	v4 =	vmin.f32 v4, v7;
	v14 =	vmin.f32 v14, v6  }
0x110: {  	v6 =	vmin.f32 v6, v8;
	v10 =	vmin.f32 v11, v17;
	v7 =	vmin.f32 v7, v0  }
0x111: {  	v10 =	vmin.f32 v6, v10;
	v6 =	vmin.f32 v1, v0;
	v0 =	vmin.f32 v7, v16  }
0x112: {  	v0 =	vmin.f32 v10, v0  }
0x113: {  	s17 =	sadd.s32 $0x80, s17;
	s19 =	sadd.s32 $0x20, s19;
	v0 =	vmin.f32 v13, v0  }
0x114: {  	s22 =	sand.u32 $0x60, s19;
	s21 =	sand.u32 $0x1E00, s17;
	s23 =	sshra.s32 s17, $0x2;
	[tilespmem:s20+$0x4000] =	vst v0  }
0x115: {  	s31 =	sor.u32 s22, s21;
	v0 =	vld [tilespmem:s23+$0x4880]  }
0x116: {  	v17 =	vmin.f32 v3, v8;
	v3 =	vld [tilespmem:s31+$0x100]  }
0x117: {  	v1 =	vmin.f32 v5, v20;
	v5 =	vld [tilespmem:s31+$0x0];
	_ =	sdelay $0x1  }
0x118: {  	v2 =	vmin.f32 v2, v12;
	v7 =	vld [tilespmem:s31+$0x80]  }
0x119: {  	v15 =	vmin.f32 v15, v11;
	v8 =	vadd.f32 v0, v52;
	v10 =	vadd.f32 v0, v49  }
0x11a: {  	v11 =	vmul.f32 v3, v36;
	v12 =	vadd.f32 v0, v43;
	v13 =	vmul.f32 v3, v54  }
0x11b: {  	v16 =	vmul.f32 v3, v34;
	v19 =	vmul.f32 v5, v35;
	v20 =	vadd.f32 v0, v53  }
0x11c: {  	v22 =	vmul.f32 v5, v58;
	v23 =	vadd.f32 v0, v51;
	v25 =	vmul.f32 v3, v42  }
0x11d: {  	v27 =	vadd.f32 v0, v46;
	v59 =	vmul.f32 v7, v21;
	v38 =	vadd.f32 v0, v50  }
0x11e: {  	v0 =	vadd.f32 v0, v56;
	v39 =	vmul.f32 v7, v33;
	v62 =	vmul.f32 v7, v26  }
0x11f: {  	v63 =	vmul.f32 v7, v32;
	v8 =	vadd.f32 v8, v11;
	v11 =	vmul.f32 v3, v41  }
0x120: {  	v40 =	vmul.f32 v3, v30;
	v25 =	vadd.f32 v27, v25;
	v0 =	vadd.f32 v0, v13  }
0x121: {  	v13 =	vmul.f32 v7, v61;
	v27 =	vmul.f32 v7, v45;
	v20 =	vadd.f32 v20, v11  }
0x122: {  	v11 =	vadd.f32 v23, v16;
	v16 =	vmul.f32 v3, v47;
	v23 =	vmul.f32 v7, v57  }
0x123: {  	v8 =	vadd.f32 v8, v62;
	v7 =	vmul.f32 v7, v31;
	v62 =	vmul.f32 v5, v60  }
0x124: {  	v25 =	vadd.f32 v25, v63;
	v3 =	vmul.f32 v3, v48;
	v0 =	vadd.f32 v0, v27  }
0x125: {  	v37 =	vadd.f32 v11, v59;
	v11 =	vmul.f32 v5, v24;
	v7 =	vadd.f32 v20, v7  }
0x126: {  	v20 =	vmul.f32 v5, v28;
	v3 =	vadd.f32 v10, v3;
	v10 =	vadd.f32 v38, v40  }
0x127: {  	v12 =	vadd.f32 v12, v16;
	v63 =	vadd.f32 v8, v11;
	v8 =	vmul.f32 v5, v55  }
0x128: {  	v11 =	vadd.f32 v25, v62;
	v25 =	vmul.f32 v5, v18;
	v7 =	vadd.f32 v7, v19  }
0x129: {  	v0 =	vadd.f32 v0, v20;
	v5 =	vmul.f32 v5, v29;
	v10 =	vadd.f32 v10, v39  }
0x12a: {  	v3 =	vadd.f32 v3, v23;
	v12 =	vadd.f32 v12, v13  }
0x12b: {  	v20 =	vadd.f32 v37, v22;
	v22 =	vadd.f32 v10, v5  }
0x12c: {  	v3 =	vadd.f32 v3, v8;
	v8 =	vadd.f32 v12, v25;
	v5 =	vld [tilespmem:s23+$0x4000]  }
0x12d: {  	v19 =	vmin.f32 v63, v11  }
0x12e: {  	v10 =	vmin.f32 v20, v22;
	v12 =	vmin.f32 v0, v3;
	v13 =	vmin.f32 v8, v7  }
0x12f: {  	s18 =	sadd.s32 $0x2, s18;
	v10 =	vmin.f32 v10, v19;
	v12 =	vmin.f32 v13, v12  }
0x130: {  	p1 =	slt.u32 s18, $0x7E;
	v10 =	vmin.f32 v10, v12  }
.Ltmp2:
0x131: {  	s1 =	sor.u32 $0x10, s22;
	v5 =	vmin.f32 v5, v10;
	(pc) =	sbr.rel @p1 .LBB2_7-.Ltmp2, $4  }
0x132: {  	s2 =	sand.u32 $0x780, s19;
	s0 =	sor.u32 s1, s21;
	[tilespmem:s23+$0x4000] =	vst v5  }
0x133: {  	s20 =	sor.u32 s2, s1;
	v44 =	vld [tilespmem:s0+$0x100]  }
0x134: {  	v40 =	vld [tilespmem:s20+$0x4880]  }
0x135: {  	v15 =	vmin.f32 v15, v63;
	v5 =	vmin.f32 v1, v0;
	v37 =	vld [tilespmem:s0+$0x80]  }
0x136: {  	_ =	sdelay $0x2  }
0x137: {  	v13 =	vadd.f32 v40, v51;
	v51 =	vld [tilespmem:$0x1FF10];
	_ =	sdelay $0x4  }
0x138: {  	(v2sf) =	vpush v51, $0x0  }
0x139: {  	(v2sf) =	vpush v51, $0x1  }
0x13a: {  	(v2sf) =	vpush v51, $0x2;
	_ =	sdelay $0x1  }
0x13b: {  	(v2sf) =	vpush v51, $0x3  }
0x13c: {  	(v2sf) =	vpush v51, $0x4  }
0x13d: {  	(v2sf) =	vpush v51, $0x5  }
0x13e: {  	(v2sf) =	vpush v51, $0x6;
	_ =	sdelay $0x4  }
0x13f: {  	v0 =	vmul.f32 v44, v54;
	v1 =	vadd.f32 v40, v56;
	v16 =	vadd.f32 v40, v52  }
0x140: {  	v27 =	vmul.f32 v44, v48;
	v23 =	vadd.f32 v40, v50;
	v48 =	vadd.f32 v40, v53  }
0x141: {  	v39 =	vadd.f32 v40, v49;
	v50 =	vadd.f32 v40, v46  }
0x142: {  	v19 =	vmul.f32 v44, v42;
	v54 =	vadd.f32 v40, v43;
	v0 =	vadd.f32 v1, v0;
	s6 =	spop (v2sf)  }
0x143: {  	v52 =	vmul.f32 v44, v41;
	v27 =	vadd.f32 v39, v27;
	s2 =	spop (v2sf);
	(v2sf) =	vpush v51, $0x7  }
0x144: {  	v10 =	vmul.f32 v44, v34;
	v19 =	vadd.f32 v50, v19;
	s31 =	spop (v2sf);
	(v2sf) =	vpush v51, $0x8  }
0x145: {  	v30 =	vmul.f32 v44, v30;
	v34 =	vadd.f32 v48, v52;
	(v2sf) =	vpush v51, $0x9  }
0x146: {  	v36 =	vmul.f32 v44, v36;
	v10 =	vadd.f32 v13, v10;
	s1 =	spop (v2sf);
	(v2sf) =	vpush v51, $0xA  }
0x147: {  	v12 =	vmul.f32 v44, v47;
	v23 =	vadd.f32 v23, v30;
	v48 =	vld [tilespmem:$0x1FF60];
	s24 =	spop (v2sf);
	(v2sf) =	vpush v51, $0xB  }
0x148: {  	v38 =	vmul.f32 v37, v45;
	v1 =	vld [tilespmem:s0+$0x0];
	v16 =	vadd.f32 v16, v36;
	s0 =	spop (v2sf);
	(v2sf) =	vpush v51, $0xC  }
0x149: {  	v53 =	vmul.f32 v37, v57;
	v12 =	vadd.f32 v54, v12;
	s26 =	spop (v2sf);
	(v2sf) =	vpush v51, $0xD  }
0x14a: {  	v21 =	vmul.f32 v37, v21;
	v0 =	vadd.f32 v0, v38;
	(v2sf) =	vpush v51, $0xE  }
0x14b: {  	v59 =	vld [tilespmem:$0x1FEF0];
	v33 =	vmul.f32 v37, v33;
	v27 =	vadd.f32 v27, v53;
	(v2sf) =	vpush v51, $0xF  }
0x14c: {  	v60 =	vld [tilespmem:$0x1FEE0];
	v57 =	vmul.f32 v37, v26;
	v10 =	vadd.f32 v10, v21;
	(v2sf) =	vpush v48, $0x0  }
0x14d: {  	v32 =	vmul.f32 v37, v32;
	v23 =	vadd.f32 v23, v33;
	(v2sf) =	vpush v48, $0x1  }
0x14e: {  	v25 =	vmul.f32 v37, v61;
	v16 =	vadd.f32 v16, v57;
	(v2sf) =	vpush v48, $0x2  }
0x14f: {  	v58 =	vmul.f32 v37, v31;
	v19 =	vadd.f32 v19, v32;
	(v2sf) =	vpush v48, $0x3  }
0x150: {  	v63 =	vadd.f32 v12, v25;
	v21 =	vmul.f32 v1, v59;
	(v2sf) =	vpush v48, $0x4  }
0x151: {  	v32 =	vadd.f32 v34, v58;
	v13 =	vmul.f32 v1, v60;
	(v2sf) =	vpush v48, $0x5  }
0x152: {  	v61 =	vmul.f32 v1, v28;
	v62 =	vadd.f32 v10, v21;
	s22 =	spop (v2sf);
	(v2sf) =	vpush v48, $0x6  }
0x153: {  	v49 =	vmul.f32 v1, v29;
	v33 =	vadd.f32 v19, v13;
	s21 =	spop (v2sf);
	(v2sf) =	vpush v48, $0x7  }
0x154: {  	v56 =	vmul.f32 v1, v24;
	v34 =	vadd.f32 v0, v61;
	s8 =	spop (v2sf);
	(v2sf) =	vpush v48, $0x8  }
0x155: {  	v35 =	vmul.f32 v1, v35;
	v36 =	vadd.f32 v23, v49;
	s12 =	spop (v2sf);
	(v2sf) =	vpush v48, $0x9  }
0x156: {  	v21 =	vmul.f32 v1, v18;
	v39 =	vadd.f32 v16, v56;
	s16 =	spop (v2sf);
	(v2sf) =	vpush v48, $0xA  }
0x157: {  	v1 =	vmul.f32 v1, v55;
	v18 =	vadd.f32 v32, v35;
	v49 =	vld [tilespmem:$0x1FF40];
	s7 =	spop (v2sf);
	(v2sf) =	vpush v48, $0xB  }
0x158: {  	v37 =	vadd.f32 v63, v21;
	s5 =	spop (v2sf);
	(v2sf) =	vpush v48, $0xC  }
0x159: {  	v41 =	vld [tilespmem:s20+$0x4000];
	v40 =	vadd.f32 v27, v1;
	[smem:$0x7CD] =	sst s6;
	s6 =	spop (v2sf);
	(v2sf) =	vpush v48, $0xD  }
0x15a: {  	v42 =	vmin.f32 v62, v36;
	v43 =	vmin.f32 v39, v33;
	s4 =	spop (v2sf);
	(v2sf) =	vpush v48, $0xE  }
0x15b: {  	v44 =	vmin.f32 v34, v40;
	v46 =	vmin.f32 v37, v18;
	s3 =	spop (v2sf);
	(v2sf) =	vpush v48, $0xF  }
0x15c: {  	v1 =	vmin.f32 v42, v43;
	v47 =	vmin.f32 v46, v44;
	s19 =	spop (v2sf);
	(v2sf) =	vpush v49, $0x0  }
0x15d: {  	v1 =	vmin.f32 v1, v47;
	s30 =	spop (v2sf);
	(v2sf) =	vpush v49, $0x1  }
0x15e: {  	v0 =	vmin.f32 v41, v1;
	s17 =	spop (v2sf);
	(v2sf) =	vpush v49, $0x2  }
0x15f: {  	[tilespmem:s20+$0x4000] =	vst v0;
	s20 =	spop (v2sf);
	(v2sf) =	vpush v49, $0x3  }
0x160: {  	s28 =	spop (v2sf);
	(v2sf) =	vpush v49, $0x4  }
0x161: {  	s18 =	spop (v2sf);
	(v2sf) =	vpush v49, $0x5  }
0x162: {  	s25 =	spop (v2sf);
	(v2sf) =	vpush v49, $0x6  }
0x163: {  	s29 =	spop (v2sf);
	(v2sf) =	vpush v49, $0x7  }
0x164: {  	(v2sf) =	vpush v49, $0x8;
	s13 =	spop (v2sf)  }
0x165: {  	s15 =	spop (v2sf)  }
0x166: {  	s21 =	smin.f32 s21, s8;
	s10 =	spop (v2sf)  }
0x167: {  	s12 =	smin.f32 s12, s16;
	s14 =	spop (v2sf)  }
0x168: {  	s5 =	smin.f32 s7, s5;
	s9 =	spop (v2sf)  }
0x169: {  	s4 =	smin.f32 s6, s4;
	(v2sf) =	vpush v49, $0x9;
	s11 =	spop (v2sf)  }
0x16a: {  	[smem:$0x7CE] =	sst s3;
	s23 =	spop (v2sf)  }
0x16b: {  	s20 =	smin.f32 s20, s28;
	(v2sf) =	vpush v49, $0xA;
	s3 =	spop (v2sf)  }
0x16c: {  	(v2sf) =	vpush v49, $0xB;
	[dreg:$0x19] =	wrdreg s3;
	s3 =	spop (v2sf)  }
0x16d: {  	v50 =	vld [tilespmem:$0x1FF20];
	[smem:$0x7CF] =	sst s3;
	s3 =	spop (v2sf)  }
0x16e: {  	(v2sf) =	vpush v49, $0xC;
	[dreg:$0x1b] =	wrdreg s3;
	s3 =	spop (v2sf)  }
0x16f: {  	(v2sf) =	vpush v49, $0xD;
	[smem:$0x7D0] =	sst s3;
	s3 =	spop (v2sf)  }
0x170: {  	(v2sf) =	vpush v49, $0xE;
	[smem:$0x7D1] =	sst s3;
	s3 =	spop (v2sf)  }
0x171: {  	(v2sf) =	vpush v49, $0xF;
	[smem:$0x7D2] =	sst s3;
	s3 =	spop (v2sf)  }
0x172: {  	(v2sf) =	vpush v50, $0x0;
	[smem:$0x7D3] =	sst s3;
	s3 =	spop (v2sf)  }
0x173: {  	(v2sf) =	vpush v50, $0x1;
	[smem:$0x7D4] =	sst s3;
	s3 =	spop (v2sf)  }
0x174: {  	s13 =	smin.f32 s29, s13;
	[smem:$0x7D5] =	sst s3  }
0x175: {  	s10 =	smin.f32 s15, s10;
	(v2sf) =	vpush v50, $0x2;
	s3 =	sld [smem:$0x7CD]  }
0x176: {  	s9 =	smin.f32 s14, s9;
	s11 =	smin.f32 s11, s23  }
0x177: {  	s14 =	smin.f32 s13, s10;
	s9 =	smin.f32 s9, s11;
	(v2sf) =	vpush v50, $0x3  }
0x178: {  	s3 =	smin.f32 s3, s2;
	s2 =	spop (v2sf)  }
0x179: {  	(v2sf) =	vpush v50, $0x4;
	[smem:$0x7D6] =	sst s2;
	s2 =	smin.f32 s31, s1  }
0x17a: {  	(v2sf) =	vpush v50, $0x5;
	s31 =	spop (v2sf);
	s1 =	smin.f32 s24, s0  }
0x17b: {  	(v2sf) =	vpush v50, $0x6;
	s0 =	smin.f32 s26, s22;
	s24 =	spop (v2sf)  }
0x17c: {  	(v2sf) =	vpush v50, $0x7;
	s2 =	smin.f32 s3, s2;
	s0 =	smin.f32 s1, s0  }
0x17d: {  	(v2sf) =	vpush v50, $0x8;
	s1 =	smin.f32 s21, s12;
	s26 =	spop (v2sf)  }
0x17e: {  	(v2sf) =	vpush v50, $0x9;
	s3 =	sld [smem:$0x7CE];
	s8 =	spop (v2sf)  }
0x17f: {  	(v2sf) =	vpush v50, $0xA;
	s0 =	smin.f32 s2, s0;
	s16 =	spop (v2sf)  }
0x180: {  	v51 =	vld [tilespmem:$0x1FF30];
	(v2sf) =	vpush v50, $0xB;
	s31 =	smin.f32 s31, s24;
	s22 =	spop (v2sf)  }
0x181: {  	(v2sf) =	vpush v50, $0xC;
	s8 =	smin.f32 s26, s8;
	s7 =	spop (v2sf)  }
0x182: {  	(v2sf) =	vpush v50, $0xD;
	[dreg:$0x14] =	wrdreg s7;
	s6 =	spop (v2sf)  }
0x183: {  	(v2sf) =	vpush v50, $0xE;
	s16 =	smin.f32 s16, s22;
	[dreg:$0x15] =	wrdreg s6  }
0x184: {  	(v2sf) =	vpush v50, $0xF;
	s7 =	spop (v2sf);
	s6 =	smin.f32 s5, s4  }
0x185: {  	(v2sf) =	vpush v51, $0x0;
	s4 =	smin.f32 s3, s19;
	s19 =	smin.f32 s30, s17  }
0x186: {  	(v2sf) =	vpush v51, $0x1;
	[dreg:$0x16] =	wrdreg s7;
	s21 =	spop (v2sf)  }
0x187: {  	(v2sf) =	vpush v51, $0x2;
	s1 =	smin.f32 s1, s6;
	s2 =	smin.f32 s4, s19  }
0x188: {  	(v2sf) =	vpush v51, $0x3;
	[dreg:$0x1c] =	wrdreg s21;
	s7 =	spop (v2sf)  }
0x189: {  	(v2sf) =	vpush v51, $0x4;
	s0 =	smin.f32 s0, s1;
	s1 =	smin.f32 s18, s25  }
0x18a: {  	[dreg:$0x1d] =	wrdreg s7;
	s12 =	spop (v2sf);
	(v2sf) =	vpush v51, $0x5  }
0x18b: {  	[dreg:$0x8] =	wrdreg s0;
	s21 =	spop (v2sf);
	(v2sf) =	vpush v51, $0x6  }
0x18c: {  	[smem:$0x7D8] =	sst s21;
	s21 =	spop (v2sf);
	(v2sf) =	vpush v51, $0x7  }
0x18d: {  	[smem:$0x7D7] =	sst s12;
	s12 =	spop (v2sf);
	(v2sf) =	vpush v51, $0x8  }
0x18e: {  	s4 =	smin.f32 s20, s1;
	s30 =	spop (v2sf);
	(v2sf) =	vpush v51, $0x9  }
0x18f: {  	s20 =	smin.f32 s14, s9;
	s28 =	spop (v2sf);
	(v2sf) =	vpush v51, $0xA  }
0x190: {  	s2 =	smin.f32 s2, s4;
	s25 =	spop (v2sf);
	(v2sf) =	vpush v51, $0xB  }
0x191: {  	s23 =	smin.f32 s2, s20;
	s17 =	spop (v2sf);
	(v2sf) =	vpush v51, $0xC  }
0x192: {  	[smem:$0x7D9] =	sst s12;
	s7 =	spop (v2sf);
	(v2sf) =	vpush v51, $0xD  }
0x193: {  	s6 =	spop (v2sf);
	[dreg:$0x9] =	wrdreg s23  }
0x194: {  	s8 =	smin.f32 s8, s16;
	s1 =	rddreg [dreg:$0x19]  }
0x195: {  	s25 =	smin.f32 s28, s25;
	s2 =	sld [smem:$0x7CF]  }
0x196: {  	s17 =	smin.f32 s17, s7;
	s4 =	sld [smem:$0x7D0]  }
0x197: {  	s5 =	spop (v2sf);
	s10 =	sld [smem:$0x7D1]  }
0x198: {  	s13 =	sld [smem:$0x7D3];
	s3 =	spop (v2sf)  }
0x199: {  	s5 =	smin.f32 s6, s5;
	[dreg:$0x17] =	wrdreg s3  }
0x19a: {  	s12 =	spop (v2sf);
	s3 =	rddreg [dreg:$0x1b]  }
0x19b: {  	[dreg:$0x1e] =	wrdreg s12;
	s15 =	spop (v2sf)  }
0x19c: {  	s9 =	smin.f32 s1, s2;
	s12 =	sld [smem:$0x7D2]  }
0x19d: {  	s11 =	smin.f32 s3, s4;
	[dreg:$0x1f] =	wrdreg s15  }
0x19e: {  	v52 =	vld [tilespmem:$0x1FF50];
	s18 =	spop (v2sf);
	s15 =	sld [smem:$0x7D4]  }
0x19f: {  	s9 =	smin.f32 s9, s11;
	s11 =	rddreg [dreg:$0x1c]  }
0x1a0: {  	[smem:$0x7DA] =	sst s18;
	s19 =	spop (v2sf)  }
0x1a1: {  	(v2sf) =	vpush v51, $0xE;
	s5 =	smin.f32 s17, s5;
	[smem:$0x7DB] =	sst s19  }
0x1a2: {  	(v2sf) =	vpush v51, $0xF;
	s14 =	smin.f32 s10, s12;
	s10 =	sld [smem:$0x7D5]  }
0x1a3: {  	(v2sf) =	vpush v52, $0x0;
	s29 =	spop (v2sf);
	s12 =	sld [smem:$0x7D6]  }
0x1a4: {  	(v2sf) =	vpush v52, $0x1;
	s23 =	spop (v2sf);
	s2 =	smin.f32 s13, s15  }
0x1a5: {  	(v2sf) =	vpush v52, $0x2;
	s19 =	spop (v2sf);
	s2 =	smin.f32 s14, s2  }
0x1a6: {  	(v2sf) =	vpush v52, $0x3;
	s18 =	spop (v2sf);
	s0 =	smin.f32 s10, s12  }
0x1a7: {  	(v2sf) =	vpush v52, $0x4;
	s9 =	smin.f32 s9, s2;
	s2 =	rddreg [dreg:$0x14]  }
0x1a8: {  	s19 =	smin.f32 s23, s19;
	s20 =	spop (v2sf)  }
0x1a9: {  	s0 =	smin.f32 s0, s31;
	s13 =	spop (v2sf)  }
0x1aa: {  	(v2sf) =	vpush v52, $0x5;
	s0 =	smin.f32 s0, s8;
	s8 =	rddreg [dreg:$0x15]  }
0x1ab: {  	(v2sf) =	vpush v52, $0x6;
	s18 =	smin.f32 s18, s20;
	s10 =	spop (v2sf)  }
0x1ac: {  	(v2sf) =	vpush v52, $0x7;
	s0 =	smin.f32 s9, s0;
	s2 =	smin.f32 s2, s8  }
0x1ad: {  	s9 =	rddreg [dreg:$0x16];
	(v2sf) =	vpush v52, $0x8;
	s12 =	spop (v2sf)  }
0x1ae: {  	[dreg:$0xa] =	wrdreg s0;
	s8 =	smin.f32 s9, s11;
	(v2sf) =	vpush v52, $0x9  }
0x1af: {  	s9 =	sld [smem:$0x7D8];
	s4 =	spop (v2sf);
	(v2sf) =	vpush v52, $0xA  }
0x1b0: {  	v53 =	vld [tilespmem:$0x1FF80];
	s13 =	smin.f32 s13, s10;
	s3 =	spop (v2sf);
	(v2sf) =	vpush v52, $0xB  }
0x1b1: {  	s2 =	smin.f32 s2, s8;
	s24 =	spop (v2sf);
	(v2sf) =	vpush v52, $0xC  }
0x1b2: {  	s13 =	smin.f32 s18, s13;
	(v2sf) =	vpush v52, $0xD;
	s14 =	spop (v2sf)  }
0x1b3: {  	s4 =	smin.f32 s12, s4;
	(v2sf) =	vpush v52, $0xE;
	s15 =	spop (v2sf)  }
0x1b4: {  	s0 =	smin.f32 s9, s21;
	(v2sf) =	vpush v52, $0xF;
	s22 =	spop (v2sf)  }
0x1b5: {  	[dreg:$0x18] =	wrdreg s14;
	(v2sf) =	vpush v53, $0x0;
	s31 =	spop (v2sf)  }
0x1b6: {  	s14 =	rddreg [dreg:$0x1d];
	(v2sf) =	vpush v53, $0x1;
	s26 =	spop (v2sf)  }
0x1b7: {  	s20 =	smin.f32 s3, s24;
	[smem:$0x7DE] =	sst s26  }
0x1b8: {  	s4 =	smin.f32 s4, s20;
	(v2sf) =	vpush v53, $0x2;
	s26 =	sld [smem:$0x7D7]  }
0x1b9: {  	[smem:$0x7DC] =	sst s15;
	s16 =	spop (v2sf)  }
0x1ba: {  	[smem:$0x7DD] =	sst s22;
	(v2sf) =	vpush v53, $0x3;
	s15 =	spop (v2sf)  }
0x1bb: {  	s22 =	spop (v2sf);
	s11 =	smin.f32 s14, s26  }
0x1bc: {  	(v2sf) =	vpush v53, $0x4;
	s26 =	spop (v2sf);
	s14 =	sld [smem:$0x7D9]  }
0x1bd: {  	s21 =	spop (v2sf);
	s0 =	smin.f32 s11, s0  }
0x1be: {  	(v2sf) =	vpush v53, $0x5;
	s9 =	spop (v2sf);
	s0 =	smin.f32 s2, s0  }
0x1bf: {  	s1 =	smin.f32 s14, s30;
	s14 =	spop (v2sf)  }
0x1c0: {  	(v2sf) =	vpush v53, $0x6;
	s30 =	spop (v2sf);
	s1 =	smin.f32 s1, s25  }
0x1c1: {  	(v2sf) =	vpush v53, $0x7;
	s6 =	spop (v2sf);
	s1 =	smin.f32 s1, s5  }
0x1c2: {  	(v2sf) =	vpush v53, $0x8;
	s5 =	rddreg [dreg:$0x1f];
	s7 =	spop (v2sf)  }
0x1c3: {  	(v2sf) =	vpush v53, $0x9;
	s0 =	smin.f32 s0, s1;
	s8 =	spop (v2sf)  }
0x1c4: {  	(v2sf) =	vpush v53, $0xA;
	[dreg:$0xb] =	wrdreg s0;
	s28 =	spop (v2sf)  }
0x1c5: {  	[dreg:$0x1a] =	wrdreg s28;
	s25 =	spop (v2sf)  }
0x1c6: {  	v54 =	vld [tilespmem:$0x1FF70];
	s4 =	smin.f32 s13, s4;
	(v2sf) =	vpush v53, $0xB;
	[smem:$0x7DF] =	sst s25  }
0x1c7: {  	(v2sf) =	vpush v53, $0xC;
	s28 =	spop (v2sf);
	s25 =	rddreg [dreg:$0x17]  }
0x1c8: {  	s15 =	smin.f32 s15, s22;
	(v2sf) =	vpush v53, $0xD;
	[smem:$0x7E0] =	sst s28  }
0x1c9: {  	(v2sf) =	vpush v53, $0xE;
	s11 =	spop (v2sf);
	s28 =	rddreg [dreg:$0x1e]  }
0x1ca: {  	s9 =	smin.f32 s9, s14;
	(v2sf) =	vpush v53, $0xF;
	[smem:$0x7E1] =	sst s11  }
0x1cb: {  	(v2sf) =	vpush v54, $0x0;
	s17 =	spop (v2sf);
	s11 =	sld [smem:$0x7DA]  }
0x1cc: {  	s6 =	smin.f32 s30, s6;
	[smem:$0x7E2] =	sst s17  }
0x1cd: {  	(v2sf) =	vpush v54, $0x1;
	s2 =	spop (v2sf);
	s17 =	sld [smem:$0x7DB]  }
0x1ce: {  	s0 =	smin.f32 s25, s28;
	[smem:$0x7E3] =	sst s2  }
0x1cf: {  	(v2sf) =	vpush v54, $0x2;
	s25 =	spop (v2sf);
	s2 =	smin.f32 s5, s11  }
0x1d0: {  	s1 =	spop (v2sf);
	s17 =	smin.f32 s17, s29  }
0x1d1: {  	(v2sf) =	vpush v54, $0x3;
	s23 =	spop (v2sf);
	s24 =	smin.f32 s0, s2  }
0x1d2: {  	s1 =	smin.f32 s25, s1;
	s28 =	spop (v2sf)  }
0x1d3: {  	(v2sf) =	vpush v54, $0x4;
	s17 =	smin.f32 s17, s19;
	s29 =	spop (v2sf)  }
0x1d4: {  	s17 =	smin.f32 s24, s17;
	s23 =	smin.f32 s23, s28  }
0x1d5: {  	(v2sf) =	vpush v54, $0x5;
	s5 =	spop (v2sf);
	s20 =	smin.f32 s17, s4  }
0x1d6: {  	s4 =	rddreg [dreg:$0x18];
	s11 =	spop (v2sf)  }
0x1d7: {  	s17 =	sld [smem:$0x7DD];
	s10 =	spop (v2sf)  }
0x1d8: {  	[dreg:$0xc] =	wrdreg s20;
	s3 =	spop (v2sf)  }
0x1d9: {  	(v2sf) =	vpush v54, $0x6;
	s20 =	sld [smem:$0x7DE];
	s2 =	spop (v2sf)  }
0x1da: {  	s10 =	smin.f32 s11, s10;
	s12 =	spop (v2sf)  }
0x1db: {  	s3 =	smin.f32 s3, s2;
	[smem:$0x7E4] =	sst s12  }
0x1dc: {  	(v2sf) =	vpush v54, $0x7;
	s18 =	spop (v2sf);
	s12 =	sld [smem:$0x7DC]  }
0x1dd: {  	s3 =	smin.f32 s10, s3;
	[smem:$0x7E5] =	sst s18  }
0x1de: {  	(v2sf) =	vpush v54, $0x8;
	s19 =	spop (v2sf);
	s10 =	sld [smem:$0x7E4]  }
0x1df: {  	(v2sf) =	vpush v54, $0x9;
	s18 =	smin.f32 s17, s31;
	[smem:$0x7E6] =	sst s19  }
0x1e0: {  	(v2sf) =	vpush v54, $0xA;
	s24 =	spop (v2sf);
	s11 =	sld [smem:$0x7E5]  }
0x1e1: {  	[smem:$0x7E7] =	sst s24;
	s4 =	smin.f32 s4, s12  }
0x1e2: {  	(v2sf) =	vpush v54, $0xB;
	s13 =	spop (v2sf);
	s24 =	smin.f32 s20, s16  }
0x1e3: {  	s12 =	smin.f32 s26, s21;
	s20 =	smin.f32 s7, s8  }
0x1e4: {  	(v2sf) =	vpush v54, $0xC;
	[smem:$0x7E8] =	sst s13;
	s19 =	spop (v2sf)  }
0x1e5: {  	(v2sf) =	vpush v54, $0xD;
	s13 =	smin.f32 s4, s18;
	s15 =	smin.f32 s24, s15  }
0x1e6: {  	v55 =	vmin.f32 v14, v20;
	(v2sf) =	vpush v54, $0xE;
	s9 =	smin.f32 s12, s9;
	s12 =	sld [smem:$0x7DF]  }
0x1e7: {  	v0 =	vmin.f32 v55, v62;
	(v2sf) =	vpush v54, $0xF;
	s6 =	smin.f32 s6, s20;
	s20 =	sld [smem:$0x7E2]  }
0x1e8: {  	(v2sf) =	vpush v0, $0x0;
	[smem:$0x7E9] =	sst s19;
	s31 =	spop (v2sf)  }
0x1e9: {  	(v2sf) =	vpush v0, $0x1;
	s6 =	smin.f32 s9, s6;
	s9 =	rddreg [dreg:$0x1a]  }
0x1ea: {  	s13 =	smin.f32 s13, s15;
	s15 =	sld [smem:$0x7E1]  }
0x1eb: {  	(v2sf) =	vpush v0, $0x2;
	[smem:$0x7EA] =	sst s31;
	s19 =	spop (v2sf)  }
0x1ec: {  	(v2sf) =	vpush v0, $0x3;
	s6 =	smin.f32 s13, s6;
	s13 =	sld [smem:$0x7E0]  }
0x1ed: {  	(v2sf) =	vpush v0, $0x4;
	s31 =	spop (v2sf);
	[dreg:$0xd] =	wrdreg s6  }
0x1ee: {  	(v2sf) =	vpush v0, $0x5;
	s6 =	smin.f32 s9, s12;
	s21 =	spop (v2sf)  }
0x1ef: {  	(v2sf) =	vpush v0, $0x6;
	s16 =	spop (v2sf);
	s17 =	smin.f32 s13, s15  }
0x1f0: {  	(v2sf) =	vpush v0, $0x7;
	s13 =	smin.f32 s29, s5;
	s21 =	smin.f32 s31, s21  }
0x1f1: {  	(v2sf) =	vpush v0, $0x8;
	s8 =	spop (v2sf);
	s9 =	smin.f32 s6, s17  }
0x1f2: {  	(v2sf) =	vpush v0, $0x9;
	s0 =	smin.f32 s23, s13;
	s17 =	sld [smem:$0x7E6]  }
0x1f3: {  	(v2sf) =	vpush v0, $0xA;
	s23 =	sld [smem:$0x7E7];
	s14 =	spop (v2sf)  }
0x1f4: {  	(v2sf) =	vpush v0, $0xB;
	s3 =	smin.f32 s0, s3;
	s4 =	spop (v2sf)  }
0x1f5: {  	s8 =	smin.f32 s16, s8;
	(v2sf) =	vpush v0, $0xC;
	s22 =	spop (v2sf)  }
0x1f6: {  	(v2sf) =	vpush v0, $0xD;
	s4 =	smin.f32 s14, s4;
	s18 =	spop (v2sf)  }
0x1f7: {  	v56 =	vmin.f32 v17, v22;
	(v2sf) =	vpush v0, $0xE;
	s26 =	spop (v2sf);
	s18 =	smin.f32 s22, s18  }
0x1f8: {  	v1 =	vmin.f32 v56, v36;
	(v2sf) =	vpush v0, $0xF;
	[smem:$0x7EB] =	sst s26;
	s30 =	spop (v2sf)  }
0x1f9: {  	(v2sf) =	vpush v1, $0x0;
	s26 =	sld [smem:$0x7E3];
	s18 =	smin.f32 s4, s18  }
0x1fa: {  	[smem:$0x7EC] =	sst s30;
	(v2sf) =	vpush v1, $0x1;
	s7 =	spop (v2sf)  }
0x1fb: {  	[smem:$0x7ED] =	sst s7;
	s24 =	spop (v2sf)  }
0x1fc: {  	(v2sf) =	vpush v1, $0x2;
	s22 =	sld [smem:$0x7EC];
	s30 =	spop (v2sf)  }
0x1fd: {  	s7 =	smin.f32 s20, s26;
	s15 =	spop (v2sf)  }
0x1fe: {  	(v2sf) =	vpush v1, $0x3;
	s1 =	smin.f32 s7, s1;
	s20 =	spop (v2sf)  }
0x1ff: {  	(v2sf) =	vpush v1, $0x4;
	s9 =	smin.f32 s9, s1;
	s25 =	spop (v2sf)  }
0x200: {  	s3 =	smin.f32 s9, s3;
	s26 =	spop (v2sf)  }
0x201: {  	(v2sf) =	vpush v1, $0x5;
	[dreg:$0xe] =	wrdreg s3;
	s28 =	spop (v2sf)  }
0x202: {  	(v2sf) =	vpush v1, $0x6;
	s3 =	smin.f32 s10, s11;
	s29 =	spop (v2sf)  }
0x203: {  	(v2sf) =	vpush v1, $0x7;
	s10 =	sld [smem:$0x7E9];
	s12 =	spop (v2sf)  }
0x204: {  	s25 =	smin.f32 s20, s25;
	s7 =	spop (v2sf)  }
0x205: {  	(v2sf) =	vpush v1, $0x8;
	s26 =	smin.f32 s26, s28;
	s6 =	spop (v2sf)  }
0x206: {  	s12 =	smin.f32 s29, s12;
	s5 =	spop (v2sf)  }
0x207: {  	(v2sf) =	vpush v1, $0x9;
	s6 =	smin.f32 s7, s6;
	s2 =	spop (v2sf)  }
0x208: {  	(v2sf) =	vpush v1, $0xA;
	s1 =	spop (v2sf);
	s2 =	smin.f32 s5, s2  }
0x209: {  	[smem:$0x7EE] =	sst s1;
	s9 =	spop (v2sf)  }
0x20a: {  	(v2sf) =	vpush v1, $0xB;
	s1 =	sld [smem:$0x7E8];
	s6 =	smin.f32 s6, s2  }
0x20b: {  	(v2sf) =	vpush v1, $0xC;
	[smem:$0x7EF] =	sst s9;
	s13 =	spop (v2sf)  }
0x20c: {  	(v2sf) =	vpush v1, $0xD;
	s9 =	smin.f32 s17, s23;
	s17 =	sld [smem:$0x7EA]  }
0x20d: {  	(v2sf) =	vpush v1, $0xE;
	[smem:$0x7F0] =	sst s13;
	s23 =	spop (v2sf)  }
0x20e: {  	v57 =	vmin.f32 v15, v39;
	(v2sf) =	vpush v1, $0xF;
	s3 =	smin.f32 s3, s9;
	s13 =	spop (v2sf)  }
0x20f: {  	(v2sf) =	vpush v57, $0x0;
	s11 =	smin.f32 s1, s10;
	[smem:$0x7F1] =	sst s13  }
0x210: {  	s1 =	smin.f32 s17, s19;
	s17 =	spop (v2sf)  }
0x211: {  	(v2sf) =	vpush v57, $0x1;
	s13 =	spop (v2sf);
	s0 =	smin.f32 s11, s1  }
0x212: {  	(v2sf) =	vpush v57, $0x2;
	s1 =	smin.f32 s21, s8;
	s31 =	spop (v2sf)  }
0x213: {  	s9 =	smin.f32 s3, s0;
	s11 =	smin.f32 s1, s18  }
0x214: {  	s18 =	sld [smem:$0x7EB];
	s16 =	spop (v2sf)  }
0x215: {  	(v2sf) =	vpush v57, $0x3;
	s9 =	smin.f32 s9, s11;
	s31 =	smin.f32 s13, s31  }
0x216: {  	s14 =	spop (v2sf);
	[dreg:$0xf] =	wrdreg s9  }
0x217: {  	s9 =	sld [smem:$0x7ED];
	s19 =	spop (v2sf)  }
0x218: {  	s18 =	smin.f32 s18, s22;
	s22 =	smin.f32 s30, s15  }
0x219: {  	(v2sf) =	vpush v57, $0x4;
	s14 =	smin.f32 s16, s14;
	s10 =	spop (v2sf)  }
0x21a: {  	(v2sf) =	vpush v57, $0x5;
	s8 =	spop (v2sf);
	s0 =	smin.f32 s9, s24  }
0x21b: {  	s10 =	smin.f32 s19, s10;
	s4 =	spop (v2sf)  }
0x21c: {  	(v2sf) =	vpush v57, $0x6;
	s0 =	smin.f32 s18, s0;
	s21 =	spop (v2sf)  }
0x21d: {  	(v2sf) =	vpush v57, $0x7;
	s10 =	smin.f32 s14, s10;
	s3 =	spop (v2sf)  }
0x21e: {  	(v2sf) =	vpush v57, $0x8;
	s4 =	smin.f32 s8, s4;
	s11 =	spop (v2sf)  }
0x21f: {  	(v2sf) =	vpush v57, $0x9;
	s3 =	smin.f32 s21, s3;
	[smem:$0x7F2] =	sst s11  }
0x220: {  	(v2sf) =	vpush v57, $0xA;
	s1 =	spop (v2sf);
	s4 =	smin.f32 s4, s3  }
0x221: {  	(v2sf) =	vpush v57, $0xB;
	[smem:$0x7F3] =	sst s1;
	s11 =	spop (v2sf)  }
0x222: {  	(v2sf) =	vpush v57, $0xC;
	s1 =	smin.f32 s22, s25;
	s22 =	sld [smem:$0x7EE]  }
0x223: {  	(v2sf) =	vpush v57, $0xD;
	s25 =	sld [smem:$0x7EF];
	s4 =	smin.f32 s10, s4  }
0x224: {  	v58 =	vmin.f32 v9, v11;
	(v2sf) =	vpush v57, $0xE;
	[smem:$0x7F4] =	sst s11;
	s24 =	spop (v2sf)  }
0x225: {  	v1 =	vmin.f32 v58, v33;
	(v2sf) =	vpush v57, $0xF;
	s11 =	smin.f32 s26, s12;
	s13 =	sld [smem:$0x7F3]  }
0x226: {  	(v2sf) =	vpush v1, $0x0;
	s0 =	smin.f32 s0, s1;
	[smem:$0x7F5] =	sst s24  }
0x227: {  	(v2sf) =	vpush v1, $0x1;
	s18 =	smin.f32 s11, s6;
	s11 =	sld [smem:$0x7F0]  }
0x228: {  	s30 =	spop (v2sf);
	s14 =	sld [smem:$0x7F4]  }
0x229: {  	(v2sf) =	vpush v1, $0x2;
	[smem:$0x7F6] =	sst s30;
	s24 =	spop (v2sf)  }
0x22a: {  	s0 =	smin.f32 s0, s18;
	s7 =	smin.f32 s22, s25  }
0x22b: {  	(v2sf) =	vpush v1, $0x3;
	s22 =	sld [smem:$0x7F1];
	s30 =	spop (v2sf)  }
0x22c: {  	[dreg:$0x10] =	wrdreg s0;
	s15 =	spop (v2sf)  }
0x22d: {  	s1 =	sld [smem:$0x7F6];
	s20 =	spop (v2sf)  }
0x22e: {  	(v2sf) =	vpush v1, $0x4;
	s0 =	smin.f32 s11, s23;
	s28 =	spop (v2sf)  }
0x22f: {  	(v2sf) =	vpush v1, $0x5;
	s17 =	smin.f32 s22, s17;
	s29 =	spop (v2sf)  }
0x230: {  	s0 =	smin.f32 s7, s0;
	s26 =	spop (v2sf)  }
0x231: {  	(v2sf) =	vpush v1, $0x6;
	s15 =	smin.f32 s30, s15;
	s12 =	spop (v2sf)  }
0x232: {  	s28 =	smin.f32 s20, s28;
	s9 =	spop (v2sf)  }
0x233: {  	(v2sf) =	vpush v1, $0x7;
	s29 =	smin.f32 s29, s26;
	s6 =	spop (v2sf)  }
0x234: {  	s28 =	smin.f32 s28, s29;
	s5 =	spop (v2sf)  }
0x235: {  	(v2sf) =	vpush v1, $0x8;
	s2 =	spop (v2sf);
	s6 =	smin.f32 s6, s5  }
0x236: {  	[smem:$0x7F7] =	sst s2;
	s18 =	spop (v2sf)  }
0x237: {  	(v2sf) =	vpush v1, $0x9;
	s2 =	smin.f32 s17, s31;
	[smem:$0x7F8] =	sst s18  }
0x238: {  	(v2sf) =	vpush v1, $0xA;
	s23 =	spop (v2sf);
	s18 =	sld [smem:$0x7F5]  }
0x239: {  	(v2sf) =	vpush v1, $0xB;
	s0 =	smin.f32 s0, s2;
	s5 =	sld [smem:$0x7F7]  }
0x23a: {  	(v2sf) =	vpush v1, $0xC;
	[smem:$0x7F9] =	sst s23;
	s25 =	spop (v2sf)  }
0x23b: {  	s0 =	smin.f32 s0, s4;
	s4 =	sld [smem:$0x7F2]  }
0x23c: {  	(v2sf) =	vpush v1, $0xD;
	s12 =	smin.f32 s12, s9;
	[smem:$0x7FA] =	sst s25  }
0x23d: {  	v59 =	vmin.f32 v4, v8;
	(v2sf) =	vpush v1, $0xE;
	s25 =	spop (v2sf);
	[dreg:$0x11] =	wrdreg s0  }
0x23e: {  	v0 =	vmin.f32 v59, v37;
	(v2sf) =	vpush v1, $0xF;
	s0 =	smin.f32 s12, s6;
	s22 =	spop (v2sf)  }
0x23f: {  	(v2sf) =	vpush v0, $0x0;
	s0 =	smin.f32 s28, s0;
	s28 =	sld [smem:$0x7F8]  }
0x240: {  	(v2sf) =	vpush v0, $0x1;
	s23 =	spop (v2sf);
	s2 =	smin.f32 s4, s13  }
0x241: {  	(v2sf) =	vpush v0, $0x2;
	s4 =	smin.f32 s14, s18;
	s13 =	smin.f32 s1, s24  }
0x242: {  	(v2sf) =	vpush v0, $0x3;
	s21 =	spop (v2sf);
	s2 =	smin.f32 s2, s4  }
0x243: {  	(v2sf) =	vpush v0, $0x4;
	s1 =	smin.f32 s13, s15;
	s4 =	sld [smem:$0x7FA]  }
0x244: {  	(v2sf) =	vpush v0, $0x5;
	s19 =	spop (v2sf);
	s1 =	smin.f32 s2, s1  }
0x245: {  	(v2sf) =	vpush v0, $0x6;
	s2 =	smin.f32 s5, s28;
	s23 =	smin.f32 s23, s21  }
0x246: {  	(v2sf) =	vpush v0, $0x7;
	s11 =	spop (v2sf);
	s0 =	smin.f32 s1, s0  }
0x247: {  	(v2sf) =	vpush v0, $0x8;
	s1 =	sld [smem:$0x7F9];
	s31 =	spop (v2sf)  }
0x248: {  	(v2sf) =	vpush v0, $0x9;
	[dreg:$0x12] =	wrdreg s0;
	s7 =	spop (v2sf)  }
0x249: {  	s11 =	smin.f32 s19, s11;
	(v2sf) =	vpush v0, $0xA;
	s8 =	spop (v2sf)  }
0x24a: {  	(v2sf) =	vpush v0, $0xB;
	s0 =	smin.f32 s1, s4;
	s1 =	smin.f32 s25, s22  }
0x24b: {  	s7 =	smin.f32 s31, s7;
	(v2sf) =	vpush v0, $0xC;
	s10 =	spop (v2sf)  }
0x24c: {  	s0 =	smin.f32 s2, s0;
	(v2sf) =	vpush v0, $0xD;
	s16 =	spop (v2sf)  }
0x24d: {  	v60 =	vmin.f32 v6, v7;
	s1 =	smin.f32 s1, s23;
	(v2sf) =	vpush v0, $0xE;
	s17 =	spop (v2sf)  }
0x24e: {  	v1 =	vmin.f32 v60, v18;
	s7 =	smin.f32 s11, s7;
	(v2sf) =	vpush v0, $0xF;
	s3 =	spop (v2sf)  }
0x24f: {  	s8 =	smin.f32 s8, s10;
	(v2sf) =	vpush v1, $0x0;
	s24 =	spop (v2sf)  }
0x250: {  	s0 =	smin.f32 s0, s1;
	(v2sf) =	vpush v1, $0x1;
	s30 =	spop (v2sf)  }
0x251: {  	s31 =	smin.f32 s16, s17;
	(v2sf) =	vpush v1, $0x2;
	s18 =	spop (v2sf)  }
0x252: {  	s10 =	smin.f32 s8, s31;
	(v2sf) =	vpush v1, $0x3;
	s26 =	spop (v2sf)  }
0x253: {  	[smem:$0x7FB] =	sst s24;
	(v2sf) =	vpush v1, $0x4;
	s14 =	spop (v2sf)  }
0x254: {  	s31 =	smin.f32 s7, s10;
	(v2sf) =	vpush v1, $0x5;
	s24 =	spop (v2sf)  }
0x255: {  	s2 =	sld [smem:$0x7FB];
	(v2sf) =	vpush v1, $0x6;
	s20 =	spop (v2sf)  }
0x256: {  	s0 =	smin.f32 s0, s31;
	(v2sf) =	vpush v1, $0x7;
	s15 =	spop (v2sf)  }
0x257: {  	[dreg:$0x13] =	wrdreg s0;
	(v2sf) =	vpush v1, $0x8;
	s13 =	spop (v2sf)  }
0x258: {  	s0 =	smin.f32 s3, s2;
	(v2sf) =	vpush v1, $0x9;
	s12 =	spop (v2sf)  }
0x259: {  	s2 =	smin.f32 s30, s18;
	(v2sf) =	vpush v1, $0xA;
	s9 =	spop (v2sf)  }
0x25a: {  	s31 =	smin.f32 s26, s14;
	(v2sf) =	vpush v1, $0xB;
	s29 =	spop (v2sf)  }
0x25b: {  	s0 =	smin.f32 s0, s2;
	(v2sf) =	vpush v1, $0xC;
	s6 =	spop (v2sf)  }
0x25c: {  	s14 =	smin.f32 s24, s20;
	(v2sf) =	vpush v1, $0xD;
	s5 =	spop (v2sf)  }
0x25d: {  	s31 =	smin.f32 s31, s14;
	(v2sf) =	vpush v1, $0xE;
	s4 =	spop (v2sf)  }
0x25e: {  	v61 =	vmin.f32 v5, v34;
	s15 =	smin.f32 s15, s13;
	(v2sf) =	vpush v1, $0xF;
	s28 =	spop (v2sf)  }
0x25f: {  	s0 =	smin.f32 s0, s31;
	(v2sf) =	vpush v61, $0x0;
	s25 =	spop (v2sf)  }
0x260: {  	[smem:$0x7FC] =	sst s28;
	(v2sf) =	vpush v61, $0x1;
	s28 =	spop (v2sf)  }
0x261: {  	s9 =	smin.f32 s12, s9;
	(v2sf) =	vpush v61, $0x2;
	s21 =	spop (v2sf)  }
0x262: {  	s9 =	smin.f32 s15, s9;
	(v2sf) =	vpush v61, $0x3;
	s22 =	spop (v2sf)  }
0x263: {  	s24 =	smin.f32 s29, s6;
	(v2sf) =	vpush v61, $0x4;
	s16 =	spop (v2sf)  }
0x264: {  	s4 =	smin.f32 s5, s4;
	(v2sf) =	vpush v61, $0x5;
	s17 =	spop (v2sf)  }
0x265: {  	s12 =	smin.f32 s24, s4;
	(v2sf) =	vpush v61, $0x6;
	s19 =	spop (v2sf)  }
0x266: {  	s12 =	smin.f32 s9, s12;
	(v2sf) =	vpush v61, $0x7;
	s23 =	spop (v2sf)  }
0x267: {  	s24 =	sld [smem:$0x7FC];
	(v2sf) =	vpush v61, $0x8;
	s8 =	spop (v2sf)  }
0x268: {  	s31 =	smin.f32 s0, s12;
	(v2sf) =	vpush v61, $0x9;
	s11 =	spop (v2sf)  }
0x269: {  	s21 =	smin.f32 s28, s21;
	(v2sf) =	vpush v61, $0xA;
	s7 =	spop (v2sf)  }
0x26a: {  	s24 =	smin.f32 s24, s25;
	(v2sf) =	vpush v61, $0xB;
	s10 =	spop (v2sf)  }
0x26b: {  	s16 =	smin.f32 s22, s16;
	(v2sf) =	vpush v61, $0xC;
	s3 =	spop (v2sf)  }
0x26c: {  	s21 =	smin.f32 s24, s21;
	(v2sf) =	vpush v61, $0xD;
	s18 =	spop (v2sf)  }
0x26d: {  	v62 =	vmin.f32 v2, v3;
	s17 =	smin.f32 s17, s19;
	(v2sf) =	vpush v61, $0xE;
	s1 =	spop (v2sf)  }
0x26e: {  	v1 =	vmin.f32 v62, v40;
	s16 =	smin.f32 s16, s17;
	(v2sf) =	vpush v61, $0xF;
	s30 =	spop (v2sf)  }
0x26f: {  	s8 =	smin.f32 s23, s8;
	(v2sf) =	vpush v1, $0x0;
	s20 =	spop (v2sf)  }
0x270: {  	[smem:$0x7FD] =	sst s30;
	(v2sf) =	vpush v1, $0x1;
	s30 =	spop (v2sf)  }
0x271: {  	s16 =	smin.f32 s21, s16;
	(v2sf) =	vpush v1, $0x2;
	s26 =	spop (v2sf)  }
0x272: {  	s7 =	smin.f32 s11, s7;
	(v2sf) =	vpush v1, $0x3;
	s13 =	spop (v2sf)  }
0x273: {  	s7 =	smin.f32 s8, s7;
	(v2sf) =	vpush v1, $0x4;
	s6 =	spop (v2sf)  }
0x274: {  	s3 =	smin.f32 s10, s3;
	(v2sf) =	vpush v1, $0x5;
	s29 =	spop (v2sf)  }
0x275: {  	s1 =	smin.f32 s18, s1;
	(v2sf) =	vpush v1, $0x6;
	s5 =	spop (v2sf)  }
0x276: {  	s1 =	smin.f32 s3, s1;
	(v2sf) =	vpush v1, $0x7;
	s14 =	spop (v2sf)  }
0x277: {  	s1 =	smin.f32 s7, s1;
	(v2sf) =	vpush v1, $0x8;
	s4 =	spop (v2sf)  }
0x278: {  	s1 =	smin.f32 s16, s1;
	(v2sf) =	vpush v1, $0x9;
	s15 =	spop (v2sf)  }
0x279: {  	s16 =	rddreg [dreg:$0x8];
	(v2sf) =	vpush v1, $0xA;
	s0 =	spop (v2sf)  }
0x27a: {  	s6 =	smin.f32 s13, s6;
	(v2sf) =	vpush v1, $0xB;
	s25 =	spop (v2sf)  }
0x27b: {  	s5 =	smin.f32 s29, s5;
	(v2sf) =	vpush v1, $0xC;
	s2 =	spop (v2sf)  }
0x27c: {  	s29 =	rddreg [dreg:$0x13];
	(v2sf) =	vpush v1, $0xD;
	s9 =	spop (v2sf)  }
0x27d: {  	s5 =	smin.f32 s6, s5;
	(v2sf) =	vpush v1, $0xE;
	s12 =	spop (v2sf)  }
0x27e: {  	s4 =	smin.f32 s14, s4;
	(v2sf) =	vpush v1, $0xF;
	s19 =	spop (v2sf)  }
0x27f: {  	s0 =	smin.f32 s15, s0;
	s11 =	spop (v2sf)  }
0x280: {  	s0 =	smin.f32 s4, s0;
	s10 =	spop (v2sf)  }
0x281: {  	s2 =	smin.f32 s25, s2;
	s28 =	spop (v2sf)  }
0x282: {  	s25 =	rddreg [dreg:$0x11];
	s22 =	spop (v2sf)  }
0x283: {  	s9 =	smin.f32 s9, s12;
	s17 =	spop (v2sf)  }
0x284: {  	s2 =	smin.f32 s2, s9;
	s8 =	spop (v2sf)  }
0x285: {  	s11 =	smin.f32 s19, s11;
	s23 =	spop (v2sf)  }
0x286: {  	s0 =	smin.f32 s0, s2;
	s21 =	spop (v2sf)  }
0x287: {  	s10 =	smin.f32 s10, s28;
	s24 =	spop (v2sf)  }
0x288: {  	s10 =	smin.f32 s11, s10;
	s19 =	spop (v2sf)  }
0x289: {  	s17 =	smin.f32 s22, s17;
	s28 =	spop (v2sf)  }
0x28a: {  	s3 =	smin.f32 s8, s23;
	s22 =	spop (v2sf)  }
0x28b: {  	s3 =	smin.f32 s17, s3;
	s23 =	spop (v2sf)  }
0x28c: {  	s7 =	smin.f32 s21, s24;
	s24 =	spop (v2sf)  }
0x28d: {  	s18 =	smin.f32 s19, s28;
	s28 =	spop (v2sf)  }
0x28e: {  	s8 =	smin.f32 s22, s23;
	s19 =	smin.f32 s24, s28  }
0x28f: {  	s7 =	smin.f32 s7, s18;
	s8 =	smin.f32 s8, s19  }
0x290: {  	s3 =	smin.f32 s10, s3;
	s7 =	smin.f32 s7, s8  }
0x291: {  	s17 =	rddreg [dreg:$0x9];
	s3 =	smin.f32 s3, s7  }
0x292: {  	s10 =	sld [smem:$0x7FD];
	s3 =	smax.f32 s3, $0.0e+00  }
0x293: {  	s18 =	rddreg [dreg:$0xa];
	v63 =	vmov s3;
	s3 =	smax.f32 s16, $0.0e+00  }
0x294: {  	s19 =	rddreg [dreg:$0xb];
	v0 =	vsel vm0, s3, v63;
	s3 =	smax.f32 s17, $0.0e+00  }
0x295: {  	s7 =	smin.f32 s10, s20;
	v0 =	vsel vm1, s3, v0;
	s3 =	smax.f32 s18, $0.0e+00  }
0x296: {  	s20 =	rddreg [dreg:$0xc];
	v0 =	vsel vm2, s3, v0;
	s3 =	smax.f32 s19, $0.0e+00  }
0x297: {  	s21 =	rddreg [dreg:$0xd];
	v0 =	vsel vm3, s3, v0;
	s3 =	smax.f32 s20, $0.0e+00  }
0x298: {  	s22 =	rddreg [dreg:$0xe];
	v0 =	vsel vm4, s3, v0;
	s3 =	smax.f32 s21, $0.0e+00  }
0x299: {  	s23 =	rddreg [dreg:$0xf];
	v0 =	vsel vm5, s3, v0;
	s3 =	smax.f32 s22, $0.0e+00  }
0x29a: {  	s24 =	rddreg [dreg:$0x10];
	v0 =	vsel vm6, s3, v0;
	s3 =	smax.f32 s23, $0.0e+00  }
0x29b: {  	s11 =	smin.f32 s30, s26;
	v0 =	vsel vm7, s3, v0;
	s3 =	smax.f32 s24, $0.0e+00  }
0x29c: {  	s26 =	rddreg [dreg:$0x12];
	v0 =	vsel vm8, s3, v0;
	s3 =	smax.f32 s25, $0.0e+00  }
0x29d: {  	s30 =	smax.f32 s31, $0.0e+00;
	v0 =	vsel vm9, s3, v0;
	s3 =	smax.f32 s26, $0.0e+00  }
0x29e: {  	s7 =	smin.f32 s7, s11;
	v0 =	vsel vm10, s3, v0;
	s3 =	smax.f32 s29, $0.0e+00  }
.Ltmp3:
0x29f: {  	s28 =	smin.f32 s7, s5;
	v0 =	vsel vm11, s3, v0;
	(pc) =	sbr.rel @p0 .LBB2_4-.Ltmp3, $4  }
0x2a0: {  	s1 =	smax.f32 s1, $0.0e+00;
	s0 =	smin.f32 s28, s0;
	v0 =	vsel vm12, s30, v0  }
0x2a1: {  	s0 =	smax.f32 s0, $0.0e+00;
	v0 =	vsel vm13, s1, v0  }
0x2a2: {  	s31 =	rddreg [dreg:$0x7];
	v0 =	vsel vm14, s0, v0  }
0x2a3: {  	p1 =	por $0x0, $0x0;
	s0 =	simm.s32 $0x10;
	[tilespmem:s31+$0x4800] =	vst v0  }
0x2a4: {  	s7 =	simm.s32 $0x0;
	s0 =	rddreg [dreg:$0x3];
	s1 =	simm.s32 $0x4800  }
0x2a5: {  	[hbm4b:s0+s7] =	stream.linear.scatter [tilespmem:s1], [sflag:$0x1], $0x20, $0x38;
	[tilespmem:$0x5080] =	vst v63  }
0x2a6: {  	s1 =	simm.s32 $0x1  }
0x2a7: {  	_ =	swait.ge [sflag:s1], $0x20  }
0x2a8: {  	s2 =	simm.s32 $0x80;
	s3 =	simm.s32 $0x400;
	[sflag:s1] =	ssyncset.done $0x0  }
0x2a9: {  	s4 =	simm.s32 $0x4000;
	s29 =	rddreg [dreg:$0x4];
	[sflag:s1] =	ssyncadd.s32 $0xFFFFFFE0  }
0x2aa: {  	[hbm4b:s29+s2] =	stream.strided.scatter [tilespmem:s4], [sflag:$0x1], $0x800, s3, s2, $0x38;
	[tilespmem:$0x5080] =	vst v63  }
0x2ab: {  	_ =	swait.ge [sflag:s1], $0x800  }
0x2ac: {  	s30 =	rddreg [dreg:$0x6]  }
0x2ad: {  	s31 =	rddreg [dreg:$0x5];
	s2 =	sadd.s32 $0x1, s30  }
0x2ae: {  	p0 =	sne.s32 s2, s31  }
.Ltmp4:
0x2af: {  	_ = 	snop;
	(pc) =	sbr.rel @p0 .LBB2_1-.Ltmp4, $3  }
0x2b0: {  	_ =	sdelay $0x1  }
0x2b1: {  	[sflag:s1] =	ssyncset.done $0x0  }
0x2b2: {  	v0 =	vimm.f32 $3.000000010e+38;
	[sflag:s1] =	ssyncadd.s32 $0xFFFFF800  }
0x2b3: {  	_ =	sfence.sel $0x180000  }
0x2b4: {  	[bflag:$0x0] =	sbarrier.arrive $0xFFFF  }
0x2b5: {  	_ =	strace $0x90000047  }
0x2b6: {  	s0 =	stileid.u32;
	[bflag:$0x2] =	sbarrier.arrive $0xFFFF  }
0x2b7: {  	p0 =	sne.s32 s0, $0x0;
	s0 =	rddreg [dreg:$0x1]  }
0x2b8: {  	s0 =	sadd.s32 @!p0 $0x100000, s0  }
0x2b9: {  	[sflag:s0] =	ssyncadd.tile.s32 @!p0 $0x1;
	_ =	shalt  }
.Lfunc_end2:
_tile_overlayer_lowered:
.L_overlay_start_2:
0x2ba: {  	(tag) =	ssettag $0x2  }
0x2bb: {  	s0 =	rddreg [dreg:$0x0];
	s2 =	stileid.u32  }
0x2bc: {  	s1 =	rddreg [dreg:$0x1];
	p0 =	sne.s32 s2, $0x0  }
0x2bd: {  	s3 =	rddreg [dreg:$0x2];
	[bflag:$0x3] =	sbarrier.arrive $0xFFFF;
	s2 =	simm.s32 @!p0 $0x1C01  }
0x2be: {  	[timem:s3], [sflag:s2] =	dma.local @!p0 [hbm:s0], s1  }
0x2bf: {  	s0 =	simm.s32 @!p0 $0x1  }
0x2c0: {  	_ =	swait.ge @!p0 [sflag:s0], s1  }
0x2c1: {  	s1 =	ssub.s32 @!p0 $0x0, s1;
	[sflag:s0] =	ssyncset.done @!p0 $0x0  }
0x2c2: {  	[sflag:s0] =	ssyncadd.s32 @!p0 s1  }
0x2c3: {  	[bflag:$0x3] =	sbarrier.arrive $0xFFFF  }
0x2c4: {  	_ =	shalt  }

</sc_bundles>
